<compile_context>
chip_gen: v7x
topology: tpu7x:2x2x1
jax: 0.10.2.dev20260603
libtpu: 0.0.44.dev20260713+nightly
codegen_flags: <defaults>
</compile_context>

<pallas_src>
import functools

import jax
import jax.numpy as jnp
from jax import lax
from jax.experimental import pallas as pl
from jax.experimental.pallas import tpu as pltpu
from jax.experimental.pallas import tpu_sc as plsc

N_ROWS = 16384
N_MEM = 100000
D = 128
_L = 16
_NW = 32
_B_W = N_ROWS // _NW
_CH = 128
_NCH = _B_W // _CH
_PCH = 2048
_P = 8
_KS = N_ROWS // _P


def _norm_body(val_ref, out_ref):
    v = val_ref[...] * (1.0 / 255.0)
    mean = jnp.mean(v, axis=0, keepdims=True)
    mn = jnp.min(v, axis=0, keepdims=True)
    mx = jnp.max(v, axis=0, keepdims=True)
    out_ref[...] = (v - mean) / jnp.abs(mx - mn)


def _normalize(val):
    return pl.pallas_call(
        _norm_body,
        out_shape=jax.ShapeDtypeStruct((N_ROWS, D), jnp.float32),
    )(val)


_mesh = plsc.VectorSubcoreMesh(core_axis_name="c", subcore_axis_name="s")


@functools.partial(
    pl.kernel,
    mesh=_mesh,
    out_type=jax.ShapeDtypeStruct((_P, N_ROWS), jnp.int32),
    compiler_params=pltpu.CompilerParams(needs_layout_passes=False),
    scratch_types=[
        pltpu.VMEM((N_ROWS,), jnp.int32),
        pltpu.VMEM((2, _PCH), jnp.int32),
        pltpu.VMEM((N_MEM,), jnp.int32),
        pltpu.SemaphoreType.DMA,
        pltpu.SemaphoreType.DMA,
    ],
)
def _sc_pos(idx_hbm, pos_hbm, idx_v, pos_b, table_v, ws0, ws1):
    c = lax.axis_index("c")
    s = lax.axis_index("s")
    p = c * (_P // 2) + s

    @pl.when(s < _P // 2)
    def _():
        pltpu.sync_copy(idx_hbm, idx_v)
        lane = lax.iota(jnp.int32, _L)
        kbase = p * _KS
        zero_v = jnp.zeros((_L,), jnp.int32)

        def init_body(j, carry):
            for u in range(8):
                st = pl.multiple_of((j * 8 + u) * _L, _L)
                plsc.store_scatter(table_v, [idx_v[pl.ds(st, _L)]], zero_v)
            return carry

        lax.fori_loop(0, N_ROWS // _L // 8, init_body, None)

        lane_next = jnp.minimum(lane + 1, _L - 1)

        def scat_body(g, carry):
            for u in range(2):
                st = pl.multiple_of(kbase + (g * 2 + u) * _L, _L)
                iv = idx_v[pl.ds(st, _L)]
                key = (iv << 14) | (lane + st)
                skey = lax.sort(key)
                nxt = skey.at[lane_next].get(mode="promise_in_bounds")
                keep = ((skey >> 14) != (nxt >> 14)) | (lane == _L - 1)
                plsc.store_scatter(
                    table_v, [skey >> 14], skey & 0x3FFF, mask=keep)
            return carry

        lax.fori_loop(0, _KS // _L // 2, scat_body, None)

        wsem = (ws0, ws1)
        wh = [None] * (N_ROWS // _PCH)
        for ci in range(N_ROWS // _PCH):
            b = ci & 1
            if ci >= 2:
                wh[ci - 2].wait()

            def lk_body(j, inner, ci=ci, b=b):
                for u in range(8):
                    st2 = pl.multiple_of(
                        ci * _PCH + (j * 8 + u) * _L, _L)
                    iv = idx_v[pl.ds(st2, _L)]
                    dst = pl.multiple_of((j * 8 + u) * _L, _L)
                    pos_b[b, pl.ds(dst, _L)] = plsc.load_gather(
                        table_v, [iv])
                return inner

            lax.fori_loop(0, _PCH // _L // 8, lk_body, None)
            wh[ci] = pltpu.async_copy(
                pos_b.at[b], pos_hbm.at[p, pl.ds(ci * _PCH, _PCH)],
                wsem[b])
        wh[-2].wait()
        wh[-1].wait()


@functools.partial(
    pl.kernel,
    mesh=_mesh,
    out_type=jax.ShapeDtypeStruct((N_ROWS, D), jnp.float32),
    compiler_params=pltpu.CompilerParams(needs_layout_passes=False),
    scratch_types=[
        pltpu.VMEM((_P, _B_W), jnp.int32),
        pltpu.VMEM((_B_W,), jnp.int32),
        pltpu.VMEM((_NCH, _CH, D), jnp.float32),
        pltpu.SemaphoreType.DMA,
        pltpu.SemaphoreType.DMA,
        pltpu.SemaphoreType.DMA,
        pltpu.SemaphoreType.DMA,
        pltpu.SemaphoreType.DMA,
        pltpu.SemaphoreType.DMA,
        pltpu.SemaphoreType.DMA,
    ],
)
def _sc_gather(pos_hbm, vn_hbm, out_hbm, pos_v, posm_v, rows_v,
               ps, gs0, gs1, gs2, gs3, ws0, ws1):
    c = lax.axis_index("c")
    s = lax.axis_index("s")
    wid = s * 2 + c
    base = wid * _B_W
    ph = [
        pltpu.async_copy(pos_hbm.at[p, pl.ds(base, _B_W)], pos_v.at[p], ps)
        for p in range(_P)
    ]
    for h in ph:
        h.wait()

    def merge_body(j, carry):
        dst = pl.multiple_of(j * _L, _L)
        m = pos_v[0, pl.ds(dst, _L)]
        for p in range(1, _P):
            m = jnp.maximum(m, pos_v[p, pl.ds(dst, _L)])
        posm_v[pl.ds(dst, _L)] = m
        return carry

    lax.fori_loop(0, _B_W // _L, merge_body, None)

    gsem = (gs0, gs1, gs2, gs3)
    wsem = (ws0, ws1)

    hg = [
        pltpu.async_copy(
            vn_hbm.at[posm_v.at[pl.ds(j * _CH, _CH)]], rows_v.at[j],
            gsem[j])
        for j in range(_NCH)
    ]
    hw = []
    for j in range(_NCH):
        hg[j].wait()
        hw.append(pltpu.async_copy(
            rows_v.at[j], out_hbm.at[pl.ds(base + j * _CH, _CH)],
            wsem[j & 1]))
    for h in hw:
        h.wait()


def kernel(mem, val, idx):
    del mem
    idx32 = idx.astype(jnp.int32)
    vn = _normalize(val)
    pos = _sc_pos(idx32)
    out = _sc_gather(pos, vn)
    return out

# --- scband reference (transcript-rebuilt; emitter-appended) ---
"""Pipeline reference for scband-dummy-model-27006754357677 (READ-ONLY COPY).

The authoritative reference and input builder live on the scoring server;
editing this copy changes nothing except your own understanding.
"""

import jax, jax.numpy as jnp
import numpy as np


def setup_inputs(seed: int = 0) -> dict:
    key = jax.random.key(seed)
    k1, k2, k3 = jax.random.split(key, 3)
    mem = jax.random.normal(k1, (100000, 128), dtype=jnp.float32)
    val = jax.random.normal(k2, (16384, 128), dtype=jnp.float32)
    idx = jax.random.randint(k3, (16384,), 0, 100000, dtype=jnp.int32).astype(jnp.int64)
    return {"mem": mem, "val": val, "idx": idx}


def _normalize(data):
    # Faithful port of the module's normalize_data: (x - mean) / |max - min| per column
    means = jnp.mean(data, axis=0)
    mins = jnp.min(data, axis=0)
    maxs = jnp.max(data, axis=0)
    return (data - means) / jnp.abs(maxs - mins)


def reference(mem, val, idx):
    # encode(): incoming values scaled by 1/255, measurements normalized per-column,
    # then scatter-written into the persistent memory table at the new indices
    # (new_metadata[new_inds, :] = measurements[...]).
    v = val * (1.0 / 255.0)
    vn = _normalize(v)
    mem2 = mem.at[idx].set(vn)
    # decode(): gather rows of the stored memory back out by index
    # (return self.images[im_indices]).
    out = mem2[idx]
    return out

if __name__ == "__main__":
    import jax
    _d = setup_inputs()
    print(jax.jit(kernel)(*tuple(_d.values())))

</pallas_src>

<mosaic_0001>
#map = affine_map<(d0, d1) -> (0, 0)>
module attributes {stable_mosaic.version = 14 : i64} {
  func.func @_sc_gather(%arg0: i32, %arg1: i32, %arg2: memref<8x16384xi32, #tpu.memory_space<hbm>>, %arg3: memref<16384x128xf32, #tpu.memory_space<hbm>>, %arg4: memref<16384x128xf32, #tpu.memory_space<hbm>>, %arg5: memref<8x512xi32, #tpu.memory_space<vmem>>, %arg6: memref<512xi32, #tpu.memory_space<vmem>>, %arg7: memref<4x128x128xf32, #tpu.memory_space<vmem>>, %arg8: memref<!tpu.dma_semaphore, #tpu.memory_space<semaphore_mem>>, %arg9: memref<!tpu.dma_semaphore, #tpu.memory_space<semaphore_mem>>, %arg10: memref<!tpu.dma_semaphore, #tpu.memory_space<semaphore_mem>>, %arg11: memref<!tpu.dma_semaphore, #tpu.memory_space<semaphore_mem>>, %arg12: memref<!tpu.dma_semaphore, #tpu.memory_space<semaphore_mem>>, %arg13: memref<!tpu.dma_semaphore, #tpu.memory_space<semaphore_mem>>, %arg14: memref<!tpu.dma_semaphore, #tpu.memory_space<semaphore_mem>>) attributes {dimension_semantics = [#tpu.dimension_semantics<core_parallel>, #tpu.dimension_semantics<subcore_parallel>], iteration_bounds = array<i64: 2, 16>, scalar_prefetch = 0 : i64, scratch_operands = 10 : i64, tpu.core_type = #tpu.core_type<sc_vector_subcore>, window_params = [{transform_indices = #map}, {transform_indices = #map}, {transform_indices = #map}]} {
    %mul3A = arith.constant 2 : i32
    %mul3A_0 = arith.muli %arg1, %mul3A : i32
    %add3A = arith.addi %mul3A_0, %arg0 : i32
    %mul3A_1 = arith.constant 512 : i32
    %mul3A_2 = arith.muli %add3A, %mul3A_1 : i32
    %dma_start3A = arith.constant 0 : i32
    %dma_start3A_3 = arith.constant 0 : i32
    %dma_start3A_4 = arith.constant 0 : i32
    %dma_start3A_5 = tpu.memref_slice %arg5[%dma_start3A_3, %dma_start3A_4] : memref<8x512xi32, #tpu.memory_space<vmem>> -> memref<1x512xi32, #tpu.memory_space<vmem>>
    %dma_start3A_6 = tpu.memref_squeeze %dma_start3A_5 : memref<1x512xi32, #tpu.memory_space<vmem>> -> memref<512xi32, #tpu.memory_space<vmem>>
    %dma_start3A_7 = tpu.memref_slice %arg2[%dma_start3A, %mul3A_2] : memref<8x16384xi32, #tpu.memory_space<hbm>> -> memref<1x512xi32, #tpu.memory_space<hbm>>
    %dma_start3A_8 = tpu.memref_squeeze %dma_start3A_7 : memref<1x512xi32, #tpu.memory_space<hbm>> -> memref<512xi32, #tpu.memory_space<hbm>>
    %dma_start3A_9 = arith.constant 0 : i32
    %dma_start3A_10 = tpu.memref_slice %arg5[%dma_start3A_3, %dma_start3A_9] : memref<8x512xi32, #tpu.memory_space<vmem>> -> memref<1x512xi32, #tpu.memory_space<vmem>>
    %dma_start3A_11 = tpu.memref_squeeze %dma_start3A_10 : memref<1x512xi32, #tpu.memory_space<vmem>> -> memref<512xi32, #tpu.memory_space<vmem>>
    %dma_start3A_12 = tpu.memref_slice %arg2[%dma_start3A, %mul3A_2] : memref<8x16384xi32, #tpu.memory_space<hbm>> -> memref<1x512xi32, #tpu.memory_space<hbm>>
    %dma_start3A_13 = tpu.memref_squeeze %dma_start3A_12 : memref<1x512xi32, #tpu.memory_space<hbm>> -> memref<512xi32, #tpu.memory_space<hbm>>
    tpu.enqueue_dma source(%dma_start3A_13 : memref<512xi32, #tpu.memory_space<hbm>>) target(%dma_start3A_11 : memref<512xi32, #tpu.memory_space<vmem>>) target_semaphore(%arg8 : memref<!tpu.dma_semaphore, #tpu.memory_space<semaphore_mem>>)
    %dma_start3A_14 = arith.constant 1 : i32
    %dma_start3A_15 = arith.constant 1 : i32
    %dma_start3A_16 = arith.constant 0 : i32
    %dma_start3A_17 = tpu.memref_slice %arg5[%dma_start3A_15, %dma_start3A_16] : memref<8x512xi32, #tpu.memory_space<vmem>> -> memref<1x512xi32, #tpu.memory_space<vmem>>
    %dma_start3A_18 = tpu.memref_squeeze %dma_start3A_17 : memref<1x512xi32, #tpu.memory_space<vmem>> -> memref<512xi32, #tpu.memory_space<vmem>>
    %dma_start3A_19 = tpu.memref_slice %arg2[%dma_start3A_14, %mul3A_2] : memref<8x16384xi32, #tpu.memory_space<hbm>> -> memref<1x512xi32, #tpu.memory_space<hbm>>
    %dma_start3A_20 = tpu.memref_squeeze %dma_start3A_19 : memref<1x512xi32, #tpu.memory_space<hbm>> -> memref<512xi32, #tpu.memory_space<hbm>>
    %dma_start3A_21 = arith.constant 0 : i32
    %dma_start3A_22 = tpu.memref_slice %arg5[%dma_start3A_15, %dma_start3A_21] : memref<8x512xi32, #tpu.memory_space<vmem>> -> memref<1x512xi32, #tpu.memory_space<vmem>>
    %dma_start3A_23 = tpu.memref_squeeze %dma_start3A_22 : memref<1x512xi32, #tpu.memory_space<vmem>> -> memref<512xi32, #tpu.memory_space<vmem>>
    %dma_start3A_24 = tpu.memref_slice %arg2[%dma_start3A_14, %mul3A_2] : memref<8x16384xi32, #tpu.memory_space<hbm>> -> memref<1x512xi32, #tpu.memory_space<hbm>>
    %dma_start3A_25 = tpu.memref_squeeze %dma_start3A_24 : memref<1x512xi32, #tpu.memory_space<hbm>> -> memref<512xi32, #tpu.memory_space<hbm>>
    tpu.enqueue_dma source(%dma_start3A_25 : memref<512xi32, #tpu.memory_space<hbm>>) target(%dma_start3A_23 : memref<512xi32, #tpu.memory_space<vmem>>) target_semaphore(%arg8 : memref<!tpu.dma_semaphore, #tpu.memory_space<semaphore_mem>>)
    %dma_start3A_26 = arith.constant 2 : i32
    %dma_start3A_27 = arith.constant 2 : i32
    %dma_start3A_28 = arith.constant 0 : i32
    %dma_start3A_29 = tpu.memref_slice %arg5[%dma_start3A_27, %dma_start3A_28] : memref<8x512xi32, #tpu.memory_space<vmem>> -> memref<1x512xi32, #tpu.memory_space<vmem>>
    %dma_start3A_30 = tpu.memref_squeeze %dma_start3A_29 : memref<1x512xi32, #tpu.memory_space<vmem>> -> memref<512xi32, #tpu.memory_space<vmem>>
    %dma_start3A_31 = tpu.memref_slice %arg2[%dma_start3A_26, %mul3A_2] : memref<8x16384xi32, #tpu.memory_space<hbm>> -> memref<1x512xi32, #tpu.memory_space<hbm>>
    %dma_start3A_32 = tpu.memref_squeeze %dma_start3A_31 : memref<1x512xi32, #tpu.memory_space<hbm>> -> memref<512xi32, #tpu.memory_space<hbm>>
    %dma_start3A_33 = arith.constant 0 : i32
    %dma_start3A_34 = tpu.memref_slice %arg5[%dma_start3A_27, %dma_start3A_33] : memref<8x512xi32, #tpu.memory_space<vmem>> -> memref<1x512xi32, #tpu.memory_space<vmem>>
    %dma_start3A_35 = tpu.memref_squeeze %dma_start3A_34 : memref<1x512xi32, #tpu.memory_space<vmem>> -> memref<512xi32, #tpu.memory_space<vmem>>
    %dma_start3A_36 = tpu.memref_slice %arg2[%dma_start3A_26, %mul3A_2] : memref<8x16384xi32, #tpu.memory_space<hbm>> -> memref<1x512xi32, #tpu.memory_space<hbm>>
    %dma_start3A_37 = tpu.memref_squeeze %dma_start3A_36 : memref<1x512xi32, #tpu.memory_space<hbm>> -> memref<512xi32, #tpu.memory_space<hbm>>
    tpu.enqueue_dma source(%dma_start3A_37 : memref<512xi32, #tpu.memory_space<hbm>>) target(%dma_start3A_35 : memref<512xi32, #tpu.memory_space<vmem>>) target_semaphore(%arg8 : memref<!tpu.dma_semaphore, #tpu.memory_space<semaphore_mem>>)
    %dma_start3A_38 = arith.constant 3 : i32
    %dma_start3A_39 = arith.constant 3 : i32
    %dma_start3A_40 = arith.constant 0 : i32
    %dma_start3A_41 = tpu.memref_slice %arg5[%dma_start3A_39, %dma_start3A_40] : memref<8x512xi32, #tpu.memory_space<vmem>> -> memref<1x512xi32, #tpu.memory_space<vmem>>
    %dma_start3A_42 = tpu.memref_squeeze %dma_start3A_41 : memref<1x512xi32, #tpu.memory_space<vmem>> -> memref<512xi32, #tpu.memory_space<vmem>>
    %dma_start3A_43 = tpu.memref_slice %arg2[%dma_start3A_38, %mul3A_2] : memref<8x16384xi32, #tpu.memory_space<hbm>> -> memref<1x512xi32, #tpu.memory_space<hbm>>
    %dma_start3A_44 = tpu.memref_squeeze %dma_start3A_43 : memref<1x512xi32, #tpu.memory_space<hbm>> -> memref<512xi32, #tpu.memory_space<hbm>>
    %dma_start3A_45 = arith.constant 0 : i32
    %dma_start3A_46 = tpu.memref_slice %arg5[%dma_start3A_39, %dma_start3A_45] : memref<8x512xi32, #tpu.memory_space<vmem>> -> memref<1x512xi32, #tpu.memory_space<vmem>>
    %dma_start3A_47 = tpu.memref_squeeze %dma_start3A_46 : memref<1x512xi32, #tpu.memory_space<vmem>> -> memref<512xi32, #tpu.memory_space<vmem>>
    %dma_start3A_48 = tpu.memref_slice %arg2[%dma_start3A_38, %mul3A_2] : memref<8x16384xi32, #tpu.memory_space<hbm>> -> memref<1x512xi32, #tpu.memory_space<hbm>>
    %dma_start3A_49 = tpu.memref_squeeze %dma_start3A_48 : memref<1x512xi32, #tpu.memory_space<hbm>> -> memref<512xi32, #tpu.memory_space<hbm>>
    tpu.enqueue_dma source(%dma_start3A_49 : memref<512xi32, #tpu.memory_space<hbm>>) target(%dma_start3A_47 : memref<512xi32, #tpu.memory_space<vmem>>) target_semaphore(%arg8 : memref<!tpu.dma_semaphore, #tpu.memory_space<semaphore_mem>>)
    %dma_start3A_50 = arith.constant 4 : i32
    %dma_start3A_51 = arith.constant 4 : i32
    %dma_start3A_52 = arith.constant 0 : i32
    %dma_start3A_53 = tpu.memref_slice %arg5[%dma_start3A_51, %dma_start3A_52] : memref<8x512xi32, #tpu.memory_space<vmem>> -> memref<1x512xi32, #tpu.memory_space<vmem>>
    %dma_start3A_54 = tpu.memref_squeeze %dma_start3A_53 : memref<1x512xi32, #tpu.memory_space<vmem>> -> memref<512xi32, #tpu.memory_space<vmem>>
    %dma_start3A_55 = tpu.memref_slice %arg2[%dma_start3A_50, %mul3A_2] : memref<8x16384xi32, #tpu.memory_space<hbm>> -> memref<1x512xi32, #tpu.memory_space<hbm>>
    %dma_start3A_56 = tpu.memref_squeeze %dma_start3A_55 : memref<1x512xi32, #tpu.memory_space<hbm>> -> memref<512xi32, #tpu.memory_space<hbm>>
    %dma_start3A_57 = arith.constant 0 : i32
    %dma_start3A_58 = tpu.memref_slice %arg5[%dma_start3A_51, %dma_start3A_57] : memref<8x512xi32, #tpu.memory_space<vmem>> -> memref<1x512xi32, #tpu.memory_space<vmem>>
    %dma_start3A_59 = tpu.memref_squeeze %dma_start3A_58 : memref<1x512xi32, #tpu.memory_space<vmem>> -> memref<512xi32, #tpu.memory_space<vmem>>
    %dma_start3A_60 = tpu.memref_slice %arg2[%dma_start3A_50, %mul3A_2] : memref<8x16384xi32, #tpu.memory_space<hbm>> -> memref<1x512xi32, #tpu.memory_space<hbm>>
    %dma_start3A_61 = tpu.memref_squeeze %dma_start3A_60 : memref<1x512xi32, #tpu.memory_space<hbm>> -> memref<512xi32, #tpu.memory_space<hbm>>
    tpu.enqueue_dma source(%dma_start3A_61 : memref<512xi32, #tpu.memory_space<hbm>>) target(%dma_start3A_59 : memref<512xi32, #tpu.memory_space<vmem>>) target_semaphore(%arg8 : memref<!tpu.dma_semaphore, #tpu.memory_space<semaphore_mem>>)
    %dma_start3A_62 = arith.constant 5 : i32
    %dma_start3A_63 = arith.constant 5 : i32
    %dma_start3A_64 = arith.constant 0 : i32
    %dma_start3A_65 = tpu.memref_slice %arg5[%dma_start3A_63, %dma_start3A_64] : memref<8x512xi32, #tpu.memory_space<vmem>> -> memref<1x512xi32, #tpu.memory_space<vmem>>
    %dma_start3A_66 = tpu.memref_squeeze %dma_start3A_65 : memref<1x512xi32, #tpu.memory_space<vmem>> -> memref<512xi32, #tpu.memory_space<vmem>>
    %dma_start3A_67 = tpu.memref_slice %arg2[%dma_start3A_62, %mul3A_2] : memref<8x16384xi32, #tpu.memory_space<hbm>> -> memref<1x512xi32, #tpu.memory_space<hbm>>
    %dma_start3A_68 = tpu.memref_squeeze %dma_start3A_67 : memref<1x512xi32, #tpu.memory_space<hbm>> -> memref<512xi32, #tpu.memory_space<hbm>>
    %dma_start3A_69 = arith.constant 0 : i32
    %dma_start3A_70 = tpu.memref_slice %arg5[%dma_start3A_63, %dma_start3A_69] : memref<8x512xi32, #tpu.memory_space<vmem>> -> memref<1x512xi32, #tpu.memory_space<vmem>>
    %dma_start3A_71 = tpu.memref_squeeze %dma_start3A_70 : memref<1x512xi32, #tpu.memory_space<vmem>> -> memref<512xi32, #tpu.memory_space<vmem>>
    %dma_start3A_72 = tpu.memref_slice %arg2[%dma_start3A_62, %mul3A_2] : memref<8x16384xi32, #tpu.memory_space<hbm>> -> memref<1x512xi32, #tpu.memory_space<hbm>>
    %dma_start3A_73 = tpu.memref_squeeze %dma_start3A_72 : memref<1x512xi32, #tpu.memory_space<hbm>> -> memref<512xi32, #tpu.memory_space<hbm>>
    tpu.enqueue_dma source(%dma_start3A_73 : memref<512xi32, #tpu.memory_space<hbm>>) target(%dma_start3A_71 : memref<512xi32, #tpu.memory_space<vmem>>) target_semaphore(%arg8 : memref<!tpu.dma_semaphore, #tpu.memory_space<semaphore_mem>>)
    %dma_start3A_74 = arith.constant 6 : i32
    %dma_start3A_75 = arith.constant 6 : i32
    %dma_start3A_76 = arith.constant 0 : i32
    %dma_start3A_77 = tpu.memref_slice %arg5[%dma_start3A_75, %dma_start3A_76] : memref<8x512xi32, #tpu.memory_space<vmem>> -> memref<1x512xi32, #tpu.memory_space<vmem>>
    %dma_start3A_78 = tpu.memref_squeeze %dma_start3A_77 : memref<1x512xi32, #tpu.memory_space<vmem>> -> memref<512xi32, #tpu.memory_space<vmem>>
    %dma_start3A_79 = tpu.memref_slice %arg2[%dma_start3A_74, %mul3A_2] : memref<8x16384xi32, #tpu.memory_space<hbm>> -> memref<1x512xi32, #tpu.memory_space<hbm>>
    %dma_start3A_80 = tpu.memref_squeeze %dma_start3A_79 : memref<1x512xi32, #tpu.memory_space<hbm>> -> memref<512xi32, #tpu.memory_space<hbm>>
    %dma_start3A_81 = arith.constant 0 : i32
    %dma_start3A_82 = tpu.memref_slice %arg5[%dma_start3A_75, %dma_start3A_81] : memref<8x512xi32, #tpu.memory_space<vmem>> -> memref<1x512xi32, #tpu.memory_space<vmem>>
    %dma_start3A_83 = tpu.memref_squeeze %dma_start3A_82 : memref<1x512xi32, #tpu.memory_space<vmem>> -> memref<512xi32, #tpu.memory_space<vmem>>
    %dma_start3A_84 = tpu.memref_slice %arg2[%dma_start3A_74, %mul3A_2] : memref<8x16384xi32, #tpu.memory_space<hbm>> -> memref<1x512xi32, #tpu.memory_space<hbm>>
    %dma_start3A_85 = tpu.memref_squeeze %dma_start3A_84 : memref<1x512xi32, #tpu.memory_space<hbm>> -> memref<512xi32, #tpu.memory_space<hbm>>
    tpu.enqueue_dma source(%dma_start3A_85 : memref<512xi32, #tpu.memory_space<hbm>>) target(%dma_start3A_83 : memref<512xi32, #tpu.memory_space<vmem>>) target_semaphore(%arg8 : memref<!tpu.dma_semaphore, #tpu.memory_space<semaphore_mem>>)
    %dma_start3A_86 = arith.constant 7 : i32
    %dma_start3A_87 = arith.constant 7 : i32
    %dma_start3A_88 = arith.constant 0 : i32
    %dma_start3A_89 = tpu.memref_slice %arg5[%dma_start3A_87, %dma_start3A_88] : memref<8x512xi32, #tpu.memory_space<vmem>> -> memref<1x512xi32, #tpu.memory_space<vmem>>
    %dma_start3A_90 = tpu.memref_squeeze %dma_start3A_89 : memref<1x512xi32, #tpu.memory_space<vmem>> -> memref<512xi32, #tpu.memory_space<vmem>>
    %dma_start3A_91 = tpu.memref_slice %arg2[%dma_start3A_86, %mul3A_2] : memref<8x16384xi32, #tpu.memory_space<hbm>> -> memref<1x512xi32, #tpu.memory_space<hbm>>
    %dma_start3A_92 = tpu.memref_squeeze %dma_start3A_91 : memref<1x512xi32, #tpu.memory_space<hbm>> -> memref<512xi32, #tpu.memory_space<hbm>>
    %dma_start3A_93 = arith.constant 0 : i32
    %dma_start3A_94 = tpu.memref_slice %arg5[%dma_start3A_87, %dma_start3A_93] : memref<8x512xi32, #tpu.memory_space<vmem>> -> memref<1x512xi32, #tpu.memory_space<vmem>>
    %dma_start3A_95 = tpu.memref_squeeze %dma_start3A_94 : memref<1x512xi32, #tpu.memory_space<vmem>> -> memref<512xi32, #tpu.memory_space<vmem>>
    %dma_start3A_96 = tpu.memref_slice %arg2[%dma_start3A_86, %mul3A_2] : memref<8x16384xi32, #tpu.memory_space<hbm>> -> memref<1x512xi32, #tpu.memory_space<hbm>>
    %dma_start3A_97 = tpu.memref_squeeze %dma_start3A_96 : memref<1x512xi32, #tpu.memory_space<hbm>> -> memref<512xi32, #tpu.memory_space<hbm>>
    tpu.enqueue_dma source(%dma_start3A_97 : memref<512xi32, #tpu.memory_space<hbm>>) target(%dma_start3A_95 : memref<512xi32, #tpu.memory_space<vmem>>) target_semaphore(%arg8 : memref<!tpu.dma_semaphore, #tpu.memory_space<semaphore_mem>>)
    %dma_wait3A = arith.constant 0 : i32
    %dma_wait3A_98 = arith.constant 0 : i32
    %dma_wait3A_99 = arith.constant 0 : i32
    %dma_wait3A_100 = tpu.memref_slice %arg5[%dma_wait3A_98, %dma_wait3A_99] : memref<8x512xi32, #tpu.memory_space<vmem>> -> memref<1x512xi32, #tpu.memory_space<vmem>>
    %dma_wait3A_101 = tpu.memref_squeeze %dma_wait3A_100 : memref<1x512xi32, #tpu.memory_space<vmem>> -> memref<512xi32, #tpu.memory_space<vmem>>
    %dma_wait3A_102 = tpu.memref_slice %arg2[%dma_wait3A, %mul3A_2] : memref<8x16384xi32, #tpu.memory_space<hbm>> -> memref<1x512xi32, #tpu.memory_space<hbm>>
    %dma_wait3A_103 = tpu.memref_squeeze %dma_wait3A_102 : memref<1x512xi32, #tpu.memory_space<hbm>> -> memref<512xi32, #tpu.memory_space<hbm>>
    %dma_wait3A_104 = arith.constant 0 : i32
    %dma_wait3A_105 = tpu.memref_slice %arg5[%dma_wait3A_98, %dma_wait3A_104] : memref<8x512xi32, #tpu.memory_space<vmem>> -> memref<1x512xi32, #tpu.memory_space<vmem>>
    %dma_wait3A_106 = tpu.memref_squeeze %dma_wait3A_105 : memref<1x512xi32, #tpu.memory_space<vmem>> -> memref<512xi32, #tpu.memory_space<vmem>>
    %dma_wait3A_107 = tpu.memref_slice %arg2[%dma_wait3A, %mul3A_2] : memref<8x16384xi32, #tpu.memory_space<hbm>> -> memref<1x512xi32, #tpu.memory_space<hbm>>
    %dma_wait3A_108 = tpu.memref_squeeze %dma_wait3A_107 : memref<1x512xi32, #tpu.memory_space<hbm>> -> memref<512xi32, #tpu.memory_space<hbm>>
    tpu.wait_dma2 semaphore(%arg8 : memref<!tpu.dma_semaphore, #tpu.memory_space<semaphore_mem>>) src(%dma_wait3A_108 : memref<512xi32, #tpu.memory_space<hbm>>) dst(%dma_wait3A_106 : memref<512xi32, #tpu.memory_space<vmem>>)
    %dma_wait3A_109 = arith.constant 1 : i32
    %dma_wait3A_110 = arith.constant 1 : i32
    %dma_wait3A_111 = arith.constant 0 : i32
    %dma_wait3A_112 = tpu.memref_slice %arg5[%dma_wait3A_110, %dma_wait3A_111] : memref<8x512xi32, #tpu.memory_space<vmem>> -> memref<1x512xi32, #tpu.memory_space<vmem>>
    %dma_wait3A_113 = tpu.memref_squeeze %dma_wait3A_112 : memref<1x512xi32, #tpu.memory_space<vmem>> -> memref<512xi32, #tpu.memory_space<vmem>>
    %dma_wait3A_114 = tpu.memref_slice %arg2[%dma_wait3A_109, %mul3A_2] : memref<8x16384xi32, #tpu.memory_space<hbm>> -> memref<1x512xi32, #tpu.memory_space<hbm>>
    %dma_wait3A_115 = tpu.memref_squeeze %dma_wait3A_114 : memref<1x512xi32, #tpu.memory_space<hbm>> -> memref<512xi32, #tpu.memory_space<hbm>>
    %dma_wait3A_116 = arith.constant 0 : i32
    %dma_wait3A_117 = tpu.memref_slice %arg5[%dma_wait3A_110, %dma_wait3A_116] : memref<8x512xi32, #tpu.memory_space<vmem>> -> memref<1x512xi32, #tpu.memory_space<vmem>>
    %dma_wait3A_118 = tpu.memref_squeeze %dma_wait3A_117 : memref<1x512xi32, #tpu.memory_space<vmem>> -> memref<512xi32, #tpu.memory_space<vmem>>
    %dma_wait3A_119 = tpu.memref_slice %arg2[%dma_wait3A_109, %mul3A_2] : memref<8x16384xi32, #tpu.memory_space<hbm>> -> memref<1x512xi32, #tpu.memory_space<hbm>>
    %dma_wait3A_120 = tpu.memref_squeeze %dma_wait3A_119 : memref<1x512xi32, #tpu.memory_space<hbm>> -> memref<512xi32, #tpu.memory_space<hbm>>
    tpu.wait_dma2 semaphore(%arg8 : memref<!tpu.dma_semaphore, #tpu.memory_space<semaphore_mem>>) src(%dma_wait3A_120 : memref<512xi32, #tpu.memory_space<hbm>>) dst(%dma_wait3A_118 : memref<512xi32, #tpu.memory_space<vmem>>)
    %dma_wait3A_121 = arith.constant 2 : i32
    %dma_wait3A_122 = arith.constant 2 : i32
    %dma_wait3A_123 = arith.constant 0 : i32
    %dma_wait3A_124 = tpu.memref_slice %arg5[%dma_wait3A_122, %dma_wait3A_123] : memref<8x512xi32, #tpu.memory_space<vmem>> -> memref<1x512xi32, #tpu.memory_space<vmem>>
    %dma_wait3A_125 = tpu.memref_squeeze %dma_wait3A_124 : memref<1x512xi32, #tpu.memory_space<vmem>> -> memref<512xi32, #tpu.memory_space<vmem>>
    %dma_wait3A_126 = tpu.memref_slice %arg2[%dma_wait3A_121, %mul3A_2] : memref<8x16384xi32, #tpu.memory_space<hbm>> -> memref<1x512xi32, #tpu.memory_space<hbm>>
    %dma_wait3A_127 = tpu.memref_squeeze %dma_wait3A_126 : memref<1x512xi32, #tpu.memory_space<hbm>> -> memref<512xi32, #tpu.memory_space<hbm>>
    %dma_wait3A_128 = arith.constant 0 : i32
    %dma_wait3A_129 = tpu.memref_slice %arg5[%dma_wait3A_122, %dma_wait3A_128] : memref<8x512xi32, #tpu.memory_space<vmem>> -> memref<1x512xi32, #tpu.memory_space<vmem>>
    %dma_wait3A_130 = tpu.memref_squeeze %dma_wait3A_129 : memref<1x512xi32, #tpu.memory_space<vmem>> -> memref<512xi32, #tpu.memory_space<vmem>>
    %dma_wait3A_131 = tpu.memref_slice %arg2[%dma_wait3A_121, %mul3A_2] : memref<8x16384xi32, #tpu.memory_space<hbm>> -> memref<1x512xi32, #tpu.memory_space<hbm>>
    %dma_wait3A_132 = tpu.memref_squeeze %dma_wait3A_131 : memref<1x512xi32, #tpu.memory_space<hbm>> -> memref<512xi32, #tpu.memory_space<hbm>>
    tpu.wait_dma2 semaphore(%arg8 : memref<!tpu.dma_semaphore, #tpu.memory_space<semaphore_mem>>) src(%dma_wait3A_132 : memref<512xi32, #tpu.memory_space<hbm>>) dst(%dma_wait3A_130 : memref<512xi32, #tpu.memory_space<vmem>>)
    %dma_wait3A_133 = arith.constant 3 : i32
    %dma_wait3A_134 = arith.constant 3 : i32
    %dma_wait3A_135 = arith.constant 0 : i32
    %dma_wait3A_136 = tpu.memref_slice %arg5[%dma_wait3A_134, %dma_wait3A_135] : memref<8x512xi32, #tpu.memory_space<vmem>> -> memref<1x512xi32, #tpu.memory_space<vmem>>
    %dma_wait3A_137 = tpu.memref_squeeze %dma_wait3A_136 : memref<1x512xi32, #tpu.memory_space<vmem>> -> memref<512xi32, #tpu.memory_space<vmem>>
    %dma_wait3A_138 = tpu.memref_slice %arg2[%dma_wait3A_133, %mul3A_2] : memref<8x16384xi32, #tpu.memory_space<hbm>> -> memref<1x512xi32, #tpu.memory_space<hbm>>
    %dma_wait3A_139 = tpu.memref_squeeze %dma_wait3A_138 : memref<1x512xi32, #tpu.memory_space<hbm>> -> memref<512xi32, #tpu.memory_space<hbm>>
    %dma_wait3A_140 = arith.constant 0 : i32
    %dma_wait3A_141 = tpu.memref_slice %arg5[%dma_wait3A_134, %dma_wait3A_140] : memref<8x512xi32, #tpu.memory_space<vmem>> -> memref<1x512xi32, #tpu.memory_space<vmem>>
    %dma_wait3A_142 = tpu.memref_squeeze %dma_wait3A_141 : memref<1x512xi32, #tpu.memory_space<vmem>> -> memref<512xi32, #tpu.memory_space<vmem>>
    %dma_wait3A_143 = tpu.memref_slice %arg2[%dma_wait3A_133, %mul3A_2] : memref<8x16384xi32, #tpu.memory_space<hbm>> -> memref<1x512xi32, #tpu.memory_space<hbm>>
    %dma_wait3A_144 = tpu.memref_squeeze %dma_wait3A_143 : memref<1x512xi32, #tpu.memory_space<hbm>> -> memref<512xi32, #tpu.memory_space<hbm>>
    tpu.wait_dma2 semaphore(%arg8 : memref<!tpu.dma_semaphore, #tpu.memory_space<semaphore_mem>>) src(%dma_wait3A_144 : memref<512xi32, #tpu.memory_space<hbm>>) dst(%dma_wait3A_142 : memref<512xi32, #tpu.memory_space<vmem>>)
    %dma_wait3A_145 = arith.constant 4 : i32
    %dma_wait3A_146 = arith.constant 4 : i32
    %dma_wait3A_147 = arith.constant 0 : i32
    %dma_wait3A_148 = tpu.memref_slice %arg5[%dma_wait3A_146, %dma_wait3A_147] : memref<8x512xi32, #tpu.memory_space<vmem>> -> memref<1x512xi32, #tpu.memory_space<vmem>>
    %dma_wait3A_149 = tpu.memref_squeeze %dma_wait3A_148 : memref<1x512xi32, #tpu.memory_space<vmem>> -> memref<512xi32, #tpu.memory_space<vmem>>
    %dma_wait3A_150 = tpu.memref_slice %arg2[%dma_wait3A_145, %mul3A_2] : memref<8x16384xi32, #tpu.memory_space<hbm>> -> memref<1x512xi32, #tpu.memory_space<hbm>>
    %dma_wait3A_151 = tpu.memref_squeeze %dma_wait3A_150 : memref<1x512xi32, #tpu.memory_space<hbm>> -> memref<512xi32, #tpu.memory_space<hbm>>
    %dma_wait3A_152 = arith.constant 0 : i32
    %dma_wait3A_153 = tpu.memref_slice %arg5[%dma_wait3A_146, %dma_wait3A_152] : memref<8x512xi32, #tpu.memory_space<vmem>> -> memref<1x512xi32, #tpu.memory_space<vmem>>
    %dma_wait3A_154 = tpu.memref_squeeze %dma_wait3A_153 : memref<1x512xi32, #tpu.memory_space<vmem>> -> memref<512xi32, #tpu.memory_space<vmem>>
    %dma_wait3A_155 = tpu.memref_slice %arg2[%dma_wait3A_145, %mul3A_2] : memref<8x16384xi32, #tpu.memory_space<hbm>> -> memref<1x512xi32, #tpu.memory_space<hbm>>
    %dma_wait3A_156 = tpu.memref_squeeze %dma_wait3A_155 : memref<1x512xi32, #tpu.memory_space<hbm>> -> memref<512xi32, #tpu.memory_space<hbm>>
    tpu.wait_dma2 semaphore(%arg8 : memref<!tpu.dma_semaphore, #tpu.memory_space<semaphore_mem>>) src(%dma_wait3A_156 : memref<512xi32, #tpu.memory_space<hbm>>) dst(%dma_wait3A_154 : memref<512xi32, #tpu.memory_space<vmem>>)
    %dma_wait3A_157 = arith.constant 5 : i32
    %dma_wait3A_158 = arith.constant 5 : i32
    %dma_wait3A_159 = arith.constant 0 : i32
    %dma_wait3A_160 = tpu.memref_slice %arg5[%dma_wait3A_158, %dma_wait3A_159] : memref<8x512xi32, #tpu.memory_space<vmem>> -> memref<1x512xi32, #tpu.memory_space<vmem>>
    %dma_wait3A_161 = tpu.memref_squeeze %dma_wait3A_160 : memref<1x512xi32, #tpu.memory_space<vmem>> -> memref<512xi32, #tpu.memory_space<vmem>>
    %dma_wait3A_162 = tpu.memref_slice %arg2[%dma_wait3A_157, %mul3A_2] : memref<8x16384xi32, #tpu.memory_space<hbm>> -> memref<1x512xi32, #tpu.memory_space<hbm>>
    %dma_wait3A_163 = tpu.memref_squeeze %dma_wait3A_162 : memref<1x512xi32, #tpu.memory_space<hbm>> -> memref<512xi32, #tpu.memory_space<hbm>>
    %dma_wait3A_164 = arith.constant 0 : i32
    %dma_wait3A_165 = tpu.memref_slice %arg5[%dma_wait3A_158, %dma_wait3A_164] : memref<8x512xi32, #tpu.memory_space<vmem>> -> memref<1x512xi32, #tpu.memory_space<vmem>>
    %dma_wait3A_166 = tpu.memref_squeeze %dma_wait3A_165 : memref<1x512xi32, #tpu.memory_space<vmem>> -> memref<512xi32, #tpu.memory_space<vmem>>
    %dma_wait3A_167 = tpu.memref_slice %arg2[%dma_wait3A_157, %mul3A_2] : memref<8x16384xi32, #tpu.memory_space<hbm>> -> memref<1x512xi32, #tpu.memory_space<hbm>>
    %dma_wait3A_168 = tpu.memref_squeeze %dma_wait3A_167 : memref<1x512xi32, #tpu.memory_space<hbm>> -> memref<512xi32, #tpu.memory_space<hbm>>
    tpu.wait_dma2 semaphore(%arg8 : memref<!tpu.dma_semaphore, #tpu.memory_space<semaphore_mem>>) src(%dma_wait3A_168 : memref<512xi32, #tpu.memory_space<hbm>>) dst(%dma_wait3A_166 : memref<512xi32, #tpu.memory_space<vmem>>)
    %dma_wait3A_169 = arith.constant 6 : i32
    %dma_wait3A_170 = arith.constant 6 : i32
    %dma_wait3A_171 = arith.constant 0 : i32
    %dma_wait3A_172 = tpu.memref_slice %arg5[%dma_wait3A_170, %dma_wait3A_171] : memref<8x512xi32, #tpu.memory_space<vmem>> -> memref<1x512xi32, #tpu.memory_space<vmem>>
    %dma_wait3A_173 = tpu.memref_squeeze %dma_wait3A_172 : memref<1x512xi32, #tpu.memory_space<vmem>> -> memref<512xi32, #tpu.memory_space<vmem>>
    %dma_wait3A_174 = tpu.memref_slice %arg2[%dma_wait3A_169, %mul3A_2] : memref<8x16384xi32, #tpu.memory_space<hbm>> -> memref<1x512xi32, #tpu.memory_space<hbm>>
    %dma_wait3A_175 = tpu.memref_squeeze %dma_wait3A_174 : memref<1x512xi32, #tpu.memory_space<hbm>> -> memref<512xi32, #tpu.memory_space<hbm>>
    %dma_wait3A_176 = arith.constant 0 : i32
    %dma_wait3A_177 = tpu.memref_slice %arg5[%dma_wait3A_170, %dma_wait3A_176] : memref<8x512xi32, #tpu.memory_space<vmem>> -> memref<1x512xi32, #tpu.memory_space<vmem>>
    %dma_wait3A_178 = tpu.memref_squeeze %dma_wait3A_177 : memref<1x512xi32, #tpu.memory_space<vmem>> -> memref<512xi32, #tpu.memory_space<vmem>>
    %dma_wait3A_179 = tpu.memref_slice %arg2[%dma_wait3A_169, %mul3A_2] : memref<8x16384xi32, #tpu.memory_space<hbm>> -> memref<1x512xi32, #tpu.memory_space<hbm>>
    %dma_wait3A_180 = tpu.memref_squeeze %dma_wait3A_179 : memref<1x512xi32, #tpu.memory_space<hbm>> -> memref<512xi32, #tpu.memory_space<hbm>>
    tpu.wait_dma2 semaphore(%arg8 : memref<!tpu.dma_semaphore, #tpu.memory_space<semaphore_mem>>) src(%dma_wait3A_180 : memref<512xi32, #tpu.memory_space<hbm>>) dst(%dma_wait3A_178 : memref<512xi32, #tpu.memory_space<vmem>>)
    %dma_wait3A_181 = arith.constant 7 : i32
    %dma_wait3A_182 = arith.constant 7 : i32
    %dma_wait3A_183 = arith.constant 0 : i32
    %dma_wait3A_184 = tpu.memref_slice %arg5[%dma_wait3A_182, %dma_wait3A_183] : memref<8x512xi32, #tpu.memory_space<vmem>> -> memref<1x512xi32, #tpu.memory_space<vmem>>
    %dma_wait3A_185 = tpu.memref_squeeze %dma_wait3A_184 : memref<1x512xi32, #tpu.memory_space<vmem>> -> memref<512xi32, #tpu.memory_space<vmem>>
    %dma_wait3A_186 = tpu.memref_slice %arg2[%dma_wait3A_181, %mul3A_2] : memref<8x16384xi32, #tpu.memory_space<hbm>> -> memref<1x512xi32, #tpu.memory_space<hbm>>
    %dma_wait3A_187 = tpu.memref_squeeze %dma_wait3A_186 : memref<1x512xi32, #tpu.memory_space<hbm>> -> memref<512xi32, #tpu.memory_space<hbm>>
    %dma_wait3A_188 = arith.constant 0 : i32
    %dma_wait3A_189 = tpu.memref_slice %arg5[%dma_wait3A_182, %dma_wait3A_188] : memref<8x512xi32, #tpu.memory_space<vmem>> -> memref<1x512xi32, #tpu.memory_space<vmem>>
    %dma_wait3A_190 = tpu.memref_squeeze %dma_wait3A_189 : memref<1x512xi32, #tpu.memory_space<vmem>> -> memref<512xi32, #tpu.memory_space<vmem>>
    %dma_wait3A_191 = tpu.memref_slice %arg2[%dma_wait3A_181, %mul3A_2] : memref<8x16384xi32, #tpu.memory_space<hbm>> -> memref<1x512xi32, #tpu.memory_space<hbm>>
    %dma_wait3A_192 = tpu.memref_squeeze %dma_wait3A_191 : memref<1x512xi32, #tpu.memory_space<hbm>> -> memref<512xi32, #tpu.memory_space<hbm>>
    tpu.wait_dma2 semaphore(%arg8 : memref<!tpu.dma_semaphore, #tpu.memory_space<semaphore_mem>>) src(%dma_wait3A_192 : memref<512xi32, #tpu.memory_space<hbm>>) dst(%dma_wait3A_190 : memref<512xi32, #tpu.memory_space<vmem>>)
    %scan3A = arith.constant 0 : i32
    %scan3A_193 = arith.constant 32 : i32
    %scan3A_194 = arith.addi %scan3A, %scan3A_193 : i32
    %scan3A_195 = arith.constant 1 : i32
    scf.for %scan3A_389 = %scan3A to %scan3A_194 step %scan3A_195  : i32 {
      %mul3A_390 = arith.constant 16 : i32
      %mul3A_391 = arith.muli %scan3A_389, %mul3A_390 : i32
      %multiple_of3A = tpu.assume_multiple %mul3A_391, 16 : i32
      %get3A = arith.constant 0 : i32
      %get3A_392 = arith.index_cast %get3A : i32 to index
      %get3A_393 = arith.index_cast %multiple_of3A : i32 to index
      %get3A_394 = tpu.vector_load %arg5[%get3A_392, %get3A_393] {strides = array<i32>} : memref<8x512xi32, #tpu.memory_space<vmem>>, vector<16xi32>,
      %get3A_395 = arith.constant 1 : i32
      %get3A_396 = arith.index_cast %get3A_395 : i32 to index
      %get3A_397 = arith.index_cast %multiple_of3A : i32 to index
      %get3A_398 = tpu.vector_load %arg5[%get3A_396, %get3A_397] {strides = array<i32>} : memref<8x512xi32, #tpu.memory_space<vmem>>, vector<16xi32>,
      %max3A = arith.maxsi %get3A_394, %get3A_398 : vector<16xi32>
      %get3A_399 = arith.constant 2 : i32
      %get3A_400 = arith.index_cast %get3A_399 : i32 to index
      %get3A_401 = arith.index_cast %multiple_of3A : i32 to index
      %get3A_402 = tpu.vector_load %arg5[%get3A_400, %get3A_401] {strides = array<i32>} : memref<8x512xi32, #tpu.memory_space<vmem>>, vector<16xi32>,
      %max3A_403 = arith.maxsi %max3A, %get3A_402 : vector<16xi32>
      %get3A_404 = arith.constant 3 : i32
      %get3A_405 = arith.index_cast %get3A_404 : i32 to index
      %get3A_406 = arith.index_cast %multiple_of3A : i32 to index
      %get3A_407 = tpu.vector_load %arg5[%get3A_405, %get3A_406] {strides = array<i32>} : memref<8x512xi32, #tpu.memory_space<vmem>>, vector<16xi32>,
      %max3A_408 = arith.maxsi %max3A_403, %get3A_407 : vector<16xi32>
      %get3A_409 = arith.constant 4 : i32
      %get3A_410 = arith.index_cast %get3A_409 : i32 to index
      %get3A_411 = arith.index_cast %multiple_of3A : i32 to index
      %get3A_412 = tpu.vector_load %arg5[%get3A_410, %get3A_411] {strides = array<i32>} : memref<8x512xi32, #tpu.memory_space<vmem>>, vector<16xi32>,
      %max3A_413 = arith.maxsi %max3A_408, %get3A_412 : vector<16xi32>
      %get3A_414 = arith.constant 5 : i32
      %get3A_415 = arith.index_cast %get3A_414 : i32 to index
      %get3A_416 = arith.index_cast %multiple_of3A : i32 to index
      %get3A_417 = tpu.vector_load %arg5[%get3A_415, %get3A_416] {strides = array<i32>} : memref<8x512xi32, #tpu.memory_space<vmem>>, vector<16xi32>,
      %max3A_418 = arith.maxsi %max3A_413, %get3A_417 : vector<16xi32>
      %get3A_419 = arith.constant 6 : i32
      %get3A_420 = arith.index_cast %get3A_419 : i32 to index
      %get3A_421 = arith.index_cast %multiple_of3A : i32 to index
      %get3A_422 = tpu.vector_load %arg5[%get3A_420, %get3A_421] {strides = array<i32>} : memref<8x512xi32, #tpu.memory_space<vmem>>, vector<16xi32>,
      %max3A_423 = arith.maxsi %max3A_418, %get3A_422 : vector<16xi32>
      %get3A_424 = arith.constant 7 : i32
      %get3A_425 = arith.index_cast %get3A_424 : i32 to index
      %get3A_426 = arith.index_cast %multiple_of3A : i32 to index
      %get3A_427 = tpu.vector_load %arg5[%get3A_425, %get3A_426] {strides = array<i32>} : memref<8x512xi32, #tpu.memory_space<vmem>>, vector<16xi32>,
      %max3A_428 = arith.maxsi %max3A_423, %get3A_427 : vector<16xi32>
      %swap3A = arith.index_cast %multiple_of3A : i32 to index
      %swap3A_429 = tpu.vector_load %arg6[%swap3A] {strides = array<i32>} : memref<512xi32, #tpu.memory_space<vmem>>, vector<16xi32>,
      tpu.vector_store %arg6[%swap3A], %max3A_428 {strides = array<i32>} : memref<512xi32, #tpu.memory_space<vmem>>, vector<16xi32>,
    }
    %scan3A_196 = arith.constant 32 : i32
    %dma_start3A_197 = arith.constant 0 : i32
    %dma_start3A_198 = arith.constant 0 : i32
    %dma_start3A_199 = arith.constant 0 : i32
    %dma_start3A_200 = tpu.memref_slice %arg7[%dma_start3A_197, %dma_start3A_198, %dma_start3A_199] : memref<4x128x128xf32, #tpu.memory_space<vmem>> -> memref<1x128x128xf32, #tpu.memory_space<vmem>>
    %dma_start3A_201 = tpu.memref_squeeze %dma_start3A_200 : memref<1x128x128xf32, #tpu.memory_space<vmem>> -> memref<128x128xf32, #tpu.memory_space<vmem>>
    %dma_start3A_202 = arith.constant 0 : i32
    %dma_start3A_203 = tpu.memref_slice %arg6[%dma_start3A_202] : memref<512xi32, #tpu.memory_space<vmem>> -> memref<128xi32, #tpu.memory_space<vmem>>
    %dma_start3A_204 = arith.constant 0 : i32
    %dma_start3A_205 = arith.constant 0 : i32
    %dma_start3A_206 = tpu.memref_slice %arg3[%dma_start3A_204, %dma_start3A_205] : memref<16384x128xf32, #tpu.memory_space<hbm>> -> memref<16384x128xf32, #tpu.memory_space<hbm>>
    tpu.enqueue_indirect_dma source(%dma_start3A_206 : memref<16384x128xf32, #tpu.memory_space<hbm>>) target(%dma_start3A_201 : memref<128x128xf32, #tpu.memory_space<vmem>>) offsets(%dma_start3A_203 : memref<128xi32, #tpu.memory_space<vmem>>) semaphore(%arg9 : memref<!tpu.dma_semaphore, #tpu.memory_space<semaphore_mem>>)
    %dma_start3A_207 = arith.constant 1 : i32
    %dma_start3A_208 = arith.constant 0 : i32
    %dma_start3A_209 = arith.constant 0 : i32
    %dma_start3A_210 = tpu.memref_slice %arg7[%dma_start3A_207, %dma_start3A_208, %dma_start3A_209] : memref<4x128x128xf32, #tpu.memory_space<vmem>> -> memref<1x128x128xf32, #tpu.memory_space<vmem>>
    %dma_start3A_211 = tpu.memref_squeeze %dma_start3A_210 : memref<1x128x128xf32, #tpu.memory_space<vmem>> -> memref<128x128xf32, #tpu.memory_space<vmem>>
    %dma_start3A_212 = arith.constant 128 : i32
    %dma_start3A_213 = tpu.memref_slice %arg6[%dma_start3A_212] : memref<512xi32, #tpu.memory_space<vmem>> -> memref<128xi32, #tpu.memory_space<vmem>>
    %dma_start3A_214 = arith.constant 0 : i32
    %dma_start3A_215 = arith.constant 0 : i32
    %dma_start3A_216 = tpu.memref_slice %arg3[%dma_start3A_214, %dma_start3A_215] : memref<16384x128xf32, #tpu.memory_space<hbm>> -> memref<16384x128xf32, #tpu.memory_space<hbm>>
    tpu.enqueue_indirect_dma source(%dma_start3A_216 : memref<16384x128xf32, #tpu.memory_space<hbm>>) target(%dma_start3A_211 : memref<128x128xf32, #tpu.memory_space<vmem>>) offsets(%dma_start3A_213 : memref<128xi32, #tpu.memory_space<vmem>>) semaphore(%arg10 : memref<!tpu.dma_semaphore, #tpu.memory_space<semaphore_mem>>)
    %dma_start3A_217 = arith.constant 2 : i32
    %dma_start3A_218 = arith.constant 0 : i32
    %dma_start3A_219 = arith.constant 0 : i32
    %dma_start3A_220 = tpu.memref_slice %arg7[%dma_start3A_217, %dma_start3A_218, %dma_start3A_219] : memref<4x128x128xf32, #tpu.memory_space<vmem>> -> memref<1x128x128xf32, #tpu.memory_space<vmem>>
    %dma_start3A_221 = tpu.memref_squeeze %dma_start3A_220 : memref<1x128x128xf32, #tpu.memory_space<vmem>> -> memref<128x128xf32, #tpu.memory_space<vmem>>
    %dma_start3A_222 = arith.constant 256 : i32
    %dma_start3A_223 = tpu.memref_slice %arg6[%dma_start3A_222] : memref<512xi32, #tpu.memory_space<vmem>> -> memref<128xi32, #tpu.memory_space<vmem>>
    %dma_start3A_224 = arith.constant 0 : i32
    %dma_start3A_225 = arith.constant 0 : i32
    %dma_start3A_226 = tpu.memref_slice %arg3[%dma_start3A_224, %dma_start3A_225] : memref<16384x128xf32, #tpu.memory_space<hbm>> -> memref<16384x128xf32, #tpu.memory_space<hbm>>
    tpu.enqueue_indirect_dma source(%dma_start3A_226 : memref<16384x128xf32, #tpu.memory_space<hbm>>) target(%dma_start3A_221 : memref<128x128xf32, #tpu.memory_space<vmem>>) offsets(%dma_start3A_223 : memref<128xi32, #tpu.memory_space<vmem>>) semaphore(%arg11 : memref<!tpu.dma_semaphore, #tpu.memory_space<semaphore_mem>>)
    %dma_start3A_227 = arith.constant 3 : i32
    %dma_start3A_228 = arith.constant 0 : i32
    %dma_start3A_229 = arith.constant 0 : i32
    %dma_start3A_230 = tpu.memref_slice %arg7[%dma_start3A_227, %dma_start3A_228, %dma_start3A_229] : memref<4x128x128xf32, #tpu.memory_space<vmem>> -> memref<1x128x128xf32, #tpu.memory_space<vmem>>
    %dma_start3A_231 = tpu.memref_squeeze %dma_start3A_230 : memref<1x128x128xf32, #tpu.memory_space<vmem>> -> memref<128x128xf32, #tpu.memory_space<vmem>>
    %dma_start3A_232 = arith.constant 384 : i32
    %dma_start3A_233 = tpu.memref_slice %arg6[%dma_start3A_232] : memref<512xi32, #tpu.memory_space<vmem>> -> memref<128xi32, #tpu.memory_space<vmem>>
    %dma_start3A_234 = arith.constant 0 : i32
    %dma_start3A_235 = arith.constant 0 : i32
    %dma_start3A_236 = tpu.memref_slice %arg3[%dma_start3A_234, %dma_start3A_235] : memref<16384x128xf32, #tpu.memory_space<hbm>> -> memref<16384x128xf32, #tpu.memory_space<hbm>>
    tpu.enqueue_indirect_dma source(%dma_start3A_236 : memref<16384x128xf32, #tpu.memory_space<hbm>>) target(%dma_start3A_231 : memref<128x128xf32, #tpu.memory_space<vmem>>) offsets(%dma_start3A_233 : memref<128xi32, #tpu.memory_space<vmem>>) semaphore(%arg12 : memref<!tpu.dma_semaphore, #tpu.memory_space<semaphore_mem>>)
    %dma_wait3A_237 = arith.constant 0 : i32
    %dma_wait3A_238 = arith.constant 0 : i32
    %dma_wait3A_239 = arith.constant 0 : i32
    %dma_wait3A_240 = tpu.memref_slice %arg7[%dma_wait3A_237, %dma_wait3A_238, %dma_wait3A_239] : memref<4x128x128xf32, #tpu.memory_space<vmem>> -> memref<1x128x128xf32, #tpu.memory_space<vmem>>
    %dma_wait3A_241 = tpu.memref_squeeze %dma_wait3A_240 : memref<1x128x128xf32, #tpu.memory_space<vmem>> -> memref<128x128xf32, #tpu.memory_space<vmem>>
    %dma_wait3A_242 = arith.constant 0 : i32
    %dma_wait3A_243 = tpu.memref_slice %arg6[%dma_wait3A_242] : memref<512xi32, #tpu.memory_space<vmem>> -> memref<128xi32, #tpu.memory_space<vmem>>
    %dma_wait3A_244 = arith.constant 0 : i32
    %dma_wait3A_245 = arith.constant 0 : i32
    %dma_wait3A_246 = tpu.memref_slice %arg3[%dma_wait3A_244, %dma_wait3A_245] : memref<16384x128xf32, #tpu.memory_space<hbm>> -> memref<16384x128xf32, #tpu.memory_space<hbm>>
    tpu.wait_indirect_dma semaphore(%arg9 : memref<!tpu.dma_semaphore, #tpu.memory_space<semaphore_mem>>) src(%dma_wait3A_246 : memref<16384x128xf32, #tpu.memory_space<hbm>>) dst(%dma_wait3A_241 : memref<128x128xf32, #tpu.memory_space<vmem>>)
    %add3A_247 = arith.constant 0 : i32
    %add3A_248 = arith.addi %mul3A_2, %add3A_247 : i32
    %dma_start3A_249 = arith.constant 0 : i32
    %dma_start3A_250 = arith.constant 0 : i32
    %dma_start3A_251 = arith.constant 0 : i32
    %dma_start3A_252 = tpu.memref_slice %arg7[%dma_start3A_249, %dma_start3A_250, %dma_start3A_251] : memref<4x128x128xf32, #tpu.memory_space<vmem>> -> memref<1x128x128xf32, #tpu.memory_space<vmem>>
    %dma_start3A_253 = tpu.memref_squeeze %dma_start3A_252 : memref<1x128x128xf32, #tpu.memory_space<vmem>> -> memref<128x128xf32, #tpu.memory_space<vmem>>
    %dma_start3A_254 = arith.constant 0 : i32
    %dma_start3A_255 = tpu.memref_slice %arg4[%add3A_248, %dma_start3A_254] : memref<16384x128xf32, #tpu.memory_space<hbm>> -> memref<128x128xf32, #tpu.memory_space<hbm>>
    %dma_start3A_256 = arith.constant 0 : i32
    %dma_start3A_257 = tpu.memref_slice %arg4[%add3A_248, %dma_start3A_256] : memref<16384x128xf32, #tpu.memory_space<hbm>> -> memref<128x128xf32, #tpu.memory_space<hbm>>
    %dma_start3A_258 = arith.constant 0 : i32
    %dma_start3A_259 = arith.constant 0 : i32
    %dma_start3A_260 = tpu.memref_slice %arg7[%dma_start3A_249, %dma_start3A_258, %dma_start3A_259] : memref<4x128x128xf32, #tpu.memory_space<vmem>> -> memref<1x128x128xf32, #tpu.memory_space<vmem>>
    %dma_start3A_261 = tpu.memref_squeeze %dma_start3A_260 : memref<1x128x128xf32, #tpu.memory_space<vmem>> -> memref<128x128xf32, #tpu.memory_space<vmem>>
    tpu.enqueue_dma source(%dma_start3A_261 : memref<128x128xf32, #tpu.memory_space<vmem>>) target(%dma_start3A_257 : memref<128x128xf32, #tpu.memory_space<hbm>>) target_semaphore(%arg13 : memref<!tpu.dma_semaphore, #tpu.memory_space<semaphore_mem>>)
    %dma_wait3A_262 = arith.constant 1 : i32
    %dma_wait3A_263 = arith.constant 0 : i32
    %dma_wait3A_264 = arith.constant 0 : i32
    %dma_wait3A_265 = tpu.memref_slice %arg7[%dma_wait3A_262, %dma_wait3A_263, %dma_wait3A_264] : memref<4x128x128xf32, #tpu.memory_space<vmem>> -> memref<1x128x128xf32, #tpu.memory_space<vmem>>
    %dma_wait3A_266 = tpu.memref_squeeze %dma_wait3A_265 : memref<1x128x128xf32, #tpu.memory_space<vmem>> -> memref<128x128xf32, #tpu.memory_space<vmem>>
    %dma_wait3A_267 = arith.constant 128 : i32
    %dma_wait3A_268 = tpu.memref_slice %arg6[%dma_wait3A_267] : memref<512xi32, #tpu.memory_space<vmem>> -> memref<128xi32, #tpu.memory_space<vmem>>
    %dma_wait3A_269 = arith.constant 0 : i32
    %dma_wait3A_270 = arith.constant 0 : i32
    %dma_wait3A_271 = tpu.memref_slice %arg3[%dma_wait3A_269, %dma_wait3A_270] : memref<16384x128xf32, #tpu.memory_space<hbm>> -> memref<16384x128xf32, #tpu.memory_space<hbm>>
    tpu.wait_indirect_dma semaphore(%arg10 : memref<!tpu.dma_semaphore, #tpu.memory_space<semaphore_mem>>) src(%dma_wait3A_271 : memref<16384x128xf32, #tpu.memory_space<hbm>>) dst(%dma_wait3A_266 : memref<128x128xf32, #tpu.memory_space<vmem>>)
    %add3A_272 = arith.constant 128 : i32
    %add3A_273 = arith.addi %mul3A_2, %add3A_272 : i32
    %dma_start3A_274 = arith.constant 1 : i32
    %dma_start3A_275 = arith.constant 0 : i32
    %dma_start3A_276 = arith.constant 0 : i32
    %dma_start3A_277 = tpu.memref_slice %arg7[%dma_start3A_274, %dma_start3A_275, %dma_start3A_276] : memref<4x128x128xf32, #tpu.memory_space<vmem>> -> memref<1x128x128xf32, #tpu.memory_space<vmem>>
    %dma_start3A_278 = tpu.memref_squeeze %dma_start3A_277 : memref<1x128x128xf32, #tpu.memory_space<vmem>> -> memref<128x128xf32, #tpu.memory_space<vmem>>
    %dma_start3A_279 = arith.constant 0 : i32
    %dma_start3A_280 = tpu.memref_slice %arg4[%add3A_273, %dma_start3A_279] : memref<16384x128xf32, #tpu.memory_space<hbm>> -> memref<128x128xf32, #tpu.memory_space<hbm>>
    %dma_start3A_281 = arith.constant 0 : i32
    %dma_start3A_282 = tpu.memref_slice %arg4[%add3A_273, %dma_start3A_281] : memref<16384x128xf32, #tpu.memory_space<hbm>> -> memref<128x128xf32, #tpu.memory_space<hbm>>
    %dma_start3A_283 = arith.constant 0 : i32
    %dma_start3A_284 = arith.constant 0 : i32
    %dma_start3A_285 = tpu.memref_slice %arg7[%dma_start3A_274, %dma_start3A_283, %dma_start3A_284] : memref<4x128x128xf32, #tpu.memory_space<vmem>> -> memref<1x128x128xf32, #tpu.memory_space<vmem>>
    %dma_start3A_286 = tpu.memref_squeeze %dma_start3A_285 : memref<1x128x128xf32, #tpu.memory_space<vmem>> -> memref<128x128xf32, #tpu.memory_space<vmem>>
    tpu.enqueue_dma source(%dma_start3A_286 : memref<128x128xf32, #tpu.memory_space<vmem>>) target(%dma_start3A_282 : memref<128x128xf32, #tpu.memory_space<hbm>>) target_semaphore(%arg14 : memref<!tpu.dma_semaphore, #tpu.memory_space<semaphore_mem>>)
    %dma_wait3A_287 = arith.constant 2 : i32
    %dma_wait3A_288 = arith.constant 0 : i32
    %dma_wait3A_289 = arith.constant 0 : i32
    %dma_wait3A_290 = tpu.memref_slice %arg7[%dma_wait3A_287, %dma_wait3A_288, %dma_wait3A_289] : memref<4x128x128xf32, #tpu.memory_space<vmem>> -> memref<1x128x128xf32, #tpu.memory_space<vmem>>
    %dma_wait3A_291 = tpu.memref_squeeze %dma_wait3A_290 : memref<1x128x128xf32, #tpu.memory_space<vmem>> -> memref<128x128xf32, #tpu.memory_space<vmem>>
    %dma_wait3A_292 = arith.constant 256 : i32
    %dma_wait3A_293 = tpu.memref_slice %arg6[%dma_wait3A_292] : memref<512xi32, #tpu.memory_space<vmem>> -> memref<128xi32, #tpu.memory_space<vmem>>
    %dma_wait3A_294 = arith.constant 0 : i32
    %dma_wait3A_295 = arith.constant 0 : i32
    %dma_wait3A_296 = tpu.memref_slice %arg3[%dma_wait3A_294, %dma_wait3A_295] : memref<16384x128xf32, #tpu.memory_space<hbm>> -> memref<16384x128xf32, #tpu.memory_space<hbm>>
    tpu.wait_indirect_dma semaphore(%arg11 : memref<!tpu.dma_semaphore, #tpu.memory_space<semaphore_mem>>) src(%dma_wait3A_296 : memref<16384x128xf32, #tpu.memory_space<hbm>>) dst(%dma_wait3A_291 : memref<128x128xf32, #tpu.memory_space<vmem>>)
    %add3A_297 = arith.constant 256 : i32
    %add3A_298 = arith.addi %mul3A_2, %add3A_297 : i32
    %dma_start3A_299 = arith.constant 2 : i32
    %dma_start3A_300 = arith.constant 0 : i32
    %dma_start3A_301 = arith.constant 0 : i32
    %dma_start3A_302 = tpu.memref_slice %arg7[%dma_start3A_299, %dma_start3A_300, %dma_start3A_301] : memref<4x128x128xf32, #tpu.memory_space<vmem>> -> memref<1x128x128xf32, #tpu.memory_space<vmem>>
    %dma_start3A_303 = tpu.memref_squeeze %dma_start3A_302 : memref<1x128x128xf32, #tpu.memory_space<vmem>> -> memref<128x128xf32, #tpu.memory_space<vmem>>
    %dma_start3A_304 = arith.constant 0 : i32
    %dma_start3A_305 = tpu.memref_slice %arg4[%add3A_298, %dma_start3A_304] : memref<16384x128xf32, #tpu.memory_space<hbm>> -> memref<128x128xf32, #tpu.memory_space<hbm>>
    %dma_start3A_306 = arith.constant 0 : i32
    %dma_start3A_307 = tpu.memref_slice %arg4[%add3A_298, %dma_start3A_306] : memref<16384x128xf32, #tpu.memory_space<hbm>> -> memref<128x128xf32, #tpu.memory_space<hbm>>
    %dma_start3A_308 = arith.constant 0 : i32
    %dma_start3A_309 = arith.constant 0 : i32
    %dma_start3A_310 = tpu.memref_slice %arg7[%dma_start3A_299, %dma_start3A_308, %dma_start3A_309] : memref<4x128x128xf32, #tpu.memory_space<vmem>> -> memref<1x128x128xf32, #tpu.memory_space<vmem>>
    %dma_start3A_311 = tpu.memref_squeeze %dma_start3A_310 : memref<1x128x128xf32, #tpu.memory_space<vmem>> -> memref<128x128xf32, #tpu.memory_space<vmem>>
    tpu.enqueue_dma source(%dma_start3A_311 : memref<128x128xf32, #tpu.memory_space<vmem>>) target(%dma_start3A_307 : memref<128x128xf32, #tpu.memory_space<hbm>>) target_semaphore(%arg13 : memref<!tpu.dma_semaphore, #tpu.memory_space<semaphore_mem>>)
    %dma_wait3A_312 = arith.constant 3 : i32
    %dma_wait3A_313 = arith.constant 0 : i32
    %dma_wait3A_314 = arith.constant 0 : i32
    %dma_wait3A_315 = tpu.memref_slice %arg7[%dma_wait3A_312, %dma_wait3A_313, %dma_wait3A_314] : memref<4x128x128xf32, #tpu.memory_space<vmem>> -> memref<1x128x128xf32, #tpu.memory_space<vmem>>
    %dma_wait3A_316 = tpu.memref_squeeze %dma_wait3A_315 : memref<1x128x128xf32, #tpu.memory_space<vmem>> -> memref<128x128xf32, #tpu.memory_space<vmem>>
    %dma_wait3A_317 = arith.constant 384 : i32
    %dma_wait3A_318 = tpu.memref_slice %arg6[%dma_wait3A_317] : memref<512xi32, #tpu.memory_space<vmem>> -> memref<128xi32, #tpu.memory_space<vmem>>
    %dma_wait3A_319 = arith.constant 0 : i32
    %dma_wait3A_320 = arith.constant 0 : i32
    %dma_wait3A_321 = tpu.memref_slice %arg3[%dma_wait3A_319, %dma_wait3A_320] : memref<16384x128xf32, #tpu.memory_space<hbm>> -> memref<16384x128xf32, #tpu.memory_space<hbm>>
    tpu.wait_indirect_dma semaphore(%arg12 : memref<!tpu.dma_semaphore, #tpu.memory_space<semaphore_mem>>) src(%dma_wait3A_321 : memref<16384x128xf32, #tpu.memory_space<hbm>>) dst(%dma_wait3A_316 : memref<128x128xf32, #tpu.memory_space<vmem>>)
    %add3A_322 = arith.constant 384 : i32
    %add3A_323 = arith.addi %mul3A_2, %add3A_322 : i32
    %dma_start3A_324 = arith.constant 3 : i32
    %dma_start3A_325 = arith.constant 0 : i32
    %dma_start3A_326 = arith.constant 0 : i32
    %dma_start3A_327 = tpu.memref_slice %arg7[%dma_start3A_324, %dma_start3A_325, %dma_start3A_326] : memref<4x128x128xf32, #tpu.memory_space<vmem>> -> memref<1x128x128xf32, #tpu.memory_space<vmem>>
    %dma_start3A_328 = tpu.memref_squeeze %dma_start3A_327 : memref<1x128x128xf32, #tpu.memory_space<vmem>> -> memref<128x128xf32, #tpu.memory_space<vmem>>
    %dma_start3A_329 = arith.constant 0 : i32
    %dma_start3A_330 = tpu.memref_slice %arg4[%add3A_323, %dma_start3A_329] : memref<16384x128xf32, #tpu.memory_space<hbm>> -> memref<128x128xf32, #tpu.memory_space<hbm>>
    %dma_start3A_331 = arith.constant 0 : i32
    %dma_start3A_332 = tpu.memref_slice %arg4[%add3A_323, %dma_start3A_331] : memref<16384x128xf32, #tpu.memory_space<hbm>> -> memref<128x128xf32, #tpu.memory_space<hbm>>
    %dma_start3A_333 = arith.constant 0 : i32
    %dma_start3A_334 = arith.constant 0 : i32
    %dma_start3A_335 = tpu.memref_slice %arg7[%dma_start3A_324, %dma_start3A_333, %dma_start3A_334] : memref<4x128x128xf32, #tpu.memory_space<vmem>> -> memref<1x128x128xf32, #tpu.memory_space<vmem>>
    %dma_start3A_336 = tpu.memref_squeeze %dma_start3A_335 : memref<1x128x128xf32, #tpu.memory_space<vmem>> -> memref<128x128xf32, #tpu.memory_space<vmem>>
    tpu.enqueue_dma source(%dma_start3A_336 : memref<128x128xf32, #tpu.memory_space<vmem>>) target(%dma_start3A_332 : memref<128x128xf32, #tpu.memory_space<hbm>>) target_semaphore(%arg14 : memref<!tpu.dma_semaphore, #tpu.memory_space<semaphore_mem>>)
    %dma_wait3A_337 = arith.constant 0 : i32
    %dma_wait3A_338 = arith.constant 0 : i32
    %dma_wait3A_339 = arith.constant 0 : i32
    %dma_wait3A_340 = tpu.memref_slice %arg7[%dma_wait3A_337, %dma_wait3A_338, %dma_wait3A_339] : memref<4x128x128xf32, #tpu.memory_space<vmem>> -> memref<1x128x128xf32, #tpu.memory_space<vmem>>
    %dma_wait3A_341 = tpu.memref_squeeze %dma_wait3A_340 : memref<1x128x128xf32, #tpu.memory_space<vmem>> -> memref<128x128xf32, #tpu.memory_space<vmem>>
    %dma_wait3A_342 = arith.constant 0 : i32
    %dma_wait3A_343 = tpu.memref_slice %arg4[%add3A_248, %dma_wait3A_342] : memref<16384x128xf32, #tpu.memory_space<hbm>> -> memref<128x128xf32, #tpu.memory_space<hbm>>
    %dma_wait3A_344 = arith.constant 0 : i32
    %dma_wait3A_345 = tpu.memref_slice %arg4[%add3A_248, %dma_wait3A_344] : memref<16384x128xf32, #tpu.memory_space<hbm>> -> memref<128x128xf32, #tpu.memory_space<hbm>>
    %dma_wait3A_346 = arith.constant 0 : i32
    %dma_wait3A_347 = arith.constant 0 : i32
    %dma_wait3A_348 = tpu.memref_slice %arg7[%dma_wait3A_337, %dma_wait3A_346, %dma_wait3A_347] : memref<4x128x128xf32, #tpu.memory_space<vmem>> -> memref<1x128x128xf32, #tpu.memory_space<vmem>>
    %dma_wait3A_349 = tpu.memref_squeeze %dma_wait3A_348 : memref<1x128x128xf32, #tpu.memory_space<vmem>> -> memref<128x128xf32, #tpu.memory_space<vmem>>
    tpu.wait_dma2 semaphore(%arg13 : memref<!tpu.dma_semaphore, #tpu.memory_space<semaphore_mem>>) src(%dma_wait3A_349 : memref<128x128xf32, #tpu.memory_space<vmem>>) dst(%dma_wait3A_345 : memref<128x128xf32, #tpu.memory_space<hbm>>)
    %dma_wait3A_350 = arith.constant 1 : i32
    %dma_wait3A_351 = arith.constant 0 : i32
    %dma_wait3A_352 = arith.constant 0 : i32
    %dma_wait3A_353 = tpu.memref_slice %arg7[%dma_wait3A_350, %dma_wait3A_351, %dma_wait3A_352] : memref<4x128x128xf32, #tpu.memory_space<vmem>> -> memref<1x128x128xf32, #tpu.memory_space<vmem>>
    %dma_wait3A_354 = tpu.memref_squeeze %dma_wait3A_353 : memref<1x128x128xf32, #tpu.memory_space<vmem>> -> memref<128x128xf32, #tpu.memory_space<vmem>>
    %dma_wait3A_355 = arith.constant 0 : i32
    %dma_wait3A_356 = tpu.memref_slice %arg4[%add3A_273, %dma_wait3A_355] : memref<16384x128xf32, #tpu.memory_space<hbm>> -> memref<128x128xf32, #tpu.memory_space<hbm>>
    %dma_wait3A_357 = arith.constant 0 : i32
    %dma_wait3A_358 = tpu.memref_slice %arg4[%add3A_273, %dma_wait3A_357] : memref<16384x128xf32, #tpu.memory_space<hbm>> -> memref<128x128xf32, #tpu.memory_space<hbm>>
    %dma_wait3A_359 = arith.constant 0 : i32
    %dma_wait3A_360 = arith.constant 0 : i32
    %dma_wait3A_361 = tpu.memref_slice %arg7[%dma_wait3A_350, %dma_wait3A_359, %dma_wait3A_360] : memref<4x128x128xf32, #tpu.memory_space<vmem>> -> memref<1x128x128xf32, #tpu.memory_space<vmem>>
    %dma_wait3A_362 = tpu.memref_squeeze %dma_wait3A_361 : memref<1x128x128xf32, #tpu.memory_space<vmem>> -> memref<128x128xf32, #tpu.memory_space<vmem>>
    tpu.wait_dma2 semaphore(%arg14 : memref<!tpu.dma_semaphore, #tpu.memory_space<semaphore_mem>>) src(%dma_wait3A_362 : memref<128x128xf32, #tpu.memory_space<vmem>>) dst(%dma_wait3A_358 : memref<128x128xf32, #tpu.memory_space<hbm>>)
    %dma_wait3A_363 = arith.constant 2 : i32
    %dma_wait3A_364 = arith.constant 0 : i32
    %dma_wait3A_365 = arith.constant 0 : i32
    %dma_wait3A_366 = tpu.memref_slice %arg7[%dma_wait3A_363, %dma_wait3A_364, %dma_wait3A_365] : memref<4x128x128xf32, #tpu.memory_space<vmem>> -> memref<1x128x128xf32, #tpu.memory_space<vmem>>
    %dma_wait3A_367 = tpu.memref_squeeze %dma_wait3A_366 : memref<1x128x128xf32, #tpu.memory_space<vmem>> -> memref<128x128xf32, #tpu.memory_space<vmem>>
    %dma_wait3A_368 = arith.constant 0 : i32
    %dma_wait3A_369 = tpu.memref_slice %arg4[%add3A_298, %dma_wait3A_368] : memref<16384x128xf32, #tpu.memory_space<hbm>> -> memref<128x128xf32, #tpu.memory_space<hbm>>
    %dma_wait3A_370 = arith.constant 0 : i32
    %dma_wait3A_371 = tpu.memref_slice %arg4[%add3A_298, %dma_wait3A_370] : memref<16384x128xf32, #tpu.memory_space<hbm>> -> memref<128x128xf32, #tpu.memory_space<hbm>>
    %dma_wait3A_372 = arith.constant 0 : i32
    %dma_wait3A_373 = arith.constant 0 : i32
    %dma_wait3A_374 = tpu.memref_slice %arg7[%dma_wait3A_363, %dma_wait3A_372, %dma_wait3A_373] : memref<4x128x128xf32, #tpu.memory_space<vmem>> -> memref<1x128x128xf32, #tpu.memory_space<vmem>>
    %dma_wait3A_375 = tpu.memref_squeeze %dma_wait3A_374 : memref<1x128x128xf32, #tpu.memory_space<vmem>> -> memref<128x128xf32, #tpu.memory_space<vmem>>
    tpu.wait_dma2 semaphore(%arg13 : memref<!tpu.dma_semaphore, #tpu.memory_space<semaphore_mem>>) src(%dma_wait3A_375 : memref<128x128xf32, #tpu.memory_space<vmem>>) dst(%dma_wait3A_371 : memref<128x128xf32, #tpu.memory_space<hbm>>)
    %dma_wait3A_376 = arith.constant 3 : i32
    %dma_wait3A_377 = arith.constant 0 : i32
    %dma_wait3A_378 = arith.constant 0 : i32
    %dma_wait3A_379 = tpu.memref_slice %arg7[%dma_wait3A_376, %dma_wait3A_377, %dma_wait3A_378] : memref<4x128x128xf32, #tpu.memory_space<vmem>> -> memref<1x128x128xf32, #tpu.memory_space<vmem>>
    %dma_wait3A_380 = tpu.memref_squeeze %dma_wait3A_379 : memref<1x128x128xf32, #tpu.memory_space<vmem>> -> memref<128x128xf32, #tpu.memory_space<vmem>>
    %dma_wait3A_381 = arith.constant 0 : i32
    %dma_wait3A_382 = tpu.memref_slice %arg4[%add3A_323, %dma_wait3A_381] : memref<16384x128xf32, #tpu.memory_space<hbm>> -> memref<128x128xf32, #tpu.memory_space<hbm>>
    %dma_wait3A_383 = arith.constant 0 : i32
    %dma_wait3A_384 = tpu.memref_slice %arg4[%add3A_323, %dma_wait3A_383] : memref<16384x128xf32, #tpu.memory_space<hbm>> -> memref<128x128xf32, #tpu.memory_space<hbm>>
    %dma_wait3A_385 = arith.constant 0 : i32
    %dma_wait3A_386 = arith.constant 0 : i32
    %dma_wait3A_387 = tpu.memref_slice %arg7[%dma_wait3A_376, %dma_wait3A_385, %dma_wait3A_386] : memref<4x128x128xf32, #tpu.memory_space<vmem>> -> memref<1x128x128xf32, #tpu.memory_space<vmem>>
    %dma_wait3A_388 = tpu.memref_squeeze %dma_wait3A_387 : memref<1x128x128xf32, #tpu.memory_space<vmem>> -> memref<128x128xf32, #tpu.memory_space<vmem>>
    tpu.wait_dma2 semaphore(%arg14 : memref<!tpu.dma_semaphore, #tpu.memory_space<semaphore_mem>>) src(%dma_wait3A_388 : memref<128x128xf32, #tpu.memory_space<vmem>>) dst(%dma_wait3A_384 : memref<128x128xf32, #tpu.memory_space<hbm>>)
    return
  }
}

#map = affine_map<(d0, d1) -> (0)>
#map1 = affine_map<(d0, d1) -> (0, 0)>
module attributes {stable_mosaic.version = 14 : i64} {
  func.func @_sc_pos(%arg0: i32, %arg1: i32, %arg2: memref<16384xi32, #tpu.memory_space<hbm>>, %arg3: memref<8x16384xi32, #tpu.memory_space<hbm>>, %arg4: memref<16384xi32, #tpu.memory_space<vmem>>, %arg5: memref<2x2048xi32, #tpu.memory_space<vmem>>, %arg6: memref<100000xi32, #tpu.memory_space<vmem>>, %arg7: memref<!tpu.dma_semaphore, #tpu.memory_space<semaphore_mem>>, %arg8: memref<!tpu.dma_semaphore, #tpu.memory_space<semaphore_mem>>) attributes {dimension_semantics = [#tpu.dimension_semantics<core_parallel>, #tpu.dimension_semantics<subcore_parallel>], iteration_bounds = array<i64: 2, 16>, scalar_prefetch = 0 : i64, scratch_operands = 5 : i64, tpu.core_type = #tpu.core_type<sc_vector_subcore>, window_params = [{transform_indices = #map}, {transform_indices = #map1}]} {
    %mul3A = arith.constant 4 : i32
    %mul3A_0 = arith.muli %arg0, %mul3A : i32
    %add3A = arith.addi %mul3A_0, %arg1 : i32
    %lt3A = arith.constant 4 : i32
    %lt3A_1 = arith.cmpi slt, %arg1, %lt3A : i32
    %convert_element_type3A = arith.extui %lt3A_1 : i1 to i32
    %cond3A = arith.constant 0 : i32
    %cond3A_2 = arith.cmpi ne, %convert_element_type3A, %cond3A : i32
    scf.if %cond3A_2 {
      "tpu.region"() ({
        %run_scoped3A = tpu.sem_alloc : memref<!tpu.dma_semaphore, #tpu.memory_space<semaphore_mem>>
        tpu.enqueue_dma source(%arg2 : memref<16384xi32, #tpu.memory_space<hbm>>) target(%arg4 : memref<16384xi32, #tpu.memory_space<vmem>>) target_semaphore(%run_scoped3A : memref<!tpu.dma_semaphore, #tpu.memory_space<semaphore_mem>>)
        tpu.wait_dma2 semaphore(%run_scoped3A : memref<!tpu.dma_semaphore, #tpu.memory_space<semaphore_mem>>) src(%arg2 : memref<16384xi32, #tpu.memory_space<hbm>>) dst(%arg4 : memref<16384xi32, #tpu.memory_space<vmem>>)
        tpu.yield
      }) : () -> ()
      %iota3A = tpu.iota {dimensions = array<i32: 0>} : vector<16xi32>
      %mul3A_3 = arith.constant 2048 : i32
      %mul3A_4 = arith.muli %add3A, %mul3A_3 : i32
      %broadcast_in_dim3A = arith.constant 0 : i32
      %broadcast_in_dim3A_5 = vector.broadcast %broadcast_in_dim3A : i32 to vector<16xi32>
      %scan3A = arith.constant 0 : i32
      %scan3A_6 = arith.constant 128 : i32
      %scan3A_7 = arith.addi %scan3A, %scan3A_6 : i32
      %scan3A_8 = arith.constant 1 : i32
      scf.for %scan3A_266 = %scan3A to %scan3A_7 step %scan3A_8  : i32 {
        %mul3A_267 = arith.constant 8 : i32
        %mul3A_268 = arith.muli %scan3A_266, %mul3A_267 : i32
        %add3A_269 = arith.constant 0 : i32
        %add3A_270 = arith.addi %mul3A_268, %add3A_269 : i32
        %mul3A_271 = arith.constant 16 : i32
        %mul3A_272 = arith.muli %add3A_270, %mul3A_271 : i32
        %multiple_of3A = tpu.assume_multiple %mul3A_272, 16 : i32
        %get3A = arith.index_cast %multiple_of3A : i32 to index
        %get3A_273 = tpu.vector_load %arg4[%get3A] {strides = array<i32>} : memref<16384xi32, #tpu.memory_space<vmem>>, vector<16xi32>,
        tpu.vector_store_idx %arg6[%get3A_273], %broadcast_in_dim3A_5 : memref<100000xi32, #tpu.memory_space<vmem>>[vector<16xi32>], vector<16xi32>,
        %mul3A_274 = arith.constant 8 : i32
        %mul3A_275 = arith.muli %scan3A_266, %mul3A_274 : i32
        %add3A_276 = arith.constant 1 : i32
        %add3A_277 = arith.addi %mul3A_275, %add3A_276 : i32
        %mul3A_278 = arith.constant 16 : i32
        %mul3A_279 = arith.muli %add3A_277, %mul3A_278 : i32
        %multiple_of3A_280 = tpu.assume_multiple %mul3A_279, 16 : i32
        %get3A_281 = arith.index_cast %multiple_of3A_280 : i32 to index
        %get3A_282 = tpu.vector_load %arg4[%get3A_281] {strides = array<i32>} : memref<16384xi32, #tpu.memory_space<vmem>>, vector<16xi32>,
        tpu.vector_store_idx %arg6[%get3A_282], %broadcast_in_dim3A_5 : memref<100000xi32, #tpu.memory_space<vmem>>[vector<16xi32>], vector<16xi32>,
        %mul3A_283 = arith.constant 8 : i32
        %mul3A_284 = arith.muli %scan3A_266, %mul3A_283 : i32
        %add3A_285 = arith.constant 2 : i32
        %add3A_286 = arith.addi %mul3A_284, %add3A_285 : i32
        %mul3A_287 = arith.constant 16 : i32
        %mul3A_288 = arith.muli %add3A_286, %mul3A_287 : i32
        %multiple_of3A_289 = tpu.assume_multiple %mul3A_288, 16 : i32
        %get3A_290 = arith.index_cast %multiple_of3A_289 : i32 to index
        %get3A_291 = tpu.vector_load %arg4[%get3A_290] {strides = array<i32>} : memref<16384xi32, #tpu.memory_space<vmem>>, vector<16xi32>,
        tpu.vector_store_idx %arg6[%get3A_291], %broadcast_in_dim3A_5 : memref<100000xi32, #tpu.memory_space<vmem>>[vector<16xi32>], vector<16xi32>,
        %mul3A_292 = arith.constant 8 : i32
        %mul3A_293 = arith.muli %scan3A_266, %mul3A_292 : i32
        %add3A_294 = arith.constant 3 : i32
        %add3A_295 = arith.addi %mul3A_293, %add3A_294 : i32
        %mul3A_296 = arith.constant 16 : i32
        %mul3A_297 = arith.muli %add3A_295, %mul3A_296 : i32
        %multiple_of3A_298 = tpu.assume_multiple %mul3A_297, 16 : i32
        %get3A_299 = arith.index_cast %multiple_of3A_298 : i32 to index
        %get3A_300 = tpu.vector_load %arg4[%get3A_299] {strides = array<i32>} : memref<16384xi32, #tpu.memory_space<vmem>>, vector<16xi32>,
        tpu.vector_store_idx %arg6[%get3A_300], %broadcast_in_dim3A_5 : memref<100000xi32, #tpu.memory_space<vmem>>[vector<16xi32>], vector<16xi32>,
        %mul3A_301 = arith.constant 8 : i32
        %mul3A_302 = arith.muli %scan3A_266, %mul3A_301 : i32
        %add3A_303 = arith.constant 4 : i32
        %add3A_304 = arith.addi %mul3A_302, %add3A_303 : i32
        %mul3A_305 = arith.constant 16 : i32
        %mul3A_306 = arith.muli %add3A_304, %mul3A_305 : i32
        %multiple_of3A_307 = tpu.assume_multiple %mul3A_306, 16 : i32
        %get3A_308 = arith.index_cast %multiple_of3A_307 : i32 to index
        %get3A_309 = tpu.vector_load %arg4[%get3A_308] {strides = array<i32>} : memref<16384xi32, #tpu.memory_space<vmem>>, vector<16xi32>,
        tpu.vector_store_idx %arg6[%get3A_309], %broadcast_in_dim3A_5 : memref<100000xi32, #tpu.memory_space<vmem>>[vector<16xi32>], vector<16xi32>,
        %mul3A_310 = arith.constant 8 : i32
        %mul3A_311 = arith.muli %scan3A_266, %mul3A_310 : i32
        %add3A_312 = arith.constant 5 : i32
        %add3A_313 = arith.addi %mul3A_311, %add3A_312 : i32
        %mul3A_314 = arith.constant 16 : i32
        %mul3A_315 = arith.muli %add3A_313, %mul3A_314 : i32
        %multiple_of3A_316 = tpu.assume_multiple %mul3A_315, 16 : i32
        %get3A_317 = arith.index_cast %multiple_of3A_316 : i32 to index
        %get3A_318 = tpu.vector_load %arg4[%get3A_317] {strides = array<i32>} : memref<16384xi32, #tpu.memory_space<vmem>>, vector<16xi32>,
        tpu.vector_store_idx %arg6[%get3A_318], %broadcast_in_dim3A_5 : memref<100000xi32, #tpu.memory_space<vmem>>[vector<16xi32>], vector<16xi32>,
        %mul3A_319 = arith.constant 8 : i32
        %mul3A_320 = arith.muli %scan3A_266, %mul3A_319 : i32
        %add3A_321 = arith.constant 6 : i32
        %add3A_322 = arith.addi %mul3A_320, %add3A_321 : i32
        %mul3A_323 = arith.constant 16 : i32
        %mul3A_324 = arith.muli %add3A_322, %mul3A_323 : i32
        %multiple_of3A_325 = tpu.assume_multiple %mul3A_324, 16 : i32
        %get3A_326 = arith.index_cast %multiple_of3A_325 : i32 to index
        %get3A_327 = tpu.vector_load %arg4[%get3A_326] {strides = array<i32>} : memref<16384xi32, #tpu.memory_space<vmem>>, vector<16xi32>,
        tpu.vector_store_idx %arg6[%get3A_327], %broadcast_in_dim3A_5 : memref<100000xi32, #tpu.memory_space<vmem>>[vector<16xi32>], vector<16xi32>,
        %mul3A_328 = arith.constant 8 : i32
        %mul3A_329 = arith.muli %scan3A_266, %mul3A_328 : i32
        %add3A_330 = arith.constant 7 : i32
        %add3A_331 = arith.addi %mul3A_329, %add3A_330 : i32
        %mul3A_332 = arith.constant 16 : i32
        %mul3A_333 = arith.muli %add3A_331, %mul3A_332 : i32
        %multiple_of3A_334 = tpu.assume_multiple %mul3A_333, 16 : i32
        %get3A_335 = arith.index_cast %multiple_of3A_334 : i32 to index
        %get3A_336 = tpu.vector_load %arg4[%get3A_335] {strides = array<i32>} : memref<16384xi32, #tpu.memory_space<vmem>>, vector<16xi32>,
        tpu.vector_store_idx %arg6[%get3A_336], %broadcast_in_dim3A_5 : memref<100000xi32, #tpu.memory_space<vmem>>[vector<16xi32>], vector<16xi32>,
      }
      %scan3A_9 = arith.constant 128 : i32
      %add3A_10 = arith.constant 1 : i32
      %add3A_11 = vector.broadcast %add3A_10 : i32 to vector<16xi32>
      %add3A_12 = arith.addi %iota3A, %add3A_11 : vector<16xi32>
      %min3A = arith.constant 15 : i32
      %min3A_13 = vector.broadcast %min3A : i32 to vector<16xi32>
      %min3A_14 = arith.minsi %add3A_12, %min3A_13 : vector<16xi32>
      %scan3A_15 = arith.constant 0 : i32
      %scan3A_16 = arith.constant 64 : i32
      %scan3A_17 = arith.addi %scan3A_15, %scan3A_16 : i32
      %scan3A_18 = arith.constant 1 : i32
      scf.for %scan3A_266 = %scan3A_15 to %scan3A_17 step %scan3A_18  : i32 {
        %mul3A_267 = arith.constant 2 : i32
        %mul3A_268 = arith.muli %scan3A_266, %mul3A_267 : i32
        %add3A_269 = arith.constant 0 : i32
        %add3A_270 = arith.addi %mul3A_268, %add3A_269 : i32
        %mul3A_271 = arith.constant 16 : i32
        %mul3A_272 = arith.muli %add3A_270, %mul3A_271 : i32
        %add3A_273 = arith.addi %mul3A_4, %mul3A_272 : i32
        %multiple_of3A = tpu.assume_multiple %add3A_273, 16 : i32
        %get3A = arith.index_cast %multiple_of3A : i32 to index
        %get3A_274 = tpu.vector_load %arg4[%get3A] {strides = array<i32>} : memref<16384xi32, #tpu.memory_space<vmem>>, vector<16xi32>,
        %shift_left3A = arith.constant 14 : i32
        %shift_left3A_275 = vector.broadcast %shift_left3A : i32 to vector<16xi32>
        %shift_left3A_276 = arith.shli %get3A_274, %shift_left3A_275 : vector<16xi32>
        %add3A_277 = vector.broadcast %multiple_of3A : i32 to vector<16xi32>
        %add3A_278 = arith.addi %iota3A, %add3A_277 : vector<16xi32>
        %or3A = arith.ori %shift_left3A_276, %add3A_278 : vector<16xi32>
        %sort3A = arith.constant dense<true> : vector<16xi1>
        %sort3A_279, %sort3A_280, %sort3A_281 = tpu.sort %or3A, %or3A masked %sort3A : (vector<16xi32>, vector<16xi32>, vector<16xi1>) -> (vector<16xi1>, vector<16xi32>, vector<16xi32>)
        %lt3A_282 = arith.constant 0 : i32
        %lt3A_283 = vector.broadcast %lt3A_282 : i32 to vector<16xi32>
        %lt3A_284 = arith.cmpi slt, %min3A_14, %lt3A_283 : vector<16xi32>
        %add3A_285 = arith.constant 16 : i32
        %add3A_286 = vector.broadcast %add3A_285 : i32 to vector<16xi32>
        %add3A_287 = arith.addi %min3A_14, %add3A_286 : vector<16xi32>
        %select_n3A = arith.select %lt3A_284, %add3A_287, %min3A_14 : vector<16xi1>, vector<16xi32>
        %broadcast_in_dim3A_288 = vector.shape_cast %select_n3A : vector<16xi32> to vector<16x1xi32>
        %gather3A = vector.shape_cast %broadcast_in_dim3A_288 : vector<16x1xi32> to vector<16xi32>
        %gather3A_289 = tpu.dynamic_gather %sort3A_280[%gather3A] in [0] : vector<16xi32>, vector<16xi32> -> vector<16xi32>
        %shift_right_arithmetic3A = arith.constant 14 : i32
        %shift_right_arithmetic3A_290 = vector.broadcast %shift_right_arithmetic3A : i32 to vector<16xi32>
        %shift_right_arithmetic3A_291 = arith.shrsi %sort3A_280, %shift_right_arithmetic3A_290 : vector<16xi32>
        %shift_right_arithmetic3A_292 = arith.constant 14 : i32
        %shift_right_arithmetic3A_293 = vector.broadcast %shift_right_arithmetic3A_292 : i32 to vector<16xi32>
        %shift_right_arithmetic3A_294 = arith.shrsi %gather3A_289, %shift_right_arithmetic3A_293 : vector<16xi32>
        %ne3A = arith.cmpi ne, %shift_right_arithmetic3A_291, %shift_right_arithmetic3A_294 : vector<16xi32>
        %eq3A = arith.constant 15 : i32
        %eq3A_295 = vector.broadcast %eq3A : i32 to vector<16xi32>
        %eq3A_296 = arith.cmpi eq, %iota3A, %eq3A_295 : vector<16xi32>
        %or3A_297 = arith.ori %ne3A, %eq3A_296 : vector<16xi1>
        %shift_right_arithmetic3A_298 = arith.constant 14 : i32
        %shift_right_arithmetic3A_299 = vector.broadcast %shift_right_arithmetic3A_298 : i32 to vector<16xi32>
        %shift_right_arithmetic3A_300 = arith.shrsi %sort3A_280, %shift_right_arithmetic3A_299 : vector<16xi32>
        %and3A = arith.constant 16383 : i32
        %and3A_301 = vector.broadcast %and3A : i32 to vector<16xi32>
        %and3A_302 = arith.andi %sort3A_280, %and3A_301 : vector<16xi32>
        tpu.vector_store_idx %arg6[%shift_right_arithmetic3A_300], %and3A_302 masked %or3A_297 : memref<100000xi32, #tpu.memory_space<vmem>>[vector<16xi32>], vector<16xi32>, vector<16xi1>
        %mul3A_303 = arith.constant 2 : i32
        %mul3A_304 = arith.muli %scan3A_266, %mul3A_303 : i32
        %add3A_305 = arith.constant 1 : i32
        %add3A_306 = arith.addi %mul3A_304, %add3A_305 : i32
        %mul3A_307 = arith.constant 16 : i32
        %mul3A_308 = arith.muli %add3A_306, %mul3A_307 : i32
        %add3A_309 = arith.addi %mul3A_4, %mul3A_308 : i32
        %multiple_of3A_310 = tpu.assume_multiple %add3A_309, 16 : i32
        %get3A_311 = arith.index_cast %multiple_of3A_310 : i32 to index
        %get3A_312 = tpu.vector_load %arg4[%get3A_311] {strides = array<i32>} : memref<16384xi32, #tpu.memory_space<vmem>>, vector<16xi32>,
        %shift_left3A_313 = arith.constant 14 : i32
        %shift_left3A_314 = vector.broadcast %shift_left3A_313 : i32 to vector<16xi32>
        %shift_left3A_315 = arith.shli %get3A_312, %shift_left3A_314 : vector<16xi32>
        %add3A_316 = vector.broadcast %multiple_of3A_310 : i32 to vector<16xi32>
        %add3A_317 = arith.addi %iota3A, %add3A_316 : vector<16xi32>
        %or3A_318 = arith.ori %shift_left3A_315, %add3A_317 : vector<16xi32>
        %sort3A_319 = arith.constant dense<true> : vector<16xi1>
        %sort3A_320, %sort3A_321, %sort3A_322 = tpu.sort %or3A_318, %or3A_318 masked %sort3A_319 : (vector<16xi32>, vector<16xi32>, vector<16xi1>) -> (vector<16xi1>, vector<16xi32>, vector<16xi32>)
        %lt3A_323 = arith.constant 0 : i32
        %lt3A_324 = vector.broadcast %lt3A_323 : i32 to vector<16xi32>
        %lt3A_325 = arith.cmpi slt, %min3A_14, %lt3A_324 : vector<16xi32>
        %add3A_326 = arith.constant 16 : i32
        %add3A_327 = vector.broadcast %add3A_326 : i32 to vector<16xi32>
        %add3A_328 = arith.addi %min3A_14, %add3A_327 : vector<16xi32>
        %select_n3A_329 = arith.select %lt3A_325, %add3A_328, %min3A_14 : vector<16xi1>, vector<16xi32>
        %broadcast_in_dim3A_330 = vector.shape_cast %select_n3A_329 : vector<16xi32> to vector<16x1xi32>
        %gather3A_331 = vector.shape_cast %broadcast_in_dim3A_330 : vector<16x1xi32> to vector<16xi32>
        %gather3A_332 = tpu.dynamic_gather %sort3A_321[%gather3A_331] in [0] : vector<16xi32>, vector<16xi32> -> vector<16xi32>
        %shift_right_arithmetic3A_333 = arith.constant 14 : i32
        %shift_right_arithmetic3A_334 = vector.broadcast %shift_right_arithmetic3A_333 : i32 to vector<16xi32>
        %shift_right_arithmetic3A_335 = arith.shrsi %sort3A_321, %shift_right_arithmetic3A_334 : vector<16xi32>
        %shift_right_arithmetic3A_336 = arith.constant 14 : i32
        %shift_right_arithmetic3A_337 = vector.broadcast %shift_right_arithmetic3A_336 : i32 to vector<16xi32>
        %shift_right_arithmetic3A_338 = arith.shrsi %gather3A_332, %shift_right_arithmetic3A_337 : vector<16xi32>
        %ne3A_339 = arith.cmpi ne, %shift_right_arithmetic3A_335, %shift_right_arithmetic3A_338 : vector<16xi32>
        %eq3A_340 = arith.constant 15 : i32
        %eq3A_341 = vector.broadcast %eq3A_340 : i32 to vector<16xi32>
        %eq3A_342 = arith.cmpi eq, %iota3A, %eq3A_341 : vector<16xi32>
        %or3A_343 = arith.ori %ne3A_339, %eq3A_342 : vector<16xi1>
        %shift_right_arithmetic3A_344 = arith.constant 14 : i32
        %shift_right_arithmetic3A_345 = vector.broadcast %shift_right_arithmetic3A_344 : i32 to vector<16xi32>
        %shift_right_arithmetic3A_346 = arith.shrsi %sort3A_321, %shift_right_arithmetic3A_345 : vector<16xi32>
        %and3A_347 = arith.constant 16383 : i32
        %and3A_348 = vector.broadcast %and3A_347 : i32 to vector<16xi32>
        %and3A_349 = arith.andi %sort3A_321, %and3A_348 : vector<16xi32>
        tpu.vector_store_idx %arg6[%shift_right_arithmetic3A_346], %and3A_349 masked %or3A_343 : memref<100000xi32, #tpu.memory_space<vmem>>[vector<16xi32>], vector<16xi32>, vector<16xi1>
      }
      %scan3A_19 = arith.constant 64 : i32
      %scan3A_20 = arith.constant 0 : i32
      %scan3A_21 = arith.constant 16 : i32
      %scan3A_22 = arith.addi %scan3A_20, %scan3A_21 : i32
      %scan3A_23 = arith.constant 1 : i32
      scf.for %scan3A_266 = %scan3A_20 to %scan3A_22 step %scan3A_23  : i32 {
        %mul3A_267 = arith.constant 8 : i32
        %mul3A_268 = arith.muli %scan3A_266, %mul3A_267 : i32
        %add3A_269 = arith.constant 0 : i32
        %add3A_270 = arith.addi %mul3A_268, %add3A_269 : i32
        %mul3A_271 = arith.constant 16 : i32
        %mul3A_272 = arith.muli %add3A_270, %mul3A_271 : i32
        %add3A_273 = arith.constant 0 : i32
        %add3A_274 = arith.addi %add3A_273, %mul3A_272 : i32
        %multiple_of3A = tpu.assume_multiple %add3A_274, 16 : i32
        %get3A = arith.index_cast %multiple_of3A : i32 to index
        %get3A_275 = tpu.vector_load %arg4[%get3A] {strides = array<i32>} : memref<16384xi32, #tpu.memory_space<vmem>>, vector<16xi32>,
        %mul3A_276 = arith.constant 8 : i32
        %mul3A_277 = arith.muli %scan3A_266, %mul3A_276 : i32
        %add3A_278 = arith.constant 0 : i32
        %add3A_279 = arith.addi %mul3A_277, %add3A_278 : i32
        %mul3A_280 = arith.constant 16 : i32
        %mul3A_281 = arith.muli %add3A_279, %mul3A_280 : i32
        %multiple_of3A_282 = tpu.assume_multiple %mul3A_281, 16 : i32
        %gather3A = tpu.vector_load_idx %arg6[%get3A_275] : memref<100000xi32, #tpu.memory_space<vmem>>[vector<16xi32>], vector<16xi32>,
        %swap3A = arith.constant 0 : i32
        %swap3A_283 = arith.index_cast %swap3A : i32 to index
        %swap3A_284 = arith.index_cast %multiple_of3A_282 : i32 to index
        %swap3A_285 = tpu.vector_load %arg5[%swap3A_283, %swap3A_284] {strides = array<i32>} : memref<2x2048xi32, #tpu.memory_space<vmem>>, vector<16xi32>,
        tpu.vector_store %arg5[%swap3A_283, %swap3A_284], %gather3A {strides = array<i32>} : memref<2x2048xi32, #tpu.memory_space<vmem>>, vector<16xi32>,
        %mul3A_286 = arith.constant 8 : i32
        %mul3A_287 = arith.muli %scan3A_266, %mul3A_286 : i32
        %add3A_288 = arith.constant 1 : i32
        %add3A_289 = arith.addi %mul3A_287, %add3A_288 : i32
        %mul3A_290 = arith.constant 16 : i32
        %mul3A_291 = arith.muli %add3A_289, %mul3A_290 : i32
        %add3A_292 = arith.constant 0 : i32
        %add3A_293 = arith.addi %add3A_292, %mul3A_291 : i32
        %multiple_of3A_294 = tpu.assume_multiple %add3A_293, 16 : i32
        %get3A_295 = arith.index_cast %multiple_of3A_294 : i32 to index
        %get3A_296 = tpu.vector_load %arg4[%get3A_295] {strides = array<i32>} : memref<16384xi32, #tpu.memory_space<vmem>>, vector<16xi32>,
        %mul3A_297 = arith.constant 8 : i32
        %mul3A_298 = arith.muli %scan3A_266, %mul3A_297 : i32
        %add3A_299 = arith.constant 1 : i32
        %add3A_300 = arith.addi %mul3A_298, %add3A_299 : i32
        %mul3A_301 = arith.constant 16 : i32
        %mul3A_302 = arith.muli %add3A_300, %mul3A_301 : i32
        %multiple_of3A_303 = tpu.assume_multiple %mul3A_302, 16 : i32
        %gather3A_304 = tpu.vector_load_idx %arg6[%get3A_296] : memref<100000xi32, #tpu.memory_space<vmem>>[vector<16xi32>], vector<16xi32>,
        %swap3A_305 = arith.constant 0 : i32
        %swap3A_306 = arith.index_cast %swap3A_305 : i32 to index
        %swap3A_307 = arith.index_cast %multiple_of3A_303 : i32 to index
        %swap3A_308 = tpu.vector_load %arg5[%swap3A_306, %swap3A_307] {strides = array<i32>} : memref<2x2048xi32, #tpu.memory_space<vmem>>, vector<16xi32>,
        tpu.vector_store %arg5[%swap3A_306, %swap3A_307], %gather3A_304 {strides = array<i32>} : memref<2x2048xi32, #tpu.memory_space<vmem>>, vector<16xi32>,
        %mul3A_309 = arith.constant 8 : i32
        %mul3A_310 = arith.muli %scan3A_266, %mul3A_309 : i32
        %add3A_311 = arith.constant 2 : i32
        %add3A_312 = arith.addi %mul3A_310, %add3A_311 : i32
        %mul3A_313 = arith.constant 16 : i32
        %mul3A_314 = arith.muli %add3A_312, %mul3A_313 : i32
        %add3A_315 = arith.constant 0 : i32
        %add3A_316 = arith.addi %add3A_315, %mul3A_314 : i32
        %multiple_of3A_317 = tpu.assume_multiple %add3A_316, 16 : i32
        %get3A_318 = arith.index_cast %multiple_of3A_317 : i32 to index
        %get3A_319 = tpu.vector_load %arg4[%get3A_318] {strides = array<i32>} : memref<16384xi32, #tpu.memory_space<vmem>>, vector<16xi32>,
        %mul3A_320 = arith.constant 8 : i32
        %mul3A_321 = arith.muli %scan3A_266, %mul3A_320 : i32
        %add3A_322 = arith.constant 2 : i32
        %add3A_323 = arith.addi %mul3A_321, %add3A_322 : i32
        %mul3A_324 = arith.constant 16 : i32
        %mul3A_325 = arith.muli %add3A_323, %mul3A_324 : i32
        %multiple_of3A_326 = tpu.assume_multiple %mul3A_325, 16 : i32
        %gather3A_327 = tpu.vector_load_idx %arg6[%get3A_319] : memref<100000xi32, #tpu.memory_space<vmem>>[vector<16xi32>], vector<16xi32>,
        %swap3A_328 = arith.constant 0 : i32
        %swap3A_329 = arith.index_cast %swap3A_328 : i32 to index
        %swap3A_330 = arith.index_cast %multiple_of3A_326 : i32 to index
        %swap3A_331 = tpu.vector_load %arg5[%swap3A_329, %swap3A_330] {strides = array<i32>} : memref<2x2048xi32, #tpu.memory_space<vmem>>, vector<16xi32>,
        tpu.vector_store %arg5[%swap3A_329, %swap3A_330], %gather3A_327 {strides = array<i32>} : memref<2x2048xi32, #tpu.memory_space<vmem>>, vector<16xi32>,
        %mul3A_332 = arith.constant 8 : i32
        %mul3A_333 = arith.muli %scan3A_266, %mul3A_332 : i32
        %add3A_334 = arith.constant 3 : i32
        %add3A_335 = arith.addi %mul3A_333, %add3A_334 : i32
        %mul3A_336 = arith.constant 16 : i32
        %mul3A_337 = arith.muli %add3A_335, %mul3A_336 : i32
        %add3A_338 = arith.constant 0 : i32
        %add3A_339 = arith.addi %add3A_338, %mul3A_337 : i32
        %multiple_of3A_340 = tpu.assume_multiple %add3A_339, 16 : i32
        %get3A_341 = arith.index_cast %multiple_of3A_340 : i32 to index
        %get3A_342 = tpu.vector_load %arg4[%get3A_341] {strides = array<i32>} : memref<16384xi32, #tpu.memory_space<vmem>>, vector<16xi32>,
        %mul3A_343 = arith.constant 8 : i32
        %mul3A_344 = arith.muli %scan3A_266, %mul3A_343 : i32
        %add3A_345 = arith.constant 3 : i32
        %add3A_346 = arith.addi %mul3A_344, %add3A_345 : i32
        %mul3A_347 = arith.constant 16 : i32
        %mul3A_348 = arith.muli %add3A_346, %mul3A_347 : i32
        %multiple_of3A_349 = tpu.assume_multiple %mul3A_348, 16 : i32
        %gather3A_350 = tpu.vector_load_idx %arg6[%get3A_342] : memref<100000xi32, #tpu.memory_space<vmem>>[vector<16xi32>], vector<16xi32>,
        %swap3A_351 = arith.constant 0 : i32
        %swap3A_352 = arith.index_cast %swap3A_351 : i32 to index
        %swap3A_353 = arith.index_cast %multiple_of3A_349 : i32 to index
        %swap3A_354 = tpu.vector_load %arg5[%swap3A_352, %swap3A_353] {strides = array<i32>} : memref<2x2048xi32, #tpu.memory_space<vmem>>, vector<16xi32>,
        tpu.vector_store %arg5[%swap3A_352, %swap3A_353], %gather3A_350 {strides = array<i32>} : memref<2x2048xi32, #tpu.memory_space<vmem>>, vector<16xi32>,
        %mul3A_355 = arith.constant 8 : i32
        %mul3A_356 = arith.muli %scan3A_266, %mul3A_355 : i32
        %add3A_357 = arith.constant 4 : i32
        %add3A_358 = arith.addi %mul3A_356, %add3A_357 : i32
        %mul3A_359 = arith.constant 16 : i32
        %mul3A_360 = arith.muli %add3A_358, %mul3A_359 : i32
        %add3A_361 = arith.constant 0 : i32
        %add3A_362 = arith.addi %add3A_361, %mul3A_360 : i32
        %multiple_of3A_363 = tpu.assume_multiple %add3A_362, 16 : i32
        %get3A_364 = arith.index_cast %multiple_of3A_363 : i32 to index
        %get3A_365 = tpu.vector_load %arg4[%get3A_364] {strides = array<i32>} : memref<16384xi32, #tpu.memory_space<vmem>>, vector<16xi32>,
        %mul3A_366 = arith.constant 8 : i32
        %mul3A_367 = arith.muli %scan3A_266, %mul3A_366 : i32
        %add3A_368 = arith.constant 4 : i32
        %add3A_369 = arith.addi %mul3A_367, %add3A_368 : i32
        %mul3A_370 = arith.constant 16 : i32
        %mul3A_371 = arith.muli %add3A_369, %mul3A_370 : i32
        %multiple_of3A_372 = tpu.assume_multiple %mul3A_371, 16 : i32
        %gather3A_373 = tpu.vector_load_idx %arg6[%get3A_365] : memref<100000xi32, #tpu.memory_space<vmem>>[vector<16xi32>], vector<16xi32>,
        %swap3A_374 = arith.constant 0 : i32
        %swap3A_375 = arith.index_cast %swap3A_374 : i32 to index
        %swap3A_376 = arith.index_cast %multiple_of3A_372 : i32 to index
        %swap3A_377 = tpu.vector_load %arg5[%swap3A_375, %swap3A_376] {strides = array<i32>} : memref<2x2048xi32, #tpu.memory_space<vmem>>, vector<16xi32>,
        tpu.vector_store %arg5[%swap3A_375, %swap3A_376], %gather3A_373 {strides = array<i32>} : memref<2x2048xi32, #tpu.memory_space<vmem>>, vector<16xi32>,
        %mul3A_378 = arith.constant 8 : i32
        %mul3A_379 = arith.muli %scan3A_266, %mul3A_378 : i32
        %add3A_380 = arith.constant 5 : i32
        %add3A_381 = arith.addi %mul3A_379, %add3A_380 : i32
        %mul3A_382 = arith.constant 16 : i32
        %mul3A_383 = arith.muli %add3A_381, %mul3A_382 : i32
        %add3A_384 = arith.constant 0 : i32
        %add3A_385 = arith.addi %add3A_384, %mul3A_383 : i32
        %multiple_of3A_386 = tpu.assume_multiple %add3A_385, 16 : i32
        %get3A_387 = arith.index_cast %multiple_of3A_386 : i32 to index
        %get3A_388 = tpu.vector_load %arg4[%get3A_387] {strides = array<i32>} : memref<16384xi32, #tpu.memory_space<vmem>>, vector<16xi32>,
        %mul3A_389 = arith.constant 8 : i32
        %mul3A_390 = arith.muli %scan3A_266, %mul3A_389 : i32
        %add3A_391 = arith.constant 5 : i32
        %add3A_392 = arith.addi %mul3A_390, %add3A_391 : i32
        %mul3A_393 = arith.constant 16 : i32
        %mul3A_394 = arith.muli %add3A_392, %mul3A_393 : i32
        %multiple_of3A_395 = tpu.assume_multiple %mul3A_394, 16 : i32
        %gather3A_396 = tpu.vector_load_idx %arg6[%get3A_388] : memref<100000xi32, #tpu.memory_space<vmem>>[vector<16xi32>], vector<16xi32>,
        %swap3A_397 = arith.constant 0 : i32
        %swap3A_398 = arith.index_cast %swap3A_397 : i32 to index
        %swap3A_399 = arith.index_cast %multiple_of3A_395 : i32 to index
        %swap3A_400 = tpu.vector_load %arg5[%swap3A_398, %swap3A_399] {strides = array<i32>} : memref<2x2048xi32, #tpu.memory_space<vmem>>, vector<16xi32>,
        tpu.vector_store %arg5[%swap3A_398, %swap3A_399], %gather3A_396 {strides = array<i32>} : memref<2x2048xi32, #tpu.memory_space<vmem>>, vector<16xi32>,
        %mul3A_401 = arith.constant 8 : i32
        %mul3A_402 = arith.muli %scan3A_266, %mul3A_401 : i32
        %add3A_403 = arith.constant 6 : i32
        %add3A_404 = arith.addi %mul3A_402, %add3A_403 : i32
        %mul3A_405 = arith.constant 16 : i32
        %mul3A_406 = arith.muli %add3A_404, %mul3A_405 : i32
        %add3A_407 = arith.constant 0 : i32
        %add3A_408 = arith.addi %add3A_407, %mul3A_406 : i32
        %multiple_of3A_409 = tpu.assume_multiple %add3A_408, 16 : i32
        %get3A_410 = arith.index_cast %multiple_of3A_409 : i32 to index
        %get3A_411 = tpu.vector_load %arg4[%get3A_410] {strides = array<i32>} : memref<16384xi32, #tpu.memory_space<vmem>>, vector<16xi32>,
        %mul3A_412 = arith.constant 8 : i32
        %mul3A_413 = arith.muli %scan3A_266, %mul3A_412 : i32
        %add3A_414 = arith.constant 6 : i32
        %add3A_415 = arith.addi %mul3A_413, %add3A_414 : i32
        %mul3A_416 = arith.constant 16 : i32
        %mul3A_417 = arith.muli %add3A_415, %mul3A_416 : i32
        %multiple_of3A_418 = tpu.assume_multiple %mul3A_417, 16 : i32
        %gather3A_419 = tpu.vector_load_idx %arg6[%get3A_411] : memref<100000xi32, #tpu.memory_space<vmem>>[vector<16xi32>], vector<16xi32>,
        %swap3A_420 = arith.constant 0 : i32
        %swap3A_421 = arith.index_cast %swap3A_420 : i32 to index
        %swap3A_422 = arith.index_cast %multiple_of3A_418 : i32 to index
        %swap3A_423 = tpu.vector_load %arg5[%swap3A_421, %swap3A_422] {strides = array<i32>} : memref<2x2048xi32, #tpu.memory_space<vmem>>, vector<16xi32>,
        tpu.vector_store %arg5[%swap3A_421, %swap3A_422], %gather3A_419 {strides = array<i32>} : memref<2x2048xi32, #tpu.memory_space<vmem>>, vector<16xi32>,
        %mul3A_424 = arith.constant 8 : i32
        %mul3A_425 = arith.muli %scan3A_266, %mul3A_424 : i32
        %add3A_426 = arith.constant 7 : i32
        %add3A_427 = arith.addi %mul3A_425, %add3A_426 : i32
        %mul3A_428 = arith.constant 16 : i32
        %mul3A_429 = arith.muli %add3A_427, %mul3A_428 : i32
        %add3A_430 = arith.constant 0 : i32
        %add3A_431 = arith.addi %add3A_430, %mul3A_429 : i32
        %multiple_of3A_432 = tpu.assume_multiple %add3A_431, 16 : i32
        %get3A_433 = arith.index_cast %multiple_of3A_432 : i32 to index
        %get3A_434 = tpu.vector_load %arg4[%get3A_433] {strides = array<i32>} : memref<16384xi32, #tpu.memory_space<vmem>>, vector<16xi32>,
        %mul3A_435 = arith.constant 8 : i32
        %mul3A_436 = arith.muli %scan3A_266, %mul3A_435 : i32
        %add3A_437 = arith.constant 7 : i32
        %add3A_438 = arith.addi %mul3A_436, %add3A_437 : i32
        %mul3A_439 = arith.constant 16 : i32
        %mul3A_440 = arith.muli %add3A_438, %mul3A_439 : i32
        %multiple_of3A_441 = tpu.assume_multiple %mul3A_440, 16 : i32
        %gather3A_442 = tpu.vector_load_idx %arg6[%get3A_434] : memref<100000xi32, #tpu.memory_space<vmem>>[vector<16xi32>], vector<16xi32>,
        %swap3A_443 = arith.constant 0 : i32
        %swap3A_444 = arith.index_cast %swap3A_443 : i32 to index
        %swap3A_445 = arith.index_cast %multiple_of3A_441 : i32 to index
        %swap3A_446 = tpu.vector_load %arg5[%swap3A_444, %swap3A_445] {strides = array<i32>} : memref<2x2048xi32, #tpu.memory_space<vmem>>, vector<16xi32>,
        tpu.vector_store %arg5[%swap3A_444, %swap3A_445], %gather3A_442 {strides = array<i32>} : memref<2x2048xi32, #tpu.memory_space<vmem>>, vector<16xi32>,
      }
      %scan3A_24 = arith.constant 16 : i32
      %dma_start3A = arith.constant 0 : i32
      %dma_start3A_25 = arith.constant 0 : i32
      %dma_start3A_26 = tpu.memref_slice %arg5[%dma_start3A, %dma_start3A_25] : memref<2x2048xi32, #tpu.memory_space<vmem>> -> memref<1x2048xi32, #tpu.memory_space<vmem>>
      %dma_start3A_27 = tpu.memref_squeeze %dma_start3A_26 : memref<1x2048xi32, #tpu.memory_space<vmem>> -> memref<2048xi32, #tpu.memory_space<vmem>>
      %dma_start3A_28 = arith.constant 0 : i32
      %dma_start3A_29 = tpu.memref_slice %arg3[%add3A, %dma_start3A_28] : memref<8x16384xi32, #tpu.memory_space<hbm>> -> memref<1x2048xi32, #tpu.memory_space<hbm>>
      %dma_start3A_30 = tpu.memref_squeeze %dma_start3A_29 : memref<1x2048xi32, #tpu.memory_space<hbm>> -> memref<2048xi32, #tpu.memory_space<hbm>>
      %dma_start3A_31 = arith.constant 0 : i32
      %dma_start3A_32 = tpu.memref_slice %arg3[%add3A, %dma_start3A_31] : memref<8x16384xi32, #tpu.memory_space<hbm>> -> memref<1x2048xi32, #tpu.memory_space<hbm>>
      %dma_start3A_33 = tpu.memref_squeeze %dma_start3A_32 : memref<1x2048xi32, #tpu.memory_space<hbm>> -> memref<2048xi32, #tpu.memory_space<hbm>>
      %dma_start3A_34 = arith.constant 0 : i32
      %dma_start3A_35 = tpu.memref_slice %arg5[%dma_start3A, %dma_start3A_34] : memref<2x2048xi32, #tpu.memory_space<vmem>> -> memref<1x2048xi32, #tpu.memory_space<vmem>>
      %dma_start3A_36 = tpu.memref_squeeze %dma_start3A_35 : memref<1x2048xi32, #tpu.memory_space<vmem>> -> memref<2048xi32, #tpu.memory_space<vmem>>
      tpu.enqueue_dma source(%dma_start3A_36 : memref<2048xi32, #tpu.memory_space<vmem>>) target(%dma_start3A_33 : memref<2048xi32, #tpu.memory_space<hbm>>) target_semaphore(%arg7 : memref<!tpu.dma_semaphore, #tpu.memory_space<semaphore_mem>>)
      %scan3A_37 = arith.constant 0 : i32
      %scan3A_38 = arith.constant 16 : i32
      %scan3A_39 = arith.addi %scan3A_37, %scan3A_38 : i32
      %scan3A_40 = arith.constant 1 : i32
      scf.for %scan3A_266 = %scan3A_37 to %scan3A_39 step %scan3A_40  : i32 {
        %mul3A_267 = arith.constant 8 : i32
        %mul3A_268 = arith.muli %scan3A_266, %mul3A_267 : i32
        %add3A_269 = arith.constant 0 : i32
        %add3A_270 = arith.addi %mul3A_268, %add3A_269 : i32
        %mul3A_271 = arith.constant 16 : i32
        %mul3A_272 = arith.muli %add3A_270, %mul3A_271 : i32
        %add3A_273 = arith.constant 2048 : i32
        %add3A_274 = arith.addi %add3A_273, %mul3A_272 : i32
        %multiple_of3A = tpu.assume_multiple %add3A_274, 16 : i32
        %get3A = arith.index_cast %multiple_of3A : i32 to index
        %get3A_275 = tpu.vector_load %arg4[%get3A] {strides = array<i32>} : memref<16384xi32, #tpu.memory_space<vmem>>, vector<16xi32>,
        %mul3A_276 = arith.constant 8 : i32
        %mul3A_277 = arith.muli %scan3A_266, %mul3A_276 : i32
        %add3A_278 = arith.constant 0 : i32
        %add3A_279 = arith.addi %mul3A_277, %add3A_278 : i32
        %mul3A_280 = arith.constant 16 : i32
        %mul3A_281 = arith.muli %add3A_279, %mul3A_280 : i32
        %multiple_of3A_282 = tpu.assume_multiple %mul3A_281, 16 : i32
        %gather3A = tpu.vector_load_idx %arg6[%get3A_275] : memref<100000xi32, #tpu.memory_space<vmem>>[vector<16xi32>], vector<16xi32>,
        %swap3A = arith.constant 1 : i32
        %swap3A_283 = arith.index_cast %swap3A : i32 to index
        %swap3A_284 = arith.index_cast %multiple_of3A_282 : i32 to index
        %swap3A_285 = tpu.vector_load %arg5[%swap3A_283, %swap3A_284] {strides = array<i32>} : memref<2x2048xi32, #tpu.memory_space<vmem>>, vector<16xi32>,
        tpu.vector_store %arg5[%swap3A_283, %swap3A_284], %gather3A {strides = array<i32>} : memref<2x2048xi32, #tpu.memory_space<vmem>>, vector<16xi32>,
        %mul3A_286 = arith.constant 8 : i32
        %mul3A_287 = arith.muli %scan3A_266, %mul3A_286 : i32
        %add3A_288 = arith.constant 1 : i32
        %add3A_289 = arith.addi %mul3A_287, %add3A_288 : i32
        %mul3A_290 = arith.constant 16 : i32
        %mul3A_291 = arith.muli %add3A_289, %mul3A_290 : i32
        %add3A_292 = arith.constant 2048 : i32
        %add3A_293 = arith.addi %add3A_292, %mul3A_291 : i32
        %multiple_of3A_294 = tpu.assume_multiple %add3A_293, 16 : i32
        %get3A_295 = arith.index_cast %multiple_of3A_294 : i32 to index
        %get3A_296 = tpu.vector_load %arg4[%get3A_295] {strides = array<i32>} : memref<16384xi32, #tpu.memory_space<vmem>>, vector<16xi32>,
        %mul3A_297 = arith.constant 8 : i32
        %mul3A_298 = arith.muli %scan3A_266, %mul3A_297 : i32
        %add3A_299 = arith.constant 1 : i32
        %add3A_300 = arith.addi %mul3A_298, %add3A_299 : i32
        %mul3A_301 = arith.constant 16 : i32
        %mul3A_302 = arith.muli %add3A_300, %mul3A_301 : i32
        %multiple_of3A_303 = tpu.assume_multiple %mul3A_302, 16 : i32
        %gather3A_304 = tpu.vector_load_idx %arg6[%get3A_296] : memref<100000xi32, #tpu.memory_space<vmem>>[vector<16xi32>], vector<16xi32>,
        %swap3A_305 = arith.constant 1 : i32
        %swap3A_306 = arith.index_cast %swap3A_305 : i32 to index
        %swap3A_307 = arith.index_cast %multiple_of3A_303 : i32 to index
        %swap3A_308 = tpu.vector_load %arg5[%swap3A_306, %swap3A_307] {strides = array<i32>} : memref<2x2048xi32, #tpu.memory_space<vmem>>, vector<16xi32>,
        tpu.vector_store %arg5[%swap3A_306, %swap3A_307], %gather3A_304 {strides = array<i32>} : memref<2x2048xi32, #tpu.memory_space<vmem>>, vector<16xi32>,
        %mul3A_309 = arith.constant 8 : i32
        %mul3A_310 = arith.muli %scan3A_266, %mul3A_309 : i32
        %add3A_311 = arith.constant 2 : i32
        %add3A_312 = arith.addi %mul3A_310, %add3A_311 : i32
        %mul3A_313 = arith.constant 16 : i32
        %mul3A_314 = arith.muli %add3A_312, %mul3A_313 : i32
        %add3A_315 = arith.constant 2048 : i32
        %add3A_316 = arith.addi %add3A_315, %mul3A_314 : i32
        %multiple_of3A_317 = tpu.assume_multiple %add3A_316, 16 : i32
        %get3A_318 = arith.index_cast %multiple_of3A_317 : i32 to index
        %get3A_319 = tpu.vector_load %arg4[%get3A_318] {strides = array<i32>} : memref<16384xi32, #tpu.memory_space<vmem>>, vector<16xi32>,
        %mul3A_320 = arith.constant 8 : i32
        %mul3A_321 = arith.muli %scan3A_266, %mul3A_320 : i32
        %add3A_322 = arith.constant 2 : i32
        %add3A_323 = arith.addi %mul3A_321, %add3A_322 : i32
        %mul3A_324 = arith.constant 16 : i32
        %mul3A_325 = arith.muli %add3A_323, %mul3A_324 : i32
        %multiple_of3A_326 = tpu.assume_multiple %mul3A_325, 16 : i32
        %gather3A_327 = tpu.vector_load_idx %arg6[%get3A_319] : memref<100000xi32, #tpu.memory_space<vmem>>[vector<16xi32>], vector<16xi32>,
        %swap3A_328 = arith.constant 1 : i32
        %swap3A_329 = arith.index_cast %swap3A_328 : i32 to index
        %swap3A_330 = arith.index_cast %multiple_of3A_326 : i32 to index
        %swap3A_331 = tpu.vector_load %arg5[%swap3A_329, %swap3A_330] {strides = array<i32>} : memref<2x2048xi32, #tpu.memory_space<vmem>>, vector<16xi32>,
        tpu.vector_store %arg5[%swap3A_329, %swap3A_330], %gather3A_327 {strides = array<i32>} : memref<2x2048xi32, #tpu.memory_space<vmem>>, vector<16xi32>,
        %mul3A_332 = arith.constant 8 : i32
        %mul3A_333 = arith.muli %scan3A_266, %mul3A_332 : i32
        %add3A_334 = arith.constant 3 : i32
        %add3A_335 = arith.addi %mul3A_333, %add3A_334 : i32
        %mul3A_336 = arith.constant 16 : i32
        %mul3A_337 = arith.muli %add3A_335, %mul3A_336 : i32
        %add3A_338 = arith.constant 2048 : i32
        %add3A_339 = arith.addi %add3A_338, %mul3A_337 : i32
        %multiple_of3A_340 = tpu.assume_multiple %add3A_339, 16 : i32
        %get3A_341 = arith.index_cast %multiple_of3A_340 : i32 to index
        %get3A_342 = tpu.vector_load %arg4[%get3A_341] {strides = array<i32>} : memref<16384xi32, #tpu.memory_space<vmem>>, vector<16xi32>,
        %mul3A_343 = arith.constant 8 : i32
        %mul3A_344 = arith.muli %scan3A_266, %mul3A_343 : i32
        %add3A_345 = arith.constant 3 : i32
        %add3A_346 = arith.addi %mul3A_344, %add3A_345 : i32
        %mul3A_347 = arith.constant 16 : i32
        %mul3A_348 = arith.muli %add3A_346, %mul3A_347 : i32
        %multiple_of3A_349 = tpu.assume_multiple %mul3A_348, 16 : i32
        %gather3A_350 = tpu.vector_load_idx %arg6[%get3A_342] : memref<100000xi32, #tpu.memory_space<vmem>>[vector<16xi32>], vector<16xi32>,
        %swap3A_351 = arith.constant 1 : i32
        %swap3A_352 = arith.index_cast %swap3A_351 : i32 to index
        %swap3A_353 = arith.index_cast %multiple_of3A_349 : i32 to index
        %swap3A_354 = tpu.vector_load %arg5[%swap3A_352, %swap3A_353] {strides = array<i32>} : memref<2x2048xi32, #tpu.memory_space<vmem>>, vector<16xi32>,
        tpu.vector_store %arg5[%swap3A_352, %swap3A_353], %gather3A_350 {strides = array<i32>} : memref<2x2048xi32, #tpu.memory_space<vmem>>, vector<16xi32>,
        %mul3A_355 = arith.constant 8 : i32
        %mul3A_356 = arith.muli %scan3A_266, %mul3A_355 : i32
        %add3A_357 = arith.constant 4 : i32
        %add3A_358 = arith.addi %mul3A_356, %add3A_357 : i32
        %mul3A_359 = arith.constant 16 : i32
        %mul3A_360 = arith.muli %add3A_358, %mul3A_359 : i32
        %add3A_361 = arith.constant 2048 : i32
        %add3A_362 = arith.addi %add3A_361, %mul3A_360 : i32
        %multiple_of3A_363 = tpu.assume_multiple %add3A_362, 16 : i32
        %get3A_364 = arith.index_cast %multiple_of3A_363 : i32 to index
        %get3A_365 = tpu.vector_load %arg4[%get3A_364] {strides = array<i32>} : memref<16384xi32, #tpu.memory_space<vmem>>, vector<16xi32>,
        %mul3A_366 = arith.constant 8 : i32
        %mul3A_367 = arith.muli %scan3A_266, %mul3A_366 : i32
        %add3A_368 = arith.constant 4 : i32
        %add3A_369 = arith.addi %mul3A_367, %add3A_368 : i32
        %mul3A_370 = arith.constant 16 : i32
        %mul3A_371 = arith.muli %add3A_369, %mul3A_370 : i32
        %multiple_of3A_372 = tpu.assume_multiple %mul3A_371, 16 : i32
        %gather3A_373 = tpu.vector_load_idx %arg6[%get3A_365] : memref<100000xi32, #tpu.memory_space<vmem>>[vector<16xi32>], vector<16xi32>,
        %swap3A_374 = arith.constant 1 : i32
        %swap3A_375 = arith.index_cast %swap3A_374 : i32 to index
        %swap3A_376 = arith.index_cast %multiple_of3A_372 : i32 to index
        %swap3A_377 = tpu.vector_load %arg5[%swap3A_375, %swap3A_376] {strides = array<i32>} : memref<2x2048xi32, #tpu.memory_space<vmem>>, vector<16xi32>,
        tpu.vector_store %arg5[%swap3A_375, %swap3A_376], %gather3A_373 {strides = array<i32>} : memref<2x2048xi32, #tpu.memory_space<vmem>>, vector<16xi32>,
        %mul3A_378 = arith.constant 8 : i32
        %mul3A_379 = arith.muli %scan3A_266, %mul3A_378 : i32
        %add3A_380 = arith.constant 5 : i32
        %add3A_381 = arith.addi %mul3A_379, %add3A_380 : i32
        %mul3A_382 = arith.constant 16 : i32
        %mul3A_383 = arith.muli %add3A_381, %mul3A_382 : i32
        %add3A_384 = arith.constant 2048 : i32
        %add3A_385 = arith.addi %add3A_384, %mul3A_383 : i32
        %multiple_of3A_386 = tpu.assume_multiple %add3A_385, 16 : i32
        %get3A_387 = arith.index_cast %multiple_of3A_386 : i32 to index
        %get3A_388 = tpu.vector_load %arg4[%get3A_387] {strides = array<i32>} : memref<16384xi32, #tpu.memory_space<vmem>>, vector<16xi32>,
        %mul3A_389 = arith.constant 8 : i32
        %mul3A_390 = arith.muli %scan3A_266, %mul3A_389 : i32
        %add3A_391 = arith.constant 5 : i32
        %add3A_392 = arith.addi %mul3A_390, %add3A_391 : i32
        %mul3A_393 = arith.constant 16 : i32
        %mul3A_394 = arith.muli %add3A_392, %mul3A_393 : i32
        %multiple_of3A_395 = tpu.assume_multiple %mul3A_394, 16 : i32
        %gather3A_396 = tpu.vector_load_idx %arg6[%get3A_388] : memref<100000xi32, #tpu.memory_space<vmem>>[vector<16xi32>], vector<16xi32>,
        %swap3A_397 = arith.constant 1 : i32
        %swap3A_398 = arith.index_cast %swap3A_397 : i32 to index
        %swap3A_399 = arith.index_cast %multiple_of3A_395 : i32 to index
        %swap3A_400 = tpu.vector_load %arg5[%swap3A_398, %swap3A_399] {strides = array<i32>} : memref<2x2048xi32, #tpu.memory_space<vmem>>, vector<16xi32>,
        tpu.vector_store %arg5[%swap3A_398, %swap3A_399], %gather3A_396 {strides = array<i32>} : memref<2x2048xi32, #tpu.memory_space<vmem>>, vector<16xi32>,
        %mul3A_401 = arith.constant 8 : i32
        %mul3A_402 = arith.muli %scan3A_266, %mul3A_401 : i32
        %add3A_403 = arith.constant 6 : i32
        %add3A_404 = arith.addi %mul3A_402, %add3A_403 : i32
        %mul3A_405 = arith.constant 16 : i32
        %mul3A_406 = arith.muli %add3A_404, %mul3A_405 : i32
        %add3A_407 = arith.constant 2048 : i32
        %add3A_408 = arith.addi %add3A_407, %mul3A_406 : i32
        %multiple_of3A_409 = tpu.assume_multiple %add3A_408, 16 : i32
        %get3A_410 = arith.index_cast %multiple_of3A_409 : i32 to index
        %get3A_411 = tpu.vector_load %arg4[%get3A_410] {strides = array<i32>} : memref<16384xi32, #tpu.memory_space<vmem>>, vector<16xi32>,
        %mul3A_412 = arith.constant 8 : i32
        %mul3A_413 = arith.muli %scan3A_266, %mul3A_412 : i32
        %add3A_414 = arith.constant 6 : i32
        %add3A_415 = arith.addi %mul3A_413, %add3A_414 : i32
        %mul3A_416 = arith.constant 16 : i32
        %mul3A_417 = arith.muli %add3A_415, %mul3A_416 : i32
        %multiple_of3A_418 = tpu.assume_multiple %mul3A_417, 16 : i32
        %gather3A_419 = tpu.vector_load_idx %arg6[%get3A_411] : memref<100000xi32, #tpu.memory_space<vmem>>[vector<16xi32>], vector<16xi32>,
        %swap3A_420 = arith.constant 1 : i32
        %swap3A_421 = arith.index_cast %swap3A_420 : i32 to index
        %swap3A_422 = arith.index_cast %multiple_of3A_418 : i32 to index
        %swap3A_423 = tpu.vector_load %arg5[%swap3A_421, %swap3A_422] {strides = array<i32>} : memref<2x2048xi32, #tpu.memory_space<vmem>>, vector<16xi32>,
        tpu.vector_store %arg5[%swap3A_421, %swap3A_422], %gather3A_419 {strides = array<i32>} : memref<2x2048xi32, #tpu.memory_space<vmem>>, vector<16xi32>,
        %mul3A_424 = arith.constant 8 : i32
        %mul3A_425 = arith.muli %scan3A_266, %mul3A_424 : i32
        %add3A_426 = arith.constant 7 : i32
        %add3A_427 = arith.addi %mul3A_425, %add3A_426 : i32
        %mul3A_428 = arith.constant 16 : i32
        %mul3A_429 = arith.muli %add3A_427, %mul3A_428 : i32
        %add3A_430 = arith.constant 2048 : i32
        %add3A_431 = arith.addi %add3A_430, %mul3A_429 : i32
        %multiple_of3A_432 = tpu.assume_multiple %add3A_431, 16 : i32
        %get3A_433 = arith.index_cast %multiple_of3A_432 : i32 to index
        %get3A_434 = tpu.vector_load %arg4[%get3A_433] {strides = array<i32>} : memref<16384xi32, #tpu.memory_space<vmem>>, vector<16xi32>,
        %mul3A_435 = arith.constant 8 : i32
        %mul3A_436 = arith.muli %scan3A_266, %mul3A_435 : i32
        %add3A_437 = arith.constant 7 : i32
        %add3A_438 = arith.addi %mul3A_436, %add3A_437 : i32
        %mul3A_439 = arith.constant 16 : i32
        %mul3A_440 = arith.muli %add3A_438, %mul3A_439 : i32
        %multiple_of3A_441 = tpu.assume_multiple %mul3A_440, 16 : i32
        %gather3A_442 = tpu.vector_load_idx %arg6[%get3A_434] : memref<100000xi32, #tpu.memory_space<vmem>>[vector<16xi32>], vector<16xi32>,
        %swap3A_443 = arith.constant 1 : i32
        %swap3A_444 = arith.index_cast %swap3A_443 : i32 to index
        %swap3A_445 = arith.index_cast %multiple_of3A_441 : i32 to index
        %swap3A_446 = tpu.vector_load %arg5[%swap3A_444, %swap3A_445] {strides = array<i32>} : memref<2x2048xi32, #tpu.memory_space<vmem>>, vector<16xi32>,
        tpu.vector_store %arg5[%swap3A_444, %swap3A_445], %gather3A_442 {strides = array<i32>} : memref<2x2048xi32, #tpu.memory_space<vmem>>, vector<16xi32>,
      }
      %scan3A_41 = arith.constant 16 : i32
      %dma_start3A_42 = arith.constant 1 : i32
      %dma_start3A_43 = arith.constant 0 : i32
      %dma_start3A_44 = tpu.memref_slice %arg5[%dma_start3A_42, %dma_start3A_43] : memref<2x2048xi32, #tpu.memory_space<vmem>> -> memref<1x2048xi32, #tpu.memory_space<vmem>>
      %dma_start3A_45 = tpu.memref_squeeze %dma_start3A_44 : memref<1x2048xi32, #tpu.memory_space<vmem>> -> memref<2048xi32, #tpu.memory_space<vmem>>
      %dma_start3A_46 = arith.constant 2048 : i32
      %dma_start3A_47 = tpu.memref_slice %arg3[%add3A, %dma_start3A_46] : memref<8x16384xi32, #tpu.memory_space<hbm>> -> memref<1x2048xi32, #tpu.memory_space<hbm>>
      %dma_start3A_48 = tpu.memref_squeeze %dma_start3A_47 : memref<1x2048xi32, #tpu.memory_space<hbm>> -> memref<2048xi32, #tpu.memory_space<hbm>>
      %dma_start3A_49 = arith.constant 2048 : i32
      %dma_start3A_50 = tpu.memref_slice %arg3[%add3A, %dma_start3A_49] : memref<8x16384xi32, #tpu.memory_space<hbm>> -> memref<1x2048xi32, #tpu.memory_space<hbm>>
      %dma_start3A_51 = tpu.memref_squeeze %dma_start3A_50 : memref<1x2048xi32, #tpu.memory_space<hbm>> -> memref<2048xi32, #tpu.memory_space<hbm>>
      %dma_start3A_52 = arith.constant 0 : i32
      %dma_start3A_53 = tpu.memref_slice %arg5[%dma_start3A_42, %dma_start3A_52] : memref<2x2048xi32, #tpu.memory_space<vmem>> -> memref<1x2048xi32, #tpu.memory_space<vmem>>
      %dma_start3A_54 = tpu.memref_squeeze %dma_start3A_53 : memref<1x2048xi32, #tpu.memory_space<vmem>> -> memref<2048xi32, #tpu.memory_space<vmem>>
      tpu.enqueue_dma source(%dma_start3A_54 : memref<2048xi32, #tpu.memory_space<vmem>>) target(%dma_start3A_51 : memref<2048xi32, #tpu.memory_space<hbm>>) target_semaphore(%arg8 : memref<!tpu.dma_semaphore, #tpu.memory_space<semaphore_mem>>)
      %dma_wait3A = arith.constant 0 : i32
      %dma_wait3A_55 = arith.constant 0 : i32
      %dma_wait3A_56 = tpu.memref_slice %arg5[%dma_wait3A, %dma_wait3A_55] : memref<2x2048xi32, #tpu.memory_space<vmem>> -> memref<1x2048xi32, #tpu.memory_space<vmem>>
      %dma_wait3A_57 = tpu.memref_squeeze %dma_wait3A_56 : memref<1x2048xi32, #tpu.memory_space<vmem>> -> memref<2048xi32, #tpu.memory_space<vmem>>
      %dma_wait3A_58 = arith.constant 0 : i32
      %dma_wait3A_59 = tpu.memref_slice %arg3[%add3A, %dma_wait3A_58] : memref<8x16384xi32, #tpu.memory_space<hbm>> -> memref<1x2048xi32, #tpu.memory_space<hbm>>
      %dma_wait3A_60 = tpu.memref_squeeze %dma_wait3A_59 : memref<1x2048xi32, #tpu.memory_space<hbm>> -> memref<2048xi32, #tpu.memory_space<hbm>>
      %dma_wait3A_61 = arith.constant 0 : i32
      %dma_wait3A_62 = tpu.memref_slice %arg3[%add3A, %dma_wait3A_61] : memref<8x16384xi32, #tpu.memory_space<hbm>> -> memref<1x2048xi32, #tpu.memory_space<hbm>>
      %dma_wait3A_63 = tpu.memref_squeeze %dma_wait3A_62 : memref<1x2048xi32, #tpu.memory_space<hbm>> -> memref<2048xi32, #tpu.memory_space<hbm>>
      %dma_wait3A_64 = arith.constant 0 : i32
      %dma_wait3A_65 = tpu.memref_slice %arg5[%dma_wait3A, %dma_wait3A_64] : memref<2x2048xi32, #tpu.memory_space<vmem>> -> memref<1x2048xi32, #tpu.memory_space<vmem>>
      %dma_wait3A_66 = tpu.memref_squeeze %dma_wait3A_65 : memref<1x2048xi32, #tpu.memory_space<vmem>> -> memref<2048xi32, #tpu.memory_space<vmem>>
      tpu.wait_dma2 semaphore(%arg7 : memref<!tpu.dma_semaphore, #tpu.memory_space<semaphore_mem>>) src(%dma_wait3A_66 : memref<2048xi32, #tpu.memory_space<vmem>>) dst(%dma_wait3A_63 : memref<2048xi32, #tpu.memory_space<hbm>>)
      %scan3A_67 = arith.constant 0 : i32
      %scan3A_68 = arith.constant 16 : i32
      %scan3A_69 = arith.addi %scan3A_67, %scan3A_68 : i32
      %scan3A_70 = arith.constant 1 : i32
      scf.for %scan3A_266 = %scan3A_67 to %scan3A_69 step %scan3A_70  : i32 {
        %mul3A_267 = arith.constant 8 : i32
        %mul3A_268 = arith.muli %scan3A_266, %mul3A_267 : i32
        %add3A_269 = arith.constant 0 : i32
        %add3A_270 = arith.addi %mul3A_268, %add3A_269 : i32
        %mul3A_271 = arith.constant 16 : i32
        %mul3A_272 = arith.muli %add3A_270, %mul3A_271 : i32
        %add3A_273 = arith.constant 4096 : i32
        %add3A_274 = arith.addi %add3A_273, %mul3A_272 : i32
        %multiple_of3A = tpu.assume_multiple %add3A_274, 16 : i32
        %get3A = arith.index_cast %multiple_of3A : i32 to index
        %get3A_275 = tpu.vector_load %arg4[%get3A] {strides = array<i32>} : memref<16384xi32, #tpu.memory_space<vmem>>, vector<16xi32>,
        %mul3A_276 = arith.constant 8 : i32
        %mul3A_277 = arith.muli %scan3A_266, %mul3A_276 : i32
        %add3A_278 = arith.constant 0 : i32
        %add3A_279 = arith.addi %mul3A_277, %add3A_278 : i32
        %mul3A_280 = arith.constant 16 : i32
        %mul3A_281 = arith.muli %add3A_279, %mul3A_280 : i32
        %multiple_of3A_282 = tpu.assume_multiple %mul3A_281, 16 : i32
        %gather3A = tpu.vector_load_idx %arg6[%get3A_275] : memref<100000xi32, #tpu.memory_space<vmem>>[vector<16xi32>], vector<16xi32>,
        %swap3A = arith.constant 0 : i32
        %swap3A_283 = arith.index_cast %swap3A : i32 to index
        %swap3A_284 = arith.index_cast %multiple_of3A_282 : i32 to index
        %swap3A_285 = tpu.vector_load %arg5[%swap3A_283, %swap3A_284] {strides = array<i32>} : memref<2x2048xi32, #tpu.memory_space<vmem>>, vector<16xi32>,
        tpu.vector_store %arg5[%swap3A_283, %swap3A_284], %gather3A {strides = array<i32>} : memref<2x2048xi32, #tpu.memory_space<vmem>>, vector<16xi32>,
        %mul3A_286 = arith.constant 8 : i32
        %mul3A_287 = arith.muli %scan3A_266, %mul3A_286 : i32
        %add3A_288 = arith.constant 1 : i32
        %add3A_289 = arith.addi %mul3A_287, %add3A_288 : i32
        %mul3A_290 = arith.constant 16 : i32
        %mul3A_291 = arith.muli %add3A_289, %mul3A_290 : i32
        %add3A_292 = arith.constant 4096 : i32
        %add3A_293 = arith.addi %add3A_292, %mul3A_291 : i32
        %multiple_of3A_294 = tpu.assume_multiple %add3A_293, 16 : i32
        %get3A_295 = arith.index_cast %multiple_of3A_294 : i32 to index
        %get3A_296 = tpu.vector_load %arg4[%get3A_295] {strides = array<i32>} : memref<16384xi32, #tpu.memory_space<vmem>>, vector<16xi32>,
        %mul3A_297 = arith.constant 8 : i32
        %mul3A_298 = arith.muli %scan3A_266, %mul3A_297 : i32
        %add3A_299 = arith.constant 1 : i32
        %add3A_300 = arith.addi %mul3A_298, %add3A_299 : i32
        %mul3A_301 = arith.constant 16 : i32
        %mul3A_302 = arith.muli %add3A_300, %mul3A_301 : i32
        %multiple_of3A_303 = tpu.assume_multiple %mul3A_302, 16 : i32
        %gather3A_304 = tpu.vector_load_idx %arg6[%get3A_296] : memref<100000xi32, #tpu.memory_space<vmem>>[vector<16xi32>], vector<16xi32>,
        %swap3A_305 = arith.constant 0 : i32
        %swap3A_306 = arith.index_cast %swap3A_305 : i32 to index
        %swap3A_307 = arith.index_cast %multiple_of3A_303 : i32 to index
        %swap3A_308 = tpu.vector_load %arg5[%swap3A_306, %swap3A_307] {strides = array<i32>} : memref<2x2048xi32, #tpu.memory_space<vmem>>, vector<16xi32>,
        tpu.vector_store %arg5[%swap3A_306, %swap3A_307], %gather3A_304 {strides = array<i32>} : memref<2x2048xi32, #tpu.memory_space<vmem>>, vector<16xi32>,
        %mul3A_309 = arith.constant 8 : i32
        %mul3A_310 = arith.muli %scan3A_266, %mul3A_309 : i32
        %add3A_311 = arith.constant 2 : i32
        %add3A_312 = arith.addi %mul3A_310, %add3A_311 : i32
        %mul3A_313 = arith.constant 16 : i32
        %mul3A_314 = arith.muli %add3A_312, %mul3A_313 : i32
        %add3A_315 = arith.constant 4096 : i32
        %add3A_316 = arith.addi %add3A_315, %mul3A_314 : i32
        %multiple_of3A_317 = tpu.assume_multiple %add3A_316, 16 : i32
        %get3A_318 = arith.index_cast %multiple_of3A_317 : i32 to index
        %get3A_319 = tpu.vector_load %arg4[%get3A_318] {strides = array<i32>} : memref<16384xi32, #tpu.memory_space<vmem>>, vector<16xi32>,
        %mul3A_320 = arith.constant 8 : i32
        %mul3A_321 = arith.muli %scan3A_266, %mul3A_320 : i32
        %add3A_322 = arith.constant 2 : i32
        %add3A_323 = arith.addi %mul3A_321, %add3A_322 : i32
        %mul3A_324 = arith.constant 16 : i32
        %mul3A_325 = arith.muli %add3A_323, %mul3A_324 : i32
        %multiple_of3A_326 = tpu.assume_multiple %mul3A_325, 16 : i32
        %gather3A_327 = tpu.vector_load_idx %arg6[%get3A_319] : memref<100000xi32, #tpu.memory_space<vmem>>[vector<16xi32>], vector<16xi32>,
        %swap3A_328 = arith.constant 0 : i32
        %swap3A_329 = arith.index_cast %swap3A_328 : i32 to index
        %swap3A_330 = arith.index_cast %multiple_of3A_326 : i32 to index
        %swap3A_331 = tpu.vector_load %arg5[%swap3A_329, %swap3A_330] {strides = array<i32>} : memref<2x2048xi32, #tpu.memory_space<vmem>>, vector<16xi32>,
        tpu.vector_store %arg5[%swap3A_329, %swap3A_330], %gather3A_327 {strides = array<i32>} : memref<2x2048xi32, #tpu.memory_space<vmem>>, vector<16xi32>,
        %mul3A_332 = arith.constant 8 : i32
        %mul3A_333 = arith.muli %scan3A_266, %mul3A_332 : i32
        %add3A_334 = arith.constant 3 : i32
        %add3A_335 = arith.addi %mul3A_333, %add3A_334 : i32
        %mul3A_336 = arith.constant 16 : i32
        %mul3A_337 = arith.muli %add3A_335, %mul3A_336 : i32
        %add3A_338 = arith.constant 4096 : i32
        %add3A_339 = arith.addi %add3A_338, %mul3A_337 : i32
        %multiple_of3A_340 = tpu.assume_multiple %add3A_339, 16 : i32
        %get3A_341 = arith.index_cast %multiple_of3A_340 : i32 to index
        %get3A_342 = tpu.vector_load %arg4[%get3A_341] {strides = array<i32>} : memref<16384xi32, #tpu.memory_space<vmem>>, vector<16xi32>,
        %mul3A_343 = arith.constant 8 : i32
        %mul3A_344 = arith.muli %scan3A_266, %mul3A_343 : i32
        %add3A_345 = arith.constant 3 : i32
        %add3A_346 = arith.addi %mul3A_344, %add3A_345 : i32
        %mul3A_347 = arith.constant 16 : i32
        %mul3A_348 = arith.muli %add3A_346, %mul3A_347 : i32
        %multiple_of3A_349 = tpu.assume_multiple %mul3A_348, 16 : i32
        %gather3A_350 = tpu.vector_load_idx %arg6[%get3A_342] : memref<100000xi32, #tpu.memory_space<vmem>>[vector<16xi32>], vector<16xi32>,
        %swap3A_351 = arith.constant 0 : i32
        %swap3A_352 = arith.index_cast %swap3A_351 : i32 to index
        %swap3A_353 = arith.index_cast %multiple_of3A_349 : i32 to index
        %swap3A_354 = tpu.vector_load %arg5[%swap3A_352, %swap3A_353] {strides = array<i32>} : memref<2x2048xi32, #tpu.memory_space<vmem>>, vector<16xi32>,
        tpu.vector_store %arg5[%swap3A_352, %swap3A_353], %gather3A_350 {strides = array<i32>} : memref<2x2048xi32, #tpu.memory_space<vmem>>, vector<16xi32>,
        %mul3A_355 = arith.constant 8 : i32
        %mul3A_356 = arith.muli %scan3A_266, %mul3A_355 : i32
        %add3A_357 = arith.constant 4 : i32
        %add3A_358 = arith.addi %mul3A_356, %add3A_357 : i32
        %mul3A_359 = arith.constant 16 : i32
        %mul3A_360 = arith.muli %add3A_358, %mul3A_359 : i32
        %add3A_361 = arith.constant 4096 : i32
        %add3A_362 = arith.addi %add3A_361, %mul3A_360 : i32
        %multiple_of3A_363 = tpu.assume_multiple %add3A_362, 16 : i32
        %get3A_364 = arith.index_cast %multiple_of3A_363 : i32 to index
        %get3A_365 = tpu.vector_load %arg4[%get3A_364] {strides = array<i32>} : memref<16384xi32, #tpu.memory_space<vmem>>, vector<16xi32>,
        %mul3A_366 = arith.constant 8 : i32
        %mul3A_367 = arith.muli %scan3A_266, %mul3A_366 : i32
        %add3A_368 = arith.constant 4 : i32
        %add3A_369 = arith.addi %mul3A_367, %add3A_368 : i32
        %mul3A_370 = arith.constant 16 : i32
        %mul3A_371 = arith.muli %add3A_369, %mul3A_370 : i32
        %multiple_of3A_372 = tpu.assume_multiple %mul3A_371, 16 : i32
        %gather3A_373 = tpu.vector_load_idx %arg6[%get3A_365] : memref<100000xi32, #tpu.memory_space<vmem>>[vector<16xi32>], vector<16xi32>,
        %swap3A_374 = arith.constant 0 : i32
        %swap3A_375 = arith.index_cast %swap3A_374 : i32 to index
        %swap3A_376 = arith.index_cast %multiple_of3A_372 : i32 to index
        %swap3A_377 = tpu.vector_load %arg5[%swap3A_375, %swap3A_376] {strides = array<i32>} : memref<2x2048xi32, #tpu.memory_space<vmem>>, vector<16xi32>,
        tpu.vector_store %arg5[%swap3A_375, %swap3A_376], %gather3A_373 {strides = array<i32>} : memref<2x2048xi32, #tpu.memory_space<vmem>>, vector<16xi32>,
        %mul3A_378 = arith.constant 8 : i32
        %mul3A_379 = arith.muli %scan3A_266, %mul3A_378 : i32
        %add3A_380 = arith.constant 5 : i32
        %add3A_381 = arith.addi %mul3A_379, %add3A_380 : i32
        %mul3A_382 = arith.constant 16 : i32
        %mul3A_383 = arith.muli %add3A_381, %mul3A_382 : i32
        %add3A_384 = arith.constant 4096 : i32
        %add3A_385 = arith.addi %add3A_384, %mul3A_383 : i32
        %multiple_of3A_386 = tpu.assume_multiple %add3A_385, 16 : i32
        %get3A_387 = arith.index_cast %multiple_of3A_386 : i32 to index
        %get3A_388 = tpu.vector_load %arg4[%get3A_387] {strides = array<i32>} : memref<16384xi32, #tpu.memory_space<vmem>>, vector<16xi32>,
        %mul3A_389 = arith.constant 8 : i32
        %mul3A_390 = arith.muli %scan3A_266, %mul3A_389 : i32
        %add3A_391 = arith.constant 5 : i32
        %add3A_392 = arith.addi %mul3A_390, %add3A_391 : i32
        %mul3A_393 = arith.constant 16 : i32
        %mul3A_394 = arith.muli %add3A_392, %mul3A_393 : i32
        %multiple_of3A_395 = tpu.assume_multiple %mul3A_394, 16 : i32
        %gather3A_396 = tpu.vector_load_idx %arg6[%get3A_388] : memref<100000xi32, #tpu.memory_space<vmem>>[vector<16xi32>], vector<16xi32>,
        %swap3A_397 = arith.constant 0 : i32
        %swap3A_398 = arith.index_cast %swap3A_397 : i32 to index
        %swap3A_399 = arith.index_cast %multiple_of3A_395 : i32 to index
        %swap3A_400 = tpu.vector_load %arg5[%swap3A_398, %swap3A_399] {strides = array<i32>} : memref<2x2048xi32, #tpu.memory_space<vmem>>, vector<16xi32>,
        tpu.vector_store %arg5[%swap3A_398, %swap3A_399], %gather3A_396 {strides = array<i32>} : memref<2x2048xi32, #tpu.memory_space<vmem>>, vector<16xi32>,
        %mul3A_401 = arith.constant 8 : i32
        %mul3A_402 = arith.muli %scan3A_266, %mul3A_401 : i32
        %add3A_403 = arith.constant 6 : i32
        %add3A_404 = arith.addi %mul3A_402, %add3A_403 : i32
        %mul3A_405 = arith.constant 16 : i32
        %mul3A_406 = arith.muli %add3A_404, %mul3A_405 : i32
        %add3A_407 = arith.constant 4096 : i32
        %add3A_408 = arith.addi %add3A_407, %mul3A_406 : i32
        %multiple_of3A_409 = tpu.assume_multiple %add3A_408, 16 : i32
        %get3A_410 = arith.index_cast %multiple_of3A_409 : i32 to index
        %get3A_411 = tpu.vector_load %arg4[%get3A_410] {strides = array<i32>} : memref<16384xi32, #tpu.memory_space<vmem>>, vector<16xi32>,
        %mul3A_412 = arith.constant 8 : i32
        %mul3A_413 = arith.muli %scan3A_266, %mul3A_412 : i32
        %add3A_414 = arith.constant 6 : i32
        %add3A_415 = arith.addi %mul3A_413, %add3A_414 : i32
        %mul3A_416 = arith.constant 16 : i32
        %mul3A_417 = arith.muli %add3A_415, %mul3A_416 : i32
        %multiple_of3A_418 = tpu.assume_multiple %mul3A_417, 16 : i32
        %gather3A_419 = tpu.vector_load_idx %arg6[%get3A_411] : memref<100000xi32, #tpu.memory_space<vmem>>[vector<16xi32>], vector<16xi32>,
        %swap3A_420 = arith.constant 0 : i32
        %swap3A_421 = arith.index_cast %swap3A_420 : i32 to index
        %swap3A_422 = arith.index_cast %multiple_of3A_418 : i32 to index
        %swap3A_423 = tpu.vector_load %arg5[%swap3A_421, %swap3A_422] {strides = array<i32>} : memref<2x2048xi32, #tpu.memory_space<vmem>>, vector<16xi32>,
        tpu.vector_store %arg5[%swap3A_421, %swap3A_422], %gather3A_419 {strides = array<i32>} : memref<2x2048xi32, #tpu.memory_space<vmem>>, vector<16xi32>,
        %mul3A_424 = arith.constant 8 : i32
        %mul3A_425 = arith.muli %scan3A_266, %mul3A_424 : i32
        %add3A_426 = arith.constant 7 : i32
        %add3A_427 = arith.addi %mul3A_425, %add3A_426 : i32
        %mul3A_428 = arith.constant 16 : i32
        %mul3A_429 = arith.muli %add3A_427, %mul3A_428 : i32
        %add3A_430 = arith.constant 4096 : i32
        %add3A_431 = arith.addi %add3A_430, %mul3A_429 : i32
        %multiple_of3A_432 = tpu.assume_multiple %add3A_431, 16 : i32
        %get3A_433 = arith.index_cast %multiple_of3A_432 : i32 to index
        %get3A_434 = tpu.vector_load %arg4[%get3A_433] {strides = array<i32>} : memref<16384xi32, #tpu.memory_space<vmem>>, vector<16xi32>,
        %mul3A_435 = arith.constant 8 : i32
        %mul3A_436 = arith.muli %scan3A_266, %mul3A_435 : i32
        %add3A_437 = arith.constant 7 : i32
        %add3A_438 = arith.addi %mul3A_436, %add3A_437 : i32
        %mul3A_439 = arith.constant 16 : i32
        %mul3A_440 = arith.muli %add3A_438, %mul3A_439 : i32
        %multiple_of3A_441 = tpu.assume_multiple %mul3A_440, 16 : i32
        %gather3A_442 = tpu.vector_load_idx %arg6[%get3A_434] : memref<100000xi32, #tpu.memory_space<vmem>>[vector<16xi32>], vector<16xi32>,
        %swap3A_443 = arith.constant 0 : i32
        %swap3A_444 = arith.index_cast %swap3A_443 : i32 to index
        %swap3A_445 = arith.index_cast %multiple_of3A_441 : i32 to index
        %swap3A_446 = tpu.vector_load %arg5[%swap3A_444, %swap3A_445] {strides = array<i32>} : memref<2x2048xi32, #tpu.memory_space<vmem>>, vector<16xi32>,
        tpu.vector_store %arg5[%swap3A_444, %swap3A_445], %gather3A_442 {strides = array<i32>} : memref<2x2048xi32, #tpu.memory_space<vmem>>, vector<16xi32>,
      }
      %scan3A_71 = arith.constant 16 : i32
      %dma_start3A_72 = arith.constant 0 : i32
      %dma_start3A_73 = arith.constant 0 : i32
      %dma_start3A_74 = tpu.memref_slice %arg5[%dma_start3A_72, %dma_start3A_73] : memref<2x2048xi32, #tpu.memory_space<vmem>> -> memref<1x2048xi32, #tpu.memory_space<vmem>>
      %dma_start3A_75 = tpu.memref_squeeze %dma_start3A_74 : memref<1x2048xi32, #tpu.memory_space<vmem>> -> memref<2048xi32, #tpu.memory_space<vmem>>
      %dma_start3A_76 = arith.constant 4096 : i32
      %dma_start3A_77 = tpu.memref_slice %arg3[%add3A, %dma_start3A_76] : memref<8x16384xi32, #tpu.memory_space<hbm>> -> memref<1x2048xi32, #tpu.memory_space<hbm>>
      %dma_start3A_78 = tpu.memref_squeeze %dma_start3A_77 : memref<1x2048xi32, #tpu.memory_space<hbm>> -> memref<2048xi32, #tpu.memory_space<hbm>>
      %dma_start3A_79 = arith.constant 4096 : i32
      %dma_start3A_80 = tpu.memref_slice %arg3[%add3A, %dma_start3A_79] : memref<8x16384xi32, #tpu.memory_space<hbm>> -> memref<1x2048xi32, #tpu.memory_space<hbm>>
      %dma_start3A_81 = tpu.memref_squeeze %dma_start3A_80 : memref<1x2048xi32, #tpu.memory_space<hbm>> -> memref<2048xi32, #tpu.memory_space<hbm>>
      %dma_start3A_82 = arith.constant 0 : i32
      %dma_start3A_83 = tpu.memref_slice %arg5[%dma_start3A_72, %dma_start3A_82] : memref<2x2048xi32, #tpu.memory_space<vmem>> -> memref<1x2048xi32, #tpu.memory_space<vmem>>
      %dma_start3A_84 = tpu.memref_squeeze %dma_start3A_83 : memref<1x2048xi32, #tpu.memory_space<vmem>> -> memref<2048xi32, #tpu.memory_space<vmem>>
      tpu.enqueue_dma source(%dma_start3A_84 : memref<2048xi32, #tpu.memory_space<vmem>>) target(%dma_start3A_81 : memref<2048xi32, #tpu.memory_space<hbm>>) target_semaphore(%arg7 : memref<!tpu.dma_semaphore, #tpu.memory_space<semaphore_mem>>)
      %dma_wait3A_85 = arith.constant 1 : i32
      %dma_wait3A_86 = arith.constant 0 : i32
      %dma_wait3A_87 = tpu.memref_slice %arg5[%dma_wait3A_85, %dma_wait3A_86] : memref<2x2048xi32, #tpu.memory_space<vmem>> -> memref<1x2048xi32, #tpu.memory_space<vmem>>
      %dma_wait3A_88 = tpu.memref_squeeze %dma_wait3A_87 : memref<1x2048xi32, #tpu.memory_space<vmem>> -> memref<2048xi32, #tpu.memory_space<vmem>>
      %dma_wait3A_89 = arith.constant 2048 : i32
      %dma_wait3A_90 = tpu.memref_slice %arg3[%add3A, %dma_wait3A_89] : memref<8x16384xi32, #tpu.memory_space<hbm>> -> memref<1x2048xi32, #tpu.memory_space<hbm>>
      %dma_wait3A_91 = tpu.memref_squeeze %dma_wait3A_90 : memref<1x2048xi32, #tpu.memory_space<hbm>> -> memref<2048xi32, #tpu.memory_space<hbm>>
      %dma_wait3A_92 = arith.constant 2048 : i32
      %dma_wait3A_93 = tpu.memref_slice %arg3[%add3A, %dma_wait3A_92] : memref<8x16384xi32, #tpu.memory_space<hbm>> -> memref<1x2048xi32, #tpu.memory_space<hbm>>
      %dma_wait3A_94 = tpu.memref_squeeze %dma_wait3A_93 : memref<1x2048xi32, #tpu.memory_space<hbm>> -> memref<2048xi32, #tpu.memory_space<hbm>>
      %dma_wait3A_95 = arith.constant 0 : i32
      %dma_wait3A_96 = tpu.memref_slice %arg5[%dma_wait3A_85, %dma_wait3A_95] : memref<2x2048xi32, #tpu.memory_space<vmem>> -> memref<1x2048xi32, #tpu.memory_space<vmem>>
      %dma_wait3A_97 = tpu.memref_squeeze %dma_wait3A_96 : memref<1x2048xi32, #tpu.memory_space<vmem>> -> memref<2048xi32, #tpu.memory_space<vmem>>
      tpu.wait_dma2 semaphore(%arg8 : memref<!tpu.dma_semaphore, #tpu.memory_space<semaphore_mem>>) src(%dma_wait3A_97 : memref<2048xi32, #tpu.memory_space<vmem>>) dst(%dma_wait3A_94 : memref<2048xi32, #tpu.memory_space<hbm>>)
      %scan3A_98 = arith.constant 0 : i32
      %scan3A_99 = arith.constant 16 : i32
      %scan3A_100 = arith.addi %scan3A_98, %scan3A_99 : i32
      %scan3A_101 = arith.constant 1 : i32
      scf.for %scan3A_266 = %scan3A_98 to %scan3A_100 step %scan3A_101  : i32 {
        %mul3A_267 = arith.constant 8 : i32
        %mul3A_268 = arith.muli %scan3A_266, %mul3A_267 : i32
        %add3A_269 = arith.constant 0 : i32
        %add3A_270 = arith.addi %mul3A_268, %add3A_269 : i32
        %mul3A_271 = arith.constant 16 : i32
        %mul3A_272 = arith.muli %add3A_270, %mul3A_271 : i32
        %add3A_273 = arith.constant 6144 : i32
        %add3A_274 = arith.addi %add3A_273, %mul3A_272 : i32
        %multiple_of3A = tpu.assume_multiple %add3A_274, 16 : i32
        %get3A = arith.index_cast %multiple_of3A : i32 to index
        %get3A_275 = tpu.vector_load %arg4[%get3A] {strides = array<i32>} : memref<16384xi32, #tpu.memory_space<vmem>>, vector<16xi32>,
        %mul3A_276 = arith.constant 8 : i32
        %mul3A_277 = arith.muli %scan3A_266, %mul3A_276 : i32
        %add3A_278 = arith.constant 0 : i32
        %add3A_279 = arith.addi %mul3A_277, %add3A_278 : i32
        %mul3A_280 = arith.constant 16 : i32
        %mul3A_281 = arith.muli %add3A_279, %mul3A_280 : i32
        %multiple_of3A_282 = tpu.assume_multiple %mul3A_281, 16 : i32
        %gather3A = tpu.vector_load_idx %arg6[%get3A_275] : memref<100000xi32, #tpu.memory_space<vmem>>[vector<16xi32>], vector<16xi32>,
        %swap3A = arith.constant 1 : i32
        %swap3A_283 = arith.index_cast %swap3A : i32 to index
        %swap3A_284 = arith.index_cast %multiple_of3A_282 : i32 to index
        %swap3A_285 = tpu.vector_load %arg5[%swap3A_283, %swap3A_284] {strides = array<i32>} : memref<2x2048xi32, #tpu.memory_space<vmem>>, vector<16xi32>,
        tpu.vector_store %arg5[%swap3A_283, %swap3A_284], %gather3A {strides = array<i32>} : memref<2x2048xi32, #tpu.memory_space<vmem>>, vector<16xi32>,
        %mul3A_286 = arith.constant 8 : i32
        %mul3A_287 = arith.muli %scan3A_266, %mul3A_286 : i32
        %add3A_288 = arith.constant 1 : i32
        %add3A_289 = arith.addi %mul3A_287, %add3A_288 : i32
        %mul3A_290 = arith.constant 16 : i32
        %mul3A_291 = arith.muli %add3A_289, %mul3A_290 : i32
        %add3A_292 = arith.constant 6144 : i32
        %add3A_293 = arith.addi %add3A_292, %mul3A_291 : i32
        %multiple_of3A_294 = tpu.assume_multiple %add3A_293, 16 : i32
        %get3A_295 = arith.index_cast %multiple_of3A_294 : i32 to index
        %get3A_296 = tpu.vector_load %arg4[%get3A_295] {strides = array<i32>} : memref<16384xi32, #tpu.memory_space<vmem>>, vector<16xi32>,
        %mul3A_297 = arith.constant 8 : i32
        %mul3A_298 = arith.muli %scan3A_266, %mul3A_297 : i32
        %add3A_299 = arith.constant 1 : i32
        %add3A_300 = arith.addi %mul3A_298, %add3A_299 : i32
        %mul3A_301 = arith.constant 16 : i32
        %mul3A_302 = arith.muli %add3A_300, %mul3A_301 : i32
        %multiple_of3A_303 = tpu.assume_multiple %mul3A_302, 16 : i32
        %gather3A_304 = tpu.vector_load_idx %arg6[%get3A_296] : memref<100000xi32, #tpu.memory_space<vmem>>[vector<16xi32>], vector<16xi32>,
        %swap3A_305 = arith.constant 1 : i32
        %swap3A_306 = arith.index_cast %swap3A_305 : i32 to index
        %swap3A_307 = arith.index_cast %multiple_of3A_303 : i32 to index
        %swap3A_308 = tpu.vector_load %arg5[%swap3A_306, %swap3A_307] {strides = array<i32>} : memref<2x2048xi32, #tpu.memory_space<vmem>>, vector<16xi32>,
        tpu.vector_store %arg5[%swap3A_306, %swap3A_307], %gather3A_304 {strides = array<i32>} : memref<2x2048xi32, #tpu.memory_space<vmem>>, vector<16xi32>,
        %mul3A_309 = arith.constant 8 : i32
        %mul3A_310 = arith.muli %scan3A_266, %mul3A_309 : i32
        %add3A_311 = arith.constant 2 : i32
        %add3A_312 = arith.addi %mul3A_310, %add3A_311 : i32
        %mul3A_313 = arith.constant 16 : i32
        %mul3A_314 = arith.muli %add3A_312, %mul3A_313 : i32
        %add3A_315 = arith.constant 6144 : i32
        %add3A_316 = arith.addi %add3A_315, %mul3A_314 : i32
        %multiple_of3A_317 = tpu.assume_multiple %add3A_316, 16 : i32
        %get3A_318 = arith.index_cast %multiple_of3A_317 : i32 to index
        %get3A_319 = tpu.vector_load %arg4[%get3A_318] {strides = array<i32>} : memref<16384xi32, #tpu.memory_space<vmem>>, vector<16xi32>,
        %mul3A_320 = arith.constant 8 : i32
        %mul3A_321 = arith.muli %scan3A_266, %mul3A_320 : i32
        %add3A_322 = arith.constant 2 : i32
        %add3A_323 = arith.addi %mul3A_321, %add3A_322 : i32
        %mul3A_324 = arith.constant 16 : i32
        %mul3A_325 = arith.muli %add3A_323, %mul3A_324 : i32
        %multiple_of3A_326 = tpu.assume_multiple %mul3A_325, 16 : i32
        %gather3A_327 = tpu.vector_load_idx %arg6[%get3A_319] : memref<100000xi32, #tpu.memory_space<vmem>>[vector<16xi32>], vector<16xi32>,
        %swap3A_328 = arith.constant 1 : i32
        %swap3A_329 = arith.index_cast %swap3A_328 : i32 to index
        %swap3A_330 = arith.index_cast %multiple_of3A_326 : i32 to index
        %swap3A_331 = tpu.vector_load %arg5[%swap3A_329, %swap3A_330] {strides = array<i32>} : memref<2x2048xi32, #tpu.memory_space<vmem>>, vector<16xi32>,
        tpu.vector_store %arg5[%swap3A_329, %swap3A_330], %gather3A_327 {strides = array<i32>} : memref<2x2048xi32, #tpu.memory_space<vmem>>, vector<16xi32>,
        %mul3A_332 = arith.constant 8 : i32
        %mul3A_333 = arith.muli %scan3A_266, %mul3A_332 : i32
        %add3A_334 = arith.constant 3 : i32
        %add3A_335 = arith.addi %mul3A_333, %add3A_334 : i32
        %mul3A_336 = arith.constant 16 : i32
        %mul3A_337 = arith.muli %add3A_335, %mul3A_336 : i32
        %add3A_338 = arith.constant 6144 : i32
        %add3A_339 = arith.addi %add3A_338, %mul3A_337 : i32
        %multiple_of3A_340 = tpu.assume_multiple %add3A_339, 16 : i32
        %get3A_341 = arith.index_cast %multiple_of3A_340 : i32 to index
        %get3A_342 = tpu.vector_load %arg4[%get3A_341] {strides = array<i32>} : memref<16384xi32, #tpu.memory_space<vmem>>, vector<16xi32>,
        %mul3A_343 = arith.constant 8 : i32
        %mul3A_344 = arith.muli %scan3A_266, %mul3A_343 : i32
        %add3A_345 = arith.constant 3 : i32
        %add3A_346 = arith.addi %mul3A_344, %add3A_345 : i32
        %mul3A_347 = arith.constant 16 : i32
        %mul3A_348 = arith.muli %add3A_346, %mul3A_347 : i32
        %multiple_of3A_349 = tpu.assume_multiple %mul3A_348, 16 : i32
        %gather3A_350 = tpu.vector_load_idx %arg6[%get3A_342] : memref<100000xi32, #tpu.memory_space<vmem>>[vector<16xi32>], vector<16xi32>,
        %swap3A_351 = arith.constant 1 : i32
        %swap3A_352 = arith.index_cast %swap3A_351 : i32 to index
        %swap3A_353 = arith.index_cast %multiple_of3A_349 : i32 to index
        %swap3A_354 = tpu.vector_load %arg5[%swap3A_352, %swap3A_353] {strides = array<i32>} : memref<2x2048xi32, #tpu.memory_space<vmem>>, vector<16xi32>,
        tpu.vector_store %arg5[%swap3A_352, %swap3A_353], %gather3A_350 {strides = array<i32>} : memref<2x2048xi32, #tpu.memory_space<vmem>>, vector<16xi32>,
        %mul3A_355 = arith.constant 8 : i32
        %mul3A_356 = arith.muli %scan3A_266, %mul3A_355 : i32
        %add3A_357 = arith.constant 4 : i32
        %add3A_358 = arith.addi %mul3A_356, %add3A_357 : i32
        %mul3A_359 = arith.constant 16 : i32
        %mul3A_360 = arith.muli %add3A_358, %mul3A_359 : i32
        %add3A_361 = arith.constant 6144 : i32
        %add3A_362 = arith.addi %add3A_361, %mul3A_360 : i32
        %multiple_of3A_363 = tpu.assume_multiple %add3A_362, 16 : i32
        %get3A_364 = arith.index_cast %multiple_of3A_363 : i32 to index
        %get3A_365 = tpu.vector_load %arg4[%get3A_364] {strides = array<i32>} : memref<16384xi32, #tpu.memory_space<vmem>>, vector<16xi32>,
        %mul3A_366 = arith.constant 8 : i32
        %mul3A_367 = arith.muli %scan3A_266, %mul3A_366 : i32
        %add3A_368 = arith.constant 4 : i32
        %add3A_369 = arith.addi %mul3A_367, %add3A_368 : i32
        %mul3A_370 = arith.constant 16 : i32
        %mul3A_371 = arith.muli %add3A_369, %mul3A_370 : i32
        %multiple_of3A_372 = tpu.assume_multiple %mul3A_371, 16 : i32
        %gather3A_373 = tpu.vector_load_idx %arg6[%get3A_365] : memref<100000xi32, #tpu.memory_space<vmem>>[vector<16xi32>], vector<16xi32>,
        %swap3A_374 = arith.constant 1 : i32
        %swap3A_375 = arith.index_cast %swap3A_374 : i32 to index
        %swap3A_376 = arith.index_cast %multiple_of3A_372 : i32 to index
        %swap3A_377 = tpu.vector_load %arg5[%swap3A_375, %swap3A_376] {strides = array<i32>} : memref<2x2048xi32, #tpu.memory_space<vmem>>, vector<16xi32>,
        tpu.vector_store %arg5[%swap3A_375, %swap3A_376], %gather3A_373 {strides = array<i32>} : memref<2x2048xi32, #tpu.memory_space<vmem>>, vector<16xi32>,
        %mul3A_378 = arith.constant 8 : i32
        %mul3A_379 = arith.muli %scan3A_266, %mul3A_378 : i32
        %add3A_380 = arith.constant 5 : i32
        %add3A_381 = arith.addi %mul3A_379, %add3A_380 : i32
        %mul3A_382 = arith.constant 16 : i32
        %mul3A_383 = arith.muli %add3A_381, %mul3A_382 : i32
        %add3A_384 = arith.constant 6144 : i32
        %add3A_385 = arith.addi %add3A_384, %mul3A_383 : i32
        %multiple_of3A_386 = tpu.assume_multiple %add3A_385, 16 : i32
        %get3A_387 = arith.index_cast %multiple_of3A_386 : i32 to index
        %get3A_388 = tpu.vector_load %arg4[%get3A_387] {strides = array<i32>} : memref<16384xi32, #tpu.memory_space<vmem>>, vector<16xi32>,
        %mul3A_389 = arith.constant 8 : i32
        %mul3A_390 = arith.muli %scan3A_266, %mul3A_389 : i32
        %add3A_391 = arith.constant 5 : i32
        %add3A_392 = arith.addi %mul3A_390, %add3A_391 : i32
        %mul3A_393 = arith.constant 16 : i32
        %mul3A_394 = arith.muli %add3A_392, %mul3A_393 : i32
        %multiple_of3A_395 = tpu.assume_multiple %mul3A_394, 16 : i32
        %gather3A_396 = tpu.vector_load_idx %arg6[%get3A_388] : memref<100000xi32, #tpu.memory_space<vmem>>[vector<16xi32>], vector<16xi32>,
        %swap3A_397 = arith.constant 1 : i32
        %swap3A_398 = arith.index_cast %swap3A_397 : i32 to index
        %swap3A_399 = arith.index_cast %multiple_of3A_395 : i32 to index
        %swap3A_400 = tpu.vector_load %arg5[%swap3A_398, %swap3A_399] {strides = array<i32>} : memref<2x2048xi32, #tpu.memory_space<vmem>>, vector<16xi32>,
        tpu.vector_store %arg5[%swap3A_398, %swap3A_399], %gather3A_396 {strides = array<i32>} : memref<2x2048xi32, #tpu.memory_space<vmem>>, vector<16xi32>,
        %mul3A_401 = arith.constant 8 : i32
        %mul3A_402 = arith.muli %scan3A_266, %mul3A_401 : i32
        %add3A_403 = arith.constant 6 : i32
        %add3A_404 = arith.addi %mul3A_402, %add3A_403 : i32
        %mul3A_405 = arith.constant 16 : i32
        %mul3A_406 = arith.muli %add3A_404, %mul3A_405 : i32
        %add3A_407 = arith.constant 6144 : i32
        %add3A_408 = arith.addi %add3A_407, %mul3A_406 : i32
        %multiple_of3A_409 = tpu.assume_multiple %add3A_408, 16 : i32
        %get3A_410 = arith.index_cast %multiple_of3A_409 : i32 to index
        %get3A_411 = tpu.vector_load %arg4[%get3A_410] {strides = array<i32>} : memref<16384xi32, #tpu.memory_space<vmem>>, vector<16xi32>,
        %mul3A_412 = arith.constant 8 : i32
        %mul3A_413 = arith.muli %scan3A_266, %mul3A_412 : i32
        %add3A_414 = arith.constant 6 : i32
        %add3A_415 = arith.addi %mul3A_413, %add3A_414 : i32
        %mul3A_416 = arith.constant 16 : i32
        %mul3A_417 = arith.muli %add3A_415, %mul3A_416 : i32
        %multiple_of3A_418 = tpu.assume_multiple %mul3A_417, 16 : i32
        %gather3A_419 = tpu.vector_load_idx %arg6[%get3A_411] : memref<100000xi32, #tpu.memory_space<vmem>>[vector<16xi32>], vector<16xi32>,
        %swap3A_420 = arith.constant 1 : i32
        %swap3A_421 = arith.index_cast %swap3A_420 : i32 to index
        %swap3A_422 = arith.index_cast %multiple_of3A_418 : i32 to index
        %swap3A_423 = tpu.vector_load %arg5[%swap3A_421, %swap3A_422] {strides = array<i32>} : memref<2x2048xi32, #tpu.memory_space<vmem>>, vector<16xi32>,
        tpu.vector_store %arg5[%swap3A_421, %swap3A_422], %gather3A_419 {strides = array<i32>} : memref<2x2048xi32, #tpu.memory_space<vmem>>, vector<16xi32>,
        %mul3A_424 = arith.constant 8 : i32
        %mul3A_425 = arith.muli %scan3A_266, %mul3A_424 : i32
        %add3A_426 = arith.constant 7 : i32
        %add3A_427 = arith.addi %mul3A_425, %add3A_426 : i32
        %mul3A_428 = arith.constant 16 : i32
        %mul3A_429 = arith.muli %add3A_427, %mul3A_428 : i32
        %add3A_430 = arith.constant 6144 : i32
        %add3A_431 = arith.addi %add3A_430, %mul3A_429 : i32
        %multiple_of3A_432 = tpu.assume_multiple %add3A_431, 16 : i32
        %get3A_433 = arith.index_cast %multiple_of3A_432 : i32 to index
        %get3A_434 = tpu.vector_load %arg4[%get3A_433] {strides = array<i32>} : memref<16384xi32, #tpu.memory_space<vmem>>, vector<16xi32>,
        %mul3A_435 = arith.constant 8 : i32
        %mul3A_436 = arith.muli %scan3A_266, %mul3A_435 : i32
        %add3A_437 = arith.constant 7 : i32
        %add3A_438 = arith.addi %mul3A_436, %add3A_437 : i32
        %mul3A_439 = arith.constant 16 : i32
        %mul3A_440 = arith.muli %add3A_438, %mul3A_439 : i32
        %multiple_of3A_441 = tpu.assume_multiple %mul3A_440, 16 : i32
        %gather3A_442 = tpu.vector_load_idx %arg6[%get3A_434] : memref<100000xi32, #tpu.memory_space<vmem>>[vector<16xi32>], vector<16xi32>,
        %swap3A_443 = arith.constant 1 : i32
        %swap3A_444 = arith.index_cast %swap3A_443 : i32 to index
        %swap3A_445 = arith.index_cast %multiple_of3A_441 : i32 to index
        %swap3A_446 = tpu.vector_load %arg5[%swap3A_444, %swap3A_445] {strides = array<i32>} : memref<2x2048xi32, #tpu.memory_space<vmem>>, vector<16xi32>,
        tpu.vector_store %arg5[%swap3A_444, %swap3A_445], %gather3A_442 {strides = array<i32>} : memref<2x2048xi32, #tpu.memory_space<vmem>>, vector<16xi32>,
      }
      %scan3A_102 = arith.constant 16 : i32
      %dma_start3A_103 = arith.constant 1 : i32
      %dma_start3A_104 = arith.constant 0 : i32
      %dma_start3A_105 = tpu.memref_slice %arg5[%dma_start3A_103, %dma_start3A_104] : memref<2x2048xi32, #tpu.memory_space<vmem>> -> memref<1x2048xi32, #tpu.memory_space<vmem>>
      %dma_start3A_106 = tpu.memref_squeeze %dma_start3A_105 : memref<1x2048xi32, #tpu.memory_space<vmem>> -> memref<2048xi32, #tpu.memory_space<vmem>>
      %dma_start3A_107 = arith.constant 6144 : i32
      %dma_start3A_108 = tpu.memref_slice %arg3[%add3A, %dma_start3A_107] : memref<8x16384xi32, #tpu.memory_space<hbm>> -> memref<1x2048xi32, #tpu.memory_space<hbm>>
      %dma_start3A_109 = tpu.memref_squeeze %dma_start3A_108 : memref<1x2048xi32, #tpu.memory_space<hbm>> -> memref<2048xi32, #tpu.memory_space<hbm>>
      %dma_start3A_110 = arith.constant 6144 : i32
      %dma_start3A_111 = tpu.memref_slice %arg3[%add3A, %dma_start3A_110] : memref<8x16384xi32, #tpu.memory_space<hbm>> -> memref<1x2048xi32, #tpu.memory_space<hbm>>
      %dma_start3A_112 = tpu.memref_squeeze %dma_start3A_111 : memref<1x2048xi32, #tpu.memory_space<hbm>> -> memref<2048xi32, #tpu.memory_space<hbm>>
      %dma_start3A_113 = arith.constant 0 : i32
      %dma_start3A_114 = tpu.memref_slice %arg5[%dma_start3A_103, %dma_start3A_113] : memref<2x2048xi32, #tpu.memory_space<vmem>> -> memref<1x2048xi32, #tpu.memory_space<vmem>>
      %dma_start3A_115 = tpu.memref_squeeze %dma_start3A_114 : memref<1x2048xi32, #tpu.memory_space<vmem>> -> memref<2048xi32, #tpu.memory_space<vmem>>
      tpu.enqueue_dma source(%dma_start3A_115 : memref<2048xi32, #tpu.memory_space<vmem>>) target(%dma_start3A_112 : memref<2048xi32, #tpu.memory_space<hbm>>) target_semaphore(%arg8 : memref<!tpu.dma_semaphore, #tpu.memory_space<semaphore_mem>>)
      %dma_wait3A_116 = arith.constant 0 : i32
      %dma_wait3A_117 = arith.constant 0 : i32
      %dma_wait3A_118 = tpu.memref_slice %arg5[%dma_wait3A_116, %dma_wait3A_117] : memref<2x2048xi32, #tpu.memory_space<vmem>> -> memref<1x2048xi32, #tpu.memory_space<vmem>>
      %dma_wait3A_119 = tpu.memref_squeeze %dma_wait3A_118 : memref<1x2048xi32, #tpu.memory_space<vmem>> -> memref<2048xi32, #tpu.memory_space<vmem>>
      %dma_wait3A_120 = arith.constant 4096 : i32
      %dma_wait3A_121 = tpu.memref_slice %arg3[%add3A, %dma_wait3A_120] : memref<8x16384xi32, #tpu.memory_space<hbm>> -> memref<1x2048xi32, #tpu.memory_space<hbm>>
      %dma_wait3A_122 = tpu.memref_squeeze %dma_wait3A_121 : memref<1x2048xi32, #tpu.memory_space<hbm>> -> memref<2048xi32, #tpu.memory_space<hbm>>
      %dma_wait3A_123 = arith.constant 4096 : i32
      %dma_wait3A_124 = tpu.memref_slice %arg3[%add3A, %dma_wait3A_123] : memref<8x16384xi32, #tpu.memory_space<hbm>> -> memref<1x2048xi32, #tpu.memory_space<hbm>>
      %dma_wait3A_125 = tpu.memref_squeeze %dma_wait3A_124 : memref<1x2048xi32, #tpu.memory_space<hbm>> -> memref<2048xi32, #tpu.memory_space<hbm>>
      %dma_wait3A_126 = arith.constant 0 : i32
      %dma_wait3A_127 = tpu.memref_slice %arg5[%dma_wait3A_116, %dma_wait3A_126] : memref<2x2048xi32, #tpu.memory_space<vmem>> -> memref<1x2048xi32, #tpu.memory_space<vmem>>
      %dma_wait3A_128 = tpu.memref_squeeze %dma_wait3A_127 : memref<1x2048xi32, #tpu.memory_space<vmem>> -> memref<2048xi32, #tpu.memory_space<vmem>>
      tpu.wait_dma2 semaphore(%arg7 : memref<!tpu.dma_semaphore, #tpu.memory_space<semaphore_mem>>) src(%dma_wait3A_128 : memref<2048xi32, #tpu.memory_space<vmem>>) dst(%dma_wait3A_125 : memref<2048xi32, #tpu.memory_space<hbm>>)
      %scan3A_129 = arith.constant 0 : i32
      %scan3A_130 = arith.constant 16 : i32
      %scan3A_131 = arith.addi %scan3A_129, %scan3A_130 : i32
      %scan3A_132 = arith.constant 1 : i32
      scf.for %scan3A_266 = %scan3A_129 to %scan3A_131 step %scan3A_132  : i32 {
        %mul3A_267 = arith.constant 8 : i32
        %mul3A_268 = arith.muli %scan3A_266, %mul3A_267 : i32
        %add3A_269 = arith.constant 0 : i32
        %add3A_270 = arith.addi %mul3A_268, %add3A_269 : i32
        %mul3A_271 = arith.constant 16 : i32
        %mul3A_272 = arith.muli %add3A_270, %mul3A_271 : i32
        %add3A_273 = arith.constant 8192 : i32
        %add3A_274 = arith.addi %add3A_273, %mul3A_272 : i32
        %multiple_of3A = tpu.assume_multiple %add3A_274, 16 : i32
        %get3A = arith.index_cast %multiple_of3A : i32 to index
        %get3A_275 = tpu.vector_load %arg4[%get3A] {strides = array<i32>} : memref<16384xi32, #tpu.memory_space<vmem>>, vector<16xi32>,
        %mul3A_276 = arith.constant 8 : i32
        %mul3A_277 = arith.muli %scan3A_266, %mul3A_276 : i32
        %add3A_278 = arith.constant 0 : i32
        %add3A_279 = arith.addi %mul3A_277, %add3A_278 : i32
        %mul3A_280 = arith.constant 16 : i32
        %mul3A_281 = arith.muli %add3A_279, %mul3A_280 : i32
        %multiple_of3A_282 = tpu.assume_multiple %mul3A_281, 16 : i32
        %gather3A = tpu.vector_load_idx %arg6[%get3A_275] : memref<100000xi32, #tpu.memory_space<vmem>>[vector<16xi32>], vector<16xi32>,
        %swap3A = arith.constant 0 : i32
        %swap3A_283 = arith.index_cast %swap3A : i32 to index
        %swap3A_284 = arith.index_cast %multiple_of3A_282 : i32 to index
        %swap3A_285 = tpu.vector_load %arg5[%swap3A_283, %swap3A_284] {strides = array<i32>} : memref<2x2048xi32, #tpu.memory_space<vmem>>, vector<16xi32>,
        tpu.vector_store %arg5[%swap3A_283, %swap3A_284], %gather3A {strides = array<i32>} : memref<2x2048xi32, #tpu.memory_space<vmem>>, vector<16xi32>,
        %mul3A_286 = arith.constant 8 : i32
        %mul3A_287 = arith.muli %scan3A_266, %mul3A_286 : i32
        %add3A_288 = arith.constant 1 : i32
        %add3A_289 = arith.addi %mul3A_287, %add3A_288 : i32
        %mul3A_290 = arith.constant 16 : i32
        %mul3A_291 = arith.muli %add3A_289, %mul3A_290 : i32
        %add3A_292 = arith.constant 8192 : i32
        %add3A_293 = arith.addi %add3A_292, %mul3A_291 : i32
        %multiple_of3A_294 = tpu.assume_multiple %add3A_293, 16 : i32
        %get3A_295 = arith.index_cast %multiple_of3A_294 : i32 to index
        %get3A_296 = tpu.vector_load %arg4[%get3A_295] {strides = array<i32>} : memref<16384xi32, #tpu.memory_space<vmem>>, vector<16xi32>,
        %mul3A_297 = arith.constant 8 : i32
        %mul3A_298 = arith.muli %scan3A_266, %mul3A_297 : i32
        %add3A_299 = arith.constant 1 : i32
        %add3A_300 = arith.addi %mul3A_298, %add3A_299 : i32
        %mul3A_301 = arith.constant 16 : i32
        %mul3A_302 = arith.muli %add3A_300, %mul3A_301 : i32
        %multiple_of3A_303 = tpu.assume_multiple %mul3A_302, 16 : i32
        %gather3A_304 = tpu.vector_load_idx %arg6[%get3A_296] : memref<100000xi32, #tpu.memory_space<vmem>>[vector<16xi32>], vector<16xi32>,
        %swap3A_305 = arith.constant 0 : i32
        %swap3A_306 = arith.index_cast %swap3A_305 : i32 to index
        %swap3A_307 = arith.index_cast %multiple_of3A_303 : i32 to index
        %swap3A_308 = tpu.vector_load %arg5[%swap3A_306, %swap3A_307] {strides = array<i32>} : memref<2x2048xi32, #tpu.memory_space<vmem>>, vector<16xi32>,
        tpu.vector_store %arg5[%swap3A_306, %swap3A_307], %gather3A_304 {strides = array<i32>} : memref<2x2048xi32, #tpu.memory_space<vmem>>, vector<16xi32>,
        %mul3A_309 = arith.constant 8 : i32
        %mul3A_310 = arith.muli %scan3A_266, %mul3A_309 : i32
        %add3A_311 = arith.constant 2 : i32
        %add3A_312 = arith.addi %mul3A_310, %add3A_311 : i32
        %mul3A_313 = arith.constant 16 : i32
        %mul3A_314 = arith.muli %add3A_312, %mul3A_313 : i32
        %add3A_315 = arith.constant 8192 : i32
        %add3A_316 = arith.addi %add3A_315, %mul3A_314 : i32
        %multiple_of3A_317 = tpu.assume_multiple %add3A_316, 16 : i32
        %get3A_318 = arith.index_cast %multiple_of3A_317 : i32 to index
        %get3A_319 = tpu.vector_load %arg4[%get3A_318] {strides = array<i32>} : memref<16384xi32, #tpu.memory_space<vmem>>, vector<16xi32>,
        %mul3A_320 = arith.constant 8 : i32
        %mul3A_321 = arith.muli %scan3A_266, %mul3A_320 : i32
        %add3A_322 = arith.constant 2 : i32
        %add3A_323 = arith.addi %mul3A_321, %add3A_322 : i32
        %mul3A_324 = arith.constant 16 : i32
        %mul3A_325 = arith.muli %add3A_323, %mul3A_324 : i32
        %multiple_of3A_326 = tpu.assume_multiple %mul3A_325, 16 : i32
        %gather3A_327 = tpu.vector_load_idx %arg6[%get3A_319] : memref<100000xi32, #tpu.memory_space<vmem>>[vector<16xi32>], vector<16xi32>,
        %swap3A_328 = arith.constant 0 : i32
        %swap3A_329 = arith.index_cast %swap3A_328 : i32 to index
        %swap3A_330 = arith.index_cast %multiple_of3A_326 : i32 to index
        %swap3A_331 = tpu.vector_load %arg5[%swap3A_329, %swap3A_330] {strides = array<i32>} : memref<2x2048xi32, #tpu.memory_space<vmem>>, vector<16xi32>,
        tpu.vector_store %arg5[%swap3A_329, %swap3A_330], %gather3A_327 {strides = array<i32>} : memref<2x2048xi32, #tpu.memory_space<vmem>>, vector<16xi32>,
        %mul3A_332 = arith.constant 8 : i32
        %mul3A_333 = arith.muli %scan3A_266, %mul3A_332 : i32
        %add3A_334 = arith.constant 3 : i32
        %add3A_335 = arith.addi %mul3A_333, %add3A_334 : i32
        %mul3A_336 = arith.constant 16 : i32
        %mul3A_337 = arith.muli %add3A_335, %mul3A_336 : i32
        %add3A_338 = arith.constant 8192 : i32
        %add3A_339 = arith.addi %add3A_338, %mul3A_337 : i32
        %multiple_of3A_340 = tpu.assume_multiple %add3A_339, 16 : i32
        %get3A_341 = arith.index_cast %multiple_of3A_340 : i32 to index
        %get3A_342 = tpu.vector_load %arg4[%get3A_341] {strides = array<i32>} : memref<16384xi32, #tpu.memory_space<vmem>>, vector<16xi32>,
        %mul3A_343 = arith.constant 8 : i32
        %mul3A_344 = arith.muli %scan3A_266, %mul3A_343 : i32
        %add3A_345 = arith.constant 3 : i32
        %add3A_346 = arith.addi %mul3A_344, %add3A_345 : i32
        %mul3A_347 = arith.constant 16 : i32
        %mul3A_348 = arith.muli %add3A_346, %mul3A_347 : i32
        %multiple_of3A_349 = tpu.assume_multiple %mul3A_348, 16 : i32
        %gather3A_350 = tpu.vector_load_idx %arg6[%get3A_342] : memref<100000xi32, #tpu.memory_space<vmem>>[vector<16xi32>], vector<16xi32>,
        %swap3A_351 = arith.constant 0 : i32
        %swap3A_352 = arith.index_cast %swap3A_351 : i32 to index
        %swap3A_353 = arith.index_cast %multiple_of3A_349 : i32 to index
        %swap3A_354 = tpu.vector_load %arg5[%swap3A_352, %swap3A_353] {strides = array<i32>} : memref<2x2048xi32, #tpu.memory_space<vmem>>, vector<16xi32>,
        tpu.vector_store %arg5[%swap3A_352, %swap3A_353], %gather3A_350 {strides = array<i32>} : memref<2x2048xi32, #tpu.memory_space<vmem>>, vector<16xi32>,
        %mul3A_355 = arith.constant 8 : i32
        %mul3A_356 = arith.muli %scan3A_266, %mul3A_355 : i32
        %add3A_357 = arith.constant 4 : i32
        %add3A_358 = arith.addi %mul3A_356, %add3A_357 : i32
        %mul3A_359 = arith.constant 16 : i32
        %mul3A_360 = arith.muli %add3A_358, %mul3A_359 : i32
        %add3A_361 = arith.constant 8192 : i32
        %add3A_362 = arith.addi %add3A_361, %mul3A_360 : i32
        %multiple_of3A_363 = tpu.assume_multiple %add3A_362, 16 : i32
        %get3A_364 = arith.index_cast %multiple_of3A_363 : i32 to index
        %get3A_365 = tpu.vector_load %arg4[%get3A_364] {strides = array<i32>} : memref<16384xi32, #tpu.memory_space<vmem>>, vector<16xi32>,
        %mul3A_366 = arith.constant 8 : i32
        %mul3A_367 = arith.muli %scan3A_266, %mul3A_366 : i32
        %add3A_368 = arith.constant 4 : i32
        %add3A_369 = arith.addi %mul3A_367, %add3A_368 : i32
        %mul3A_370 = arith.constant 16 : i32
        %mul3A_371 = arith.muli %add3A_369, %mul3A_370 : i32
        %multiple_of3A_372 = tpu.assume_multiple %mul3A_371, 16 : i32
        %gather3A_373 = tpu.vector_load_idx %arg6[%get3A_365] : memref<100000xi32, #tpu.memory_space<vmem>>[vector<16xi32>], vector<16xi32>,
        %swap3A_374 = arith.constant 0 : i32
        %swap3A_375 = arith.index_cast %swap3A_374 : i32 to index
        %swap3A_376 = arith.index_cast %multiple_of3A_372 : i32 to index
        %swap3A_377 = tpu.vector_load %arg5[%swap3A_375, %swap3A_376] {strides = array<i32>} : memref<2x2048xi32, #tpu.memory_space<vmem>>, vector<16xi32>,
        tpu.vector_store %arg5[%swap3A_375, %swap3A_376], %gather3A_373 {strides = array<i32>} : memref<2x2048xi32, #tpu.memory_space<vmem>>, vector<16xi32>,
        %mul3A_378 = arith.constant 8 : i32
        %mul3A_379 = arith.muli %scan3A_266, %mul3A_378 : i32
        %add3A_380 = arith.constant 5 : i32
        %add3A_381 = arith.addi %mul3A_379, %add3A_380 : i32
        %mul3A_382 = arith.constant 16 : i32
        %mul3A_383 = arith.muli %add3A_381, %mul3A_382 : i32
        %add3A_384 = arith.constant 8192 : i32
        %add3A_385 = arith.addi %add3A_384, %mul3A_383 : i32
        %multiple_of3A_386 = tpu.assume_multiple %add3A_385, 16 : i32
        %get3A_387 = arith.index_cast %multiple_of3A_386 : i32 to index
        %get3A_388 = tpu.vector_load %arg4[%get3A_387] {strides = array<i32>} : memref<16384xi32, #tpu.memory_space<vmem>>, vector<16xi32>,
        %mul3A_389 = arith.constant 8 : i32
        %mul3A_390 = arith.muli %scan3A_266, %mul3A_389 : i32
        %add3A_391 = arith.constant 5 : i32
        %add3A_392 = arith.addi %mul3A_390, %add3A_391 : i32
        %mul3A_393 = arith.constant 16 : i32
        %mul3A_394 = arith.muli %add3A_392, %mul3A_393 : i32
        %multiple_of3A_395 = tpu.assume_multiple %mul3A_394, 16 : i32
        %gather3A_396 = tpu.vector_load_idx %arg6[%get3A_388] : memref<100000xi32, #tpu.memory_space<vmem>>[vector<16xi32>], vector<16xi32>,
        %swap3A_397 = arith.constant 0 : i32
        %swap3A_398 = arith.index_cast %swap3A_397 : i32 to index
        %swap3A_399 = arith.index_cast %multiple_of3A_395 : i32 to index
        %swap3A_400 = tpu.vector_load %arg5[%swap3A_398, %swap3A_399] {strides = array<i32>} : memref<2x2048xi32, #tpu.memory_space<vmem>>, vector<16xi32>,
        tpu.vector_store %arg5[%swap3A_398, %swap3A_399], %gather3A_396 {strides = array<i32>} : memref<2x2048xi32, #tpu.memory_space<vmem>>, vector<16xi32>,
        %mul3A_401 = arith.constant 8 : i32
        %mul3A_402 = arith.muli %scan3A_266, %mul3A_401 : i32
        %add3A_403 = arith.constant 6 : i32
        %add3A_404 = arith.addi %mul3A_402, %add3A_403 : i32
        %mul3A_405 = arith.constant 16 : i32
        %mul3A_406 = arith.muli %add3A_404, %mul3A_405 : i32
        %add3A_407 = arith.constant 8192 : i32
        %add3A_408 = arith.addi %add3A_407, %mul3A_406 : i32
        %multiple_of3A_409 = tpu.assume_multiple %add3A_408, 16 : i32
        %get3A_410 = arith.index_cast %multiple_of3A_409 : i32 to index
        %get3A_411 = tpu.vector_load %arg4[%get3A_410] {strides = array<i32>} : memref<16384xi32, #tpu.memory_space<vmem>>, vector<16xi32>,
        %mul3A_412 = arith.constant 8 : i32
        %mul3A_413 = arith.muli %scan3A_266, %mul3A_412 : i32
        %add3A_414 = arith.constant 6 : i32
        %add3A_415 = arith.addi %mul3A_413, %add3A_414 : i32
        %mul3A_416 = arith.constant 16 : i32
        %mul3A_417 = arith.muli %add3A_415, %mul3A_416 : i32
        %multiple_of3A_418 = tpu.assume_multiple %mul3A_417, 16 : i32
        %gather3A_419 = tpu.vector_load_idx %arg6[%get3A_411] : memref<100000xi32, #tpu.memory_space<vmem>>[vector<16xi32>], vector<16xi32>,
        %swap3A_420 = arith.constant 0 : i32
        %swap3A_421 = arith.index_cast %swap3A_420 : i32 to index
        %swap3A_422 = arith.index_cast %multiple_of3A_418 : i32 to index
        %swap3A_423 = tpu.vector_load %arg5[%swap3A_421, %swap3A_422] {strides = array<i32>} : memref<2x2048xi32, #tpu.memory_space<vmem>>, vector<16xi32>,
        tpu.vector_store %arg5[%swap3A_421, %swap3A_422], %gather3A_419 {strides = array<i32>} : memref<2x2048xi32, #tpu.memory_space<vmem>>, vector<16xi32>,
        %mul3A_424 = arith.constant 8 : i32
        %mul3A_425 = arith.muli %scan3A_266, %mul3A_424 : i32
        %add3A_426 = arith.constant 7 : i32
        %add3A_427 = arith.addi %mul3A_425, %add3A_426 : i32
        %mul3A_428 = arith.constant 16 : i32
        %mul3A_429 = arith.muli %add3A_427, %mul3A_428 : i32
        %add3A_430 = arith.constant 8192 : i32
        %add3A_431 = arith.addi %add3A_430, %mul3A_429 : i32
        %multiple_of3A_432 = tpu.assume_multiple %add3A_431, 16 : i32
        %get3A_433 = arith.index_cast %multiple_of3A_432 : i32 to index
        %get3A_434 = tpu.vector_load %arg4[%get3A_433] {strides = array<i32>} : memref<16384xi32, #tpu.memory_space<vmem>>, vector<16xi32>,
        %mul3A_435 = arith.constant 8 : i32
        %mul3A_436 = arith.muli %scan3A_266, %mul3A_435 : i32
        %add3A_437 = arith.constant 7 : i32
        %add3A_438 = arith.addi %mul3A_436, %add3A_437 : i32
        %mul3A_439 = arith.constant 16 : i32
        %mul3A_440 = arith.muli %add3A_438, %mul3A_439 : i32
        %multiple_of3A_441 = tpu.assume_multiple %mul3A_440, 16 : i32
        %gather3A_442 = tpu.vector_load_idx %arg6[%get3A_434] : memref<100000xi32, #tpu.memory_space<vmem>>[vector<16xi32>], vector<16xi32>,
        %swap3A_443 = arith.constant 0 : i32
        %swap3A_444 = arith.index_cast %swap3A_443 : i32 to index
        %swap3A_445 = arith.index_cast %multiple_of3A_441 : i32 to index
        %swap3A_446 = tpu.vector_load %arg5[%swap3A_444, %swap3A_445] {strides = array<i32>} : memref<2x2048xi32, #tpu.memory_space<vmem>>, vector<16xi32>,
        tpu.vector_store %arg5[%swap3A_444, %swap3A_445], %gather3A_442 {strides = array<i32>} : memref<2x2048xi32, #tpu.memory_space<vmem>>, vector<16xi32>,
      }
      %scan3A_133 = arith.constant 16 : i32
      %dma_start3A_134 = arith.constant 0 : i32
      %dma_start3A_135 = arith.constant 0 : i32
      %dma_start3A_136 = tpu.memref_slice %arg5[%dma_start3A_134, %dma_start3A_135] : memref<2x2048xi32, #tpu.memory_space<vmem>> -> memref<1x2048xi32, #tpu.memory_space<vmem>>
      %dma_start3A_137 = tpu.memref_squeeze %dma_start3A_136 : memref<1x2048xi32, #tpu.memory_space<vmem>> -> memref<2048xi32, #tpu.memory_space<vmem>>
      %dma_start3A_138 = arith.constant 8192 : i32
      %dma_start3A_139 = tpu.memref_slice %arg3[%add3A, %dma_start3A_138] : memref<8x16384xi32, #tpu.memory_space<hbm>> -> memref<1x2048xi32, #tpu.memory_space<hbm>>
      %dma_start3A_140 = tpu.memref_squeeze %dma_start3A_139 : memref<1x2048xi32, #tpu.memory_space<hbm>> -> memref<2048xi32, #tpu.memory_space<hbm>>
      %dma_start3A_141 = arith.constant 8192 : i32
      %dma_start3A_142 = tpu.memref_slice %arg3[%add3A, %dma_start3A_141] : memref<8x16384xi32, #tpu.memory_space<hbm>> -> memref<1x2048xi32, #tpu.memory_space<hbm>>
      %dma_start3A_143 = tpu.memref_squeeze %dma_start3A_142 : memref<1x2048xi32, #tpu.memory_space<hbm>> -> memref<2048xi32, #tpu.memory_space<hbm>>
      %dma_start3A_144 = arith.constant 0 : i32
      %dma_start3A_145 = tpu.memref_slice %arg5[%dma_start3A_134, %dma_start3A_144] : memref<2x2048xi32, #tpu.memory_space<vmem>> -> memref<1x2048xi32, #tpu.memory_space<vmem>>
      %dma_start3A_146 = tpu.memref_squeeze %dma_start3A_145 : memref<1x2048xi32, #tpu.memory_space<vmem>> -> memref<2048xi32, #tpu.memory_space<vmem>>
      tpu.enqueue_dma source(%dma_start3A_146 : memref<2048xi32, #tpu.memory_space<vmem>>) target(%dma_start3A_143 : memref<2048xi32, #tpu.memory_space<hbm>>) target_semaphore(%arg7 : memref<!tpu.dma_semaphore, #tpu.memory_space<semaphore_mem>>)
      %dma_wait3A_147 = arith.constant 1 : i32
      %dma_wait3A_148 = arith.constant 0 : i32
      %dma_wait3A_149 = tpu.memref_slice %arg5[%dma_wait3A_147, %dma_wait3A_148] : memref<2x2048xi32, #tpu.memory_space<vmem>> -> memref<1x2048xi32, #tpu.memory_space<vmem>>
      %dma_wait3A_150 = tpu.memref_squeeze %dma_wait3A_149 : memref<1x2048xi32, #tpu.memory_space<vmem>> -> memref<2048xi32, #tpu.memory_space<vmem>>
      %dma_wait3A_151 = arith.constant 6144 : i32
      %dma_wait3A_152 = tpu.memref_slice %arg3[%add3A, %dma_wait3A_151] : memref<8x16384xi32, #tpu.memory_space<hbm>> -> memref<1x2048xi32, #tpu.memory_space<hbm>>
      %dma_wait3A_153 = tpu.memref_squeeze %dma_wait3A_152 : memref<1x2048xi32, #tpu.memory_space<hbm>> -> memref<2048xi32, #tpu.memory_space<hbm>>
      %dma_wait3A_154 = arith.constant 6144 : i32
      %dma_wait3A_155 = tpu.memref_slice %arg3[%add3A, %dma_wait3A_154] : memref<8x16384xi32, #tpu.memory_space<hbm>> -> memref<1x2048xi32, #tpu.memory_space<hbm>>
      %dma_wait3A_156 = tpu.memref_squeeze %dma_wait3A_155 : memref<1x2048xi32, #tpu.memory_space<hbm>> -> memref<2048xi32, #tpu.memory_space<hbm>>
      %dma_wait3A_157 = arith.constant 0 : i32
      %dma_wait3A_158 = tpu.memref_slice %arg5[%dma_wait3A_147, %dma_wait3A_157] : memref<2x2048xi32, #tpu.memory_space<vmem>> -> memref<1x2048xi32, #tpu.memory_space<vmem>>
      %dma_wait3A_159 = tpu.memref_squeeze %dma_wait3A_158 : memref<1x2048xi32, #tpu.memory_space<vmem>> -> memref<2048xi32, #tpu.memory_space<vmem>>
      tpu.wait_dma2 semaphore(%arg8 : memref<!tpu.dma_semaphore, #tpu.memory_space<semaphore_mem>>) src(%dma_wait3A_159 : memref<2048xi32, #tpu.memory_space<vmem>>) dst(%dma_wait3A_156 : memref<2048xi32, #tpu.memory_space<hbm>>)
      %scan3A_160 = arith.constant 0 : i32
      %scan3A_161 = arith.constant 16 : i32
      %scan3A_162 = arith.addi %scan3A_160, %scan3A_161 : i32
      %scan3A_163 = arith.constant 1 : i32
      scf.for %scan3A_266 = %scan3A_160 to %scan3A_162 step %scan3A_163  : i32 {
        %mul3A_267 = arith.constant 8 : i32
        %mul3A_268 = arith.muli %scan3A_266, %mul3A_267 : i32
        %add3A_269 = arith.constant 0 : i32
        %add3A_270 = arith.addi %mul3A_268, %add3A_269 : i32
        %mul3A_271 = arith.constant 16 : i32
        %mul3A_272 = arith.muli %add3A_270, %mul3A_271 : i32
        %add3A_273 = arith.constant 10240 : i32
        %add3A_274 = arith.addi %add3A_273, %mul3A_272 : i32
        %multiple_of3A = tpu.assume_multiple %add3A_274, 16 : i32
        %get3A = arith.index_cast %multiple_of3A : i32 to index
        %get3A_275 = tpu.vector_load %arg4[%get3A] {strides = array<i32>} : memref<16384xi32, #tpu.memory_space<vmem>>, vector<16xi32>,
        %mul3A_276 = arith.constant 8 : i32
        %mul3A_277 = arith.muli %scan3A_266, %mul3A_276 : i32
        %add3A_278 = arith.constant 0 : i32
        %add3A_279 = arith.addi %mul3A_277, %add3A_278 : i32
        %mul3A_280 = arith.constant 16 : i32
        %mul3A_281 = arith.muli %add3A_279, %mul3A_280 : i32
        %multiple_of3A_282 = tpu.assume_multiple %mul3A_281, 16 : i32
        %gather3A = tpu.vector_load_idx %arg6[%get3A_275] : memref<100000xi32, #tpu.memory_space<vmem>>[vector<16xi32>], vector<16xi32>,
        %swap3A = arith.constant 1 : i32
        %swap3A_283 = arith.index_cast %swap3A : i32 to index
        %swap3A_284 = arith.index_cast %multiple_of3A_282 : i32 to index
        %swap3A_285 = tpu.vector_load %arg5[%swap3A_283, %swap3A_284] {strides = array<i32>} : memref<2x2048xi32, #tpu.memory_space<vmem>>, vector<16xi32>,
        tpu.vector_store %arg5[%swap3A_283, %swap3A_284], %gather3A {strides = array<i32>} : memref<2x2048xi32, #tpu.memory_space<vmem>>, vector<16xi32>,
        %mul3A_286 = arith.constant 8 : i32
        %mul3A_287 = arith.muli %scan3A_266, %mul3A_286 : i32
        %add3A_288 = arith.constant 1 : i32
        %add3A_289 = arith.addi %mul3A_287, %add3A_288 : i32
        %mul3A_290 = arith.constant 16 : i32
        %mul3A_291 = arith.muli %add3A_289, %mul3A_290 : i32
        %add3A_292 = arith.constant 10240 : i32
        %add3A_293 = arith.addi %add3A_292, %mul3A_291 : i32
        %multiple_of3A_294 = tpu.assume_multiple %add3A_293, 16 : i32
        %get3A_295 = arith.index_cast %multiple_of3A_294 : i32 to index
        %get3A_296 = tpu.vector_load %arg4[%get3A_295] {strides = array<i32>} : memref<16384xi32, #tpu.memory_space<vmem>>, vector<16xi32>,
        %mul3A_297 = arith.constant 8 : i32
        %mul3A_298 = arith.muli %scan3A_266, %mul3A_297 : i32
        %add3A_299 = arith.constant 1 : i32
        %add3A_300 = arith.addi %mul3A_298, %add3A_299 : i32
        %mul3A_301 = arith.constant 16 : i32
        %mul3A_302 = arith.muli %add3A_300, %mul3A_301 : i32
        %multiple_of3A_303 = tpu.assume_multiple %mul3A_302, 16 : i32
        %gather3A_304 = tpu.vector_load_idx %arg6[%get3A_296] : memref<100000xi32, #tpu.memory_space<vmem>>[vector<16xi32>], vector<16xi32>,
        %swap3A_305 = arith.constant 1 : i32
        %swap3A_306 = arith.index_cast %swap3A_305 : i32 to index
        %swap3A_307 = arith.index_cast %multiple_of3A_303 : i32 to index
        %swap3A_308 = tpu.vector_load %arg5[%swap3A_306, %swap3A_307] {strides = array<i32>} : memref<2x2048xi32, #tpu.memory_space<vmem>>, vector<16xi32>,
        tpu.vector_store %arg5[%swap3A_306, %swap3A_307], %gather3A_304 {strides = array<i32>} : memref<2x2048xi32, #tpu.memory_space<vmem>>, vector<16xi32>,
        %mul3A_309 = arith.constant 8 : i32
        %mul3A_310 = arith.muli %scan3A_266, %mul3A_309 : i32
        %add3A_311 = arith.constant 2 : i32
        %add3A_312 = arith.addi %mul3A_310, %add3A_311 : i32
        %mul3A_313 = arith.constant 16 : i32
        %mul3A_314 = arith.muli %add3A_312, %mul3A_313 : i32
        %add3A_315 = arith.constant 10240 : i32
        %add3A_316 = arith.addi %add3A_315, %mul3A_314 : i32
        %multiple_of3A_317 = tpu.assume_multiple %add3A_316, 16 : i32
        %get3A_318 = arith.index_cast %multiple_of3A_317 : i32 to index
        %get3A_319 = tpu.vector_load %arg4[%get3A_318] {strides = array<i32>} : memref<16384xi32, #tpu.memory_space<vmem>>, vector<16xi32>,
        %mul3A_320 = arith.constant 8 : i32
        %mul3A_321 = arith.muli %scan3A_266, %mul3A_320 : i32
        %add3A_322 = arith.constant 2 : i32
        %add3A_323 = arith.addi %mul3A_321, %add3A_322 : i32
        %mul3A_324 = arith.constant 16 : i32
        %mul3A_325 = arith.muli %add3A_323, %mul3A_324 : i32
        %multiple_of3A_326 = tpu.assume_multiple %mul3A_325, 16 : i32
        %gather3A_327 = tpu.vector_load_idx %arg6[%get3A_319] : memref<100000xi32, #tpu.memory_space<vmem>>[vector<16xi32>], vector<16xi32>,
        %swap3A_328 = arith.constant 1 : i32
        %swap3A_329 = arith.index_cast %swap3A_328 : i32 to index
        %swap3A_330 = arith.index_cast %multiple_of3A_326 : i32 to index
        %swap3A_331 = tpu.vector_load %arg5[%swap3A_329, %swap3A_330] {strides = array<i32>} : memref<2x2048xi32, #tpu.memory_space<vmem>>, vector<16xi32>,
        tpu.vector_store %arg5[%swap3A_329, %swap3A_330], %gather3A_327 {strides = array<i32>} : memref<2x2048xi32, #tpu.memory_space<vmem>>, vector<16xi32>,
        %mul3A_332 = arith.constant 8 : i32
        %mul3A_333 = arith.muli %scan3A_266, %mul3A_332 : i32
        %add3A_334 = arith.constant 3 : i32
        %add3A_335 = arith.addi %mul3A_333, %add3A_334 : i32
        %mul3A_336 = arith.constant 16 : i32
        %mul3A_337 = arith.muli %add3A_335, %mul3A_336 : i32
        %add3A_338 = arith.constant 10240 : i32
        %add3A_339 = arith.addi %add3A_338, %mul3A_337 : i32
        %multiple_of3A_340 = tpu.assume_multiple %add3A_339, 16 : i32
        %get3A_341 = arith.index_cast %multiple_of3A_340 : i32 to index
        %get3A_342 = tpu.vector_load %arg4[%get3A_341] {strides = array<i32>} : memref<16384xi32, #tpu.memory_space<vmem>>, vector<16xi32>,
        %mul3A_343 = arith.constant 8 : i32
        %mul3A_344 = arith.muli %scan3A_266, %mul3A_343 : i32
        %add3A_345 = arith.constant 3 : i32
        %add3A_346 = arith.addi %mul3A_344, %add3A_345 : i32
        %mul3A_347 = arith.constant 16 : i32
        %mul3A_348 = arith.muli %add3A_346, %mul3A_347 : i32
        %multiple_of3A_349 = tpu.assume_multiple %mul3A_348, 16 : i32
        %gather3A_350 = tpu.vector_load_idx %arg6[%get3A_342] : memref<100000xi32, #tpu.memory_space<vmem>>[vector<16xi32>], vector<16xi32>,
        %swap3A_351 = arith.constant 1 : i32
        %swap3A_352 = arith.index_cast %swap3A_351 : i32 to index
        %swap3A_353 = arith.index_cast %multiple_of3A_349 : i32 to index
        %swap3A_354 = tpu.vector_load %arg5[%swap3A_352, %swap3A_353] {strides = array<i32>} : memref<2x2048xi32, #tpu.memory_space<vmem>>, vector<16xi32>,
        tpu.vector_store %arg5[%swap3A_352, %swap3A_353], %gather3A_350 {strides = array<i32>} : memref<2x2048xi32, #tpu.memory_space<vmem>>, vector<16xi32>,
        %mul3A_355 = arith.constant 8 : i32
        %mul3A_356 = arith.muli %scan3A_266, %mul3A_355 : i32
        %add3A_357 = arith.constant 4 : i32
        %add3A_358 = arith.addi %mul3A_356, %add3A_357 : i32
        %mul3A_359 = arith.constant 16 : i32
        %mul3A_360 = arith.muli %add3A_358, %mul3A_359 : i32
        %add3A_361 = arith.constant 10240 : i32
        %add3A_362 = arith.addi %add3A_361, %mul3A_360 : i32
        %multiple_of3A_363 = tpu.assume_multiple %add3A_362, 16 : i32
        %get3A_364 = arith.index_cast %multiple_of3A_363 : i32 to index
        %get3A_365 = tpu.vector_load %arg4[%get3A_364] {strides = array<i32>} : memref<16384xi32, #tpu.memory_space<vmem>>, vector<16xi32>,
        %mul3A_366 = arith.constant 8 : i32
        %mul3A_367 = arith.muli %scan3A_266, %mul3A_366 : i32
        %add3A_368 = arith.constant 4 : i32
        %add3A_369 = arith.addi %mul3A_367, %add3A_368 : i32
        %mul3A_370 = arith.constant 16 : i32
        %mul3A_371 = arith.muli %add3A_369, %mul3A_370 : i32
        %multiple_of3A_372 = tpu.assume_multiple %mul3A_371, 16 : i32
        %gather3A_373 = tpu.vector_load_idx %arg6[%get3A_365] : memref<100000xi32, #tpu.memory_space<vmem>>[vector<16xi32>], vector<16xi32>,
        %swap3A_374 = arith.constant 1 : i32
        %swap3A_375 = arith.index_cast %swap3A_374 : i32 to index
        %swap3A_376 = arith.index_cast %multiple_of3A_372 : i32 to index
        %swap3A_377 = tpu.vector_load %arg5[%swap3A_375, %swap3A_376] {strides = array<i32>} : memref<2x2048xi32, #tpu.memory_space<vmem>>, vector<16xi32>,
        tpu.vector_store %arg5[%swap3A_375, %swap3A_376], %gather3A_373 {strides = array<i32>} : memref<2x2048xi32, #tpu.memory_space<vmem>>, vector<16xi32>,
        %mul3A_378 = arith.constant 8 : i32
        %mul3A_379 = arith.muli %scan3A_266, %mul3A_378 : i32
        %add3A_380 = arith.constant 5 : i32
        %add3A_381 = arith.addi %mul3A_379, %add3A_380 : i32
        %mul3A_382 = arith.constant 16 : i32
        %mul3A_383 = arith.muli %add3A_381, %mul3A_382 : i32
        %add3A_384 = arith.constant 10240 : i32
        %add3A_385 = arith.addi %add3A_384, %mul3A_383 : i32
        %multiple_of3A_386 = tpu.assume_multiple %add3A_385, 16 : i32
        %get3A_387 = arith.index_cast %multiple_of3A_386 : i32 to index
        %get3A_388 = tpu.vector_load %arg4[%get3A_387] {strides = array<i32>} : memref<16384xi32, #tpu.memory_space<vmem>>, vector<16xi32>,
        %mul3A_389 = arith.constant 8 : i32
        %mul3A_390 = arith.muli %scan3A_266, %mul3A_389 : i32
        %add3A_391 = arith.constant 5 : i32
        %add3A_392 = arith.addi %mul3A_390, %add3A_391 : i32
        %mul3A_393 = arith.constant 16 : i32
        %mul3A_394 = arith.muli %add3A_392, %mul3A_393 : i32
        %multiple_of3A_395 = tpu.assume_multiple %mul3A_394, 16 : i32
        %gather3A_396 = tpu.vector_load_idx %arg6[%get3A_388] : memref<100000xi32, #tpu.memory_space<vmem>>[vector<16xi32>], vector<16xi32>,
        %swap3A_397 = arith.constant 1 : i32
        %swap3A_398 = arith.index_cast %swap3A_397 : i32 to index
        %swap3A_399 = arith.index_cast %multiple_of3A_395 : i32 to index
        %swap3A_400 = tpu.vector_load %arg5[%swap3A_398, %swap3A_399] {strides = array<i32>} : memref<2x2048xi32, #tpu.memory_space<vmem>>, vector<16xi32>,
        tpu.vector_store %arg5[%swap3A_398, %swap3A_399], %gather3A_396 {strides = array<i32>} : memref<2x2048xi32, #tpu.memory_space<vmem>>, vector<16xi32>,
        %mul3A_401 = arith.constant 8 : i32
        %mul3A_402 = arith.muli %scan3A_266, %mul3A_401 : i32
        %add3A_403 = arith.constant 6 : i32
        %add3A_404 = arith.addi %mul3A_402, %add3A_403 : i32
        %mul3A_405 = arith.constant 16 : i32
        %mul3A_406 = arith.muli %add3A_404, %mul3A_405 : i32
        %add3A_407 = arith.constant 10240 : i32
        %add3A_408 = arith.addi %add3A_407, %mul3A_406 : i32
        %multiple_of3A_409 = tpu.assume_multiple %add3A_408, 16 : i32
        %get3A_410 = arith.index_cast %multiple_of3A_409 : i32 to index
        %get3A_411 = tpu.vector_load %arg4[%get3A_410] {strides = array<i32>} : memref<16384xi32, #tpu.memory_space<vmem>>, vector<16xi32>,
        %mul3A_412 = arith.constant 8 : i32
        %mul3A_413 = arith.muli %scan3A_266, %mul3A_412 : i32
        %add3A_414 = arith.constant 6 : i32
        %add3A_415 = arith.addi %mul3A_413, %add3A_414 : i32
        %mul3A_416 = arith.constant 16 : i32
        %mul3A_417 = arith.muli %add3A_415, %mul3A_416 : i32
        %multiple_of3A_418 = tpu.assume_multiple %mul3A_417, 16 : i32
        %gather3A_419 = tpu.vector_load_idx %arg6[%get3A_411] : memref<100000xi32, #tpu.memory_space<vmem>>[vector<16xi32>], vector<16xi32>,
        %swap3A_420 = arith.constant 1 : i32
        %swap3A_421 = arith.index_cast %swap3A_420 : i32 to index
        %swap3A_422 = arith.index_cast %multiple_of3A_418 : i32 to index
        %swap3A_423 = tpu.vector_load %arg5[%swap3A_421, %swap3A_422] {strides = array<i32>} : memref<2x2048xi32, #tpu.memory_space<vmem>>, vector<16xi32>,
        tpu.vector_store %arg5[%swap3A_421, %swap3A_422], %gather3A_419 {strides = array<i32>} : memref<2x2048xi32, #tpu.memory_space<vmem>>, vector<16xi32>,
        %mul3A_424 = arith.constant 8 : i32
        %mul3A_425 = arith.muli %scan3A_266, %mul3A_424 : i32
        %add3A_426 = arith.constant 7 : i32
        %add3A_427 = arith.addi %mul3A_425, %add3A_426 : i32
        %mul3A_428 = arith.constant 16 : i32
        %mul3A_429 = arith.muli %add3A_427, %mul3A_428 : i32
        %add3A_430 = arith.constant 10240 : i32
        %add3A_431 = arith.addi %add3A_430, %mul3A_429 : i32
        %multiple_of3A_432 = tpu.assume_multiple %add3A_431, 16 : i32
        %get3A_433 = arith.index_cast %multiple_of3A_432 : i32 to index
        %get3A_434 = tpu.vector_load %arg4[%get3A_433] {strides = array<i32>} : memref<16384xi32, #tpu.memory_space<vmem>>, vector<16xi32>,
        %mul3A_435 = arith.constant 8 : i32
        %mul3A_436 = arith.muli %scan3A_266, %mul3A_435 : i32
        %add3A_437 = arith.constant 7 : i32
        %add3A_438 = arith.addi %mul3A_436, %add3A_437 : i32
        %mul3A_439 = arith.constant 16 : i32
        %mul3A_440 = arith.muli %add3A_438, %mul3A_439 : i32
        %multiple_of3A_441 = tpu.assume_multiple %mul3A_440, 16 : i32
        %gather3A_442 = tpu.vector_load_idx %arg6[%get3A_434] : memref<100000xi32, #tpu.memory_space<vmem>>[vector<16xi32>], vector<16xi32>,
        %swap3A_443 = arith.constant 1 : i32
        %swap3A_444 = arith.index_cast %swap3A_443 : i32 to index
        %swap3A_445 = arith.index_cast %multiple_of3A_441 : i32 to index
        %swap3A_446 = tpu.vector_load %arg5[%swap3A_444, %swap3A_445] {strides = array<i32>} : memref<2x2048xi32, #tpu.memory_space<vmem>>, vector<16xi32>,
        tpu.vector_store %arg5[%swap3A_444, %swap3A_445], %gather3A_442 {strides = array<i32>} : memref<2x2048xi32, #tpu.memory_space<vmem>>, vector<16xi32>,
      }
      %scan3A_164 = arith.constant 16 : i32
      %dma_start3A_165 = arith.constant 1 : i32
      %dma_start3A_166 = arith.constant 0 : i32
      %dma_start3A_167 = tpu.memref_slice %arg5[%dma_start3A_165, %dma_start3A_166] : memref<2x2048xi32, #tpu.memory_space<vmem>> -> memref<1x2048xi32, #tpu.memory_space<vmem>>
      %dma_start3A_168 = tpu.memref_squeeze %dma_start3A_167 : memref<1x2048xi32, #tpu.memory_space<vmem>> -> memref<2048xi32, #tpu.memory_space<vmem>>
      %dma_start3A_169 = arith.constant 10240 : i32
      %dma_start3A_170 = tpu.memref_slice %arg3[%add3A, %dma_start3A_169] : memref<8x16384xi32, #tpu.memory_space<hbm>> -> memref<1x2048xi32, #tpu.memory_space<hbm>>
      %dma_start3A_171 = tpu.memref_squeeze %dma_start3A_170 : memref<1x2048xi32, #tpu.memory_space<hbm>> -> memref<2048xi32, #tpu.memory_space<hbm>>
      %dma_start3A_172 = arith.constant 10240 : i32
      %dma_start3A_173 = tpu.memref_slice %arg3[%add3A, %dma_start3A_172] : memref<8x16384xi32, #tpu.memory_space<hbm>> -> memref<1x2048xi32, #tpu.memory_space<hbm>>
      %dma_start3A_174 = tpu.memref_squeeze %dma_start3A_173 : memref<1x2048xi32, #tpu.memory_space<hbm>> -> memref<2048xi32, #tpu.memory_space<hbm>>
      %dma_start3A_175 = arith.constant 0 : i32
      %dma_start3A_176 = tpu.memref_slice %arg5[%dma_start3A_165, %dma_start3A_175] : memref<2x2048xi32, #tpu.memory_space<vmem>> -> memref<1x2048xi32, #tpu.memory_space<vmem>>
      %dma_start3A_177 = tpu.memref_squeeze %dma_start3A_176 : memref<1x2048xi32, #tpu.memory_space<vmem>> -> memref<2048xi32, #tpu.memory_space<vmem>>
      tpu.enqueue_dma source(%dma_start3A_177 : memref<2048xi32, #tpu.memory_space<vmem>>) target(%dma_start3A_174 : memref<2048xi32, #tpu.memory_space<hbm>>) target_semaphore(%arg8 : memref<!tpu.dma_semaphore, #tpu.memory_space<semaphore_mem>>)
      %dma_wait3A_178 = arith.constant 0 : i32
      %dma_wait3A_179 = arith.constant 0 : i32
      %dma_wait3A_180 = tpu.memref_slice %arg5[%dma_wait3A_178, %dma_wait3A_179] : memref<2x2048xi32, #tpu.memory_space<vmem>> -> memref<1x2048xi32, #tpu.memory_space<vmem>>
      %dma_wait3A_181 = tpu.memref_squeeze %dma_wait3A_180 : memref<1x2048xi32, #tpu.memory_space<vmem>> -> memref<2048xi32, #tpu.memory_space<vmem>>
      %dma_wait3A_182 = arith.constant 8192 : i32
      %dma_wait3A_183 = tpu.memref_slice %arg3[%add3A, %dma_wait3A_182] : memref<8x16384xi32, #tpu.memory_space<hbm>> -> memref<1x2048xi32, #tpu.memory_space<hbm>>
      %dma_wait3A_184 = tpu.memref_squeeze %dma_wait3A_183 : memref<1x2048xi32, #tpu.memory_space<hbm>> -> memref<2048xi32, #tpu.memory_space<hbm>>
      %dma_wait3A_185 = arith.constant 8192 : i32
      %dma_wait3A_186 = tpu.memref_slice %arg3[%add3A, %dma_wait3A_185] : memref<8x16384xi32, #tpu.memory_space<hbm>> -> memref<1x2048xi32, #tpu.memory_space<hbm>>
      %dma_wait3A_187 = tpu.memref_squeeze %dma_wait3A_186 : memref<1x2048xi32, #tpu.memory_space<hbm>> -> memref<2048xi32, #tpu.memory_space<hbm>>
      %dma_wait3A_188 = arith.constant 0 : i32
      %dma_wait3A_189 = tpu.memref_slice %arg5[%dma_wait3A_178, %dma_wait3A_188] : memref<2x2048xi32, #tpu.memory_space<vmem>> -> memref<1x2048xi32, #tpu.memory_space<vmem>>
      %dma_wait3A_190 = tpu.memref_squeeze %dma_wait3A_189 : memref<1x2048xi32, #tpu.memory_space<vmem>> -> memref<2048xi32, #tpu.memory_space<vmem>>
      tpu.wait_dma2 semaphore(%arg7 : memref<!tpu.dma_semaphore, #tpu.memory_space<semaphore_mem>>) src(%dma_wait3A_190 : memref<2048xi32, #tpu.memory_space<vmem>>) dst(%dma_wait3A_187 : memref<2048xi32, #tpu.memory_space<hbm>>)
      %scan3A_191 = arith.constant 0 : i32
      %scan3A_192 = arith.constant 16 : i32
      %scan3A_193 = arith.addi %scan3A_191, %scan3A_192 : i32
      %scan3A_194 = arith.constant 1 : i32
      scf.for %scan3A_266 = %scan3A_191 to %scan3A_193 step %scan3A_194  : i32 {
        %mul3A_267 = arith.constant 8 : i32
        %mul3A_268 = arith.muli %scan3A_266, %mul3A_267 : i32
        %add3A_269 = arith.constant 0 : i32
        %add3A_270 = arith.addi %mul3A_268, %add3A_269 : i32
        %mul3A_271 = arith.constant 16 : i32
        %mul3A_272 = arith.muli %add3A_270, %mul3A_271 : i32
        %add3A_273 = arith.constant 12288 : i32
        %add3A_274 = arith.addi %add3A_273, %mul3A_272 : i32
        %multiple_of3A = tpu.assume_multiple %add3A_274, 16 : i32
        %get3A = arith.index_cast %multiple_of3A : i32 to index
        %get3A_275 = tpu.vector_load %arg4[%get3A] {strides = array<i32>} : memref<16384xi32, #tpu.memory_space<vmem>>, vector<16xi32>,
        %mul3A_276 = arith.constant 8 : i32
        %mul3A_277 = arith.muli %scan3A_266, %mul3A_276 : i32
        %add3A_278 = arith.constant 0 : i32
        %add3A_279 = arith.addi %mul3A_277, %add3A_278 : i32
        %mul3A_280 = arith.constant 16 : i32
        %mul3A_281 = arith.muli %add3A_279, %mul3A_280 : i32
        %multiple_of3A_282 = tpu.assume_multiple %mul3A_281, 16 : i32
        %gather3A = tpu.vector_load_idx %arg6[%get3A_275] : memref<100000xi32, #tpu.memory_space<vmem>>[vector<16xi32>], vector<16xi32>,
        %swap3A = arith.constant 0 : i32
        %swap3A_283 = arith.index_cast %swap3A : i32 to index
        %swap3A_284 = arith.index_cast %multiple_of3A_282 : i32 to index
        %swap3A_285 = tpu.vector_load %arg5[%swap3A_283, %swap3A_284] {strides = array<i32>} : memref<2x2048xi32, #tpu.memory_space<vmem>>, vector<16xi32>,
        tpu.vector_store %arg5[%swap3A_283, %swap3A_284], %gather3A {strides = array<i32>} : memref<2x2048xi32, #tpu.memory_space<vmem>>, vector<16xi32>,
        %mul3A_286 = arith.constant 8 : i32
        %mul3A_287 = arith.muli %scan3A_266, %mul3A_286 : i32
        %add3A_288 = arith.constant 1 : i32
        %add3A_289 = arith.addi %mul3A_287, %add3A_288 : i32
        %mul3A_290 = arith.constant 16 : i32
        %mul3A_291 = arith.muli %add3A_289, %mul3A_290 : i32
        %add3A_292 = arith.constant 12288 : i32
        %add3A_293 = arith.addi %add3A_292, %mul3A_291 : i32
        %multiple_of3A_294 = tpu.assume_multiple %add3A_293, 16 : i32
        %get3A_295 = arith.index_cast %multiple_of3A_294 : i32 to index
        %get3A_296 = tpu.vector_load %arg4[%get3A_295] {strides = array<i32>} : memref<16384xi32, #tpu.memory_space<vmem>>, vector<16xi32>,
        %mul3A_297 = arith.constant 8 : i32
        %mul3A_298 = arith.muli %scan3A_266, %mul3A_297 : i32
        %add3A_299 = arith.constant 1 : i32
        %add3A_300 = arith.addi %mul3A_298, %add3A_299 : i32
        %mul3A_301 = arith.constant 16 : i32
        %mul3A_302 = arith.muli %add3A_300, %mul3A_301 : i32
        %multiple_of3A_303 = tpu.assume_multiple %mul3A_302, 16 : i32
        %gather3A_304 = tpu.vector_load_idx %arg6[%get3A_296] : memref<100000xi32, #tpu.memory_space<vmem>>[vector<16xi32>], vector<16xi32>,
        %swap3A_305 = arith.constant 0 : i32
        %swap3A_306 = arith.index_cast %swap3A_305 : i32 to index
        %swap3A_307 = arith.index_cast %multiple_of3A_303 : i32 to index
        %swap3A_308 = tpu.vector_load %arg5[%swap3A_306, %swap3A_307] {strides = array<i32>} : memref<2x2048xi32, #tpu.memory_space<vmem>>, vector<16xi32>,
        tpu.vector_store %arg5[%swap3A_306, %swap3A_307], %gather3A_304 {strides = array<i32>} : memref<2x2048xi32, #tpu.memory_space<vmem>>, vector<16xi32>,
        %mul3A_309 = arith.constant 8 : i32
        %mul3A_310 = arith.muli %scan3A_266, %mul3A_309 : i32
        %add3A_311 = arith.constant 2 : i32
        %add3A_312 = arith.addi %mul3A_310, %add3A_311 : i32
        %mul3A_313 = arith.constant 16 : i32
        %mul3A_314 = arith.muli %add3A_312, %mul3A_313 : i32
        %add3A_315 = arith.constant 12288 : i32
        %add3A_316 = arith.addi %add3A_315, %mul3A_314 : i32
        %multiple_of3A_317 = tpu.assume_multiple %add3A_316, 16 : i32
        %get3A_318 = arith.index_cast %multiple_of3A_317 : i32 to index
        %get3A_319 = tpu.vector_load %arg4[%get3A_318] {strides = array<i32>} : memref<16384xi32, #tpu.memory_space<vmem>>, vector<16xi32>,
        %mul3A_320 = arith.constant 8 : i32
        %mul3A_321 = arith.muli %scan3A_266, %mul3A_320 : i32
        %add3A_322 = arith.constant 2 : i32
        %add3A_323 = arith.addi %mul3A_321, %add3A_322 : i32
        %mul3A_324 = arith.constant 16 : i32
        %mul3A_325 = arith.muli %add3A_323, %mul3A_324 : i32
        %multiple_of3A_326 = tpu.assume_multiple %mul3A_325, 16 : i32
        %gather3A_327 = tpu.vector_load_idx %arg6[%get3A_319] : memref<100000xi32, #tpu.memory_space<vmem>>[vector<16xi32>], vector<16xi32>,
        %swap3A_328 = arith.constant 0 : i32
        %swap3A_329 = arith.index_cast %swap3A_328 : i32 to index
        %swap3A_330 = arith.index_cast %multiple_of3A_326 : i32 to index
        %swap3A_331 = tpu.vector_load %arg5[%swap3A_329, %swap3A_330] {strides = array<i32>} : memref<2x2048xi32, #tpu.memory_space<vmem>>, vector<16xi32>,
        tpu.vector_store %arg5[%swap3A_329, %swap3A_330], %gather3A_327 {strides = array<i32>} : memref<2x2048xi32, #tpu.memory_space<vmem>>, vector<16xi32>,
        %mul3A_332 = arith.constant 8 : i32
        %mul3A_333 = arith.muli %scan3A_266, %mul3A_332 : i32
        %add3A_334 = arith.constant 3 : i32
        %add3A_335 = arith.addi %mul3A_333, %add3A_334 : i32
        %mul3A_336 = arith.constant 16 : i32
        %mul3A_337 = arith.muli %add3A_335, %mul3A_336 : i32
        %add3A_338 = arith.constant 12288 : i32
        %add3A_339 = arith.addi %add3A_338, %mul3A_337 : i32
        %multiple_of3A_340 = tpu.assume_multiple %add3A_339, 16 : i32
        %get3A_341 = arith.index_cast %multiple_of3A_340 : i32 to index
        %get3A_342 = tpu.vector_load %arg4[%get3A_341] {strides = array<i32>} : memref<16384xi32, #tpu.memory_space<vmem>>, vector<16xi32>,
        %mul3A_343 = arith.constant 8 : i32
        %mul3A_344 = arith.muli %scan3A_266, %mul3A_343 : i32
        %add3A_345 = arith.constant 3 : i32
        %add3A_346 = arith.addi %mul3A_344, %add3A_345 : i32
        %mul3A_347 = arith.constant 16 : i32
        %mul3A_348 = arith.muli %add3A_346, %mul3A_347 : i32
        %multiple_of3A_349 = tpu.assume_multiple %mul3A_348, 16 : i32
        %gather3A_350 = tpu.vector_load_idx %arg6[%get3A_342] : memref<100000xi32, #tpu.memory_space<vmem>>[vector<16xi32>], vector<16xi32>,
        %swap3A_351 = arith.constant 0 : i32
        %swap3A_352 = arith.index_cast %swap3A_351 : i32 to index
        %swap3A_353 = arith.index_cast %multiple_of3A_349 : i32 to index
        %swap3A_354 = tpu.vector_load %arg5[%swap3A_352, %swap3A_353] {strides = array<i32>} : memref<2x2048xi32, #tpu.memory_space<vmem>>, vector<16xi32>,
        tpu.vector_store %arg5[%swap3A_352, %swap3A_353], %gather3A_350 {strides = array<i32>} : memref<2x2048xi32, #tpu.memory_space<vmem>>, vector<16xi32>,
        %mul3A_355 = arith.constant 8 : i32
        %mul3A_356 = arith.muli %scan3A_266, %mul3A_355 : i32
        %add3A_357 = arith.constant 4 : i32
        %add3A_358 = arith.addi %mul3A_356, %add3A_357 : i32
        %mul3A_359 = arith.constant 16 : i32
        %mul3A_360 = arith.muli %add3A_358, %mul3A_359 : i32
        %add3A_361 = arith.constant 12288 : i32
        %add3A_362 = arith.addi %add3A_361, %mul3A_360 : i32
        %multiple_of3A_363 = tpu.assume_multiple %add3A_362, 16 : i32
        %get3A_364 = arith.index_cast %multiple_of3A_363 : i32 to index
        %get3A_365 = tpu.vector_load %arg4[%get3A_364] {strides = array<i32>} : memref<16384xi32, #tpu.memory_space<vmem>>, vector<16xi32>,
        %mul3A_366 = arith.constant 8 : i32
        %mul3A_367 = arith.muli %scan3A_266, %mul3A_366 : i32
        %add3A_368 = arith.constant 4 : i32
        %add3A_369 = arith.addi %mul3A_367, %add3A_368 : i32
        %mul3A_370 = arith.constant 16 : i32
        %mul3A_371 = arith.muli %add3A_369, %mul3A_370 : i32
        %multiple_of3A_372 = tpu.assume_multiple %mul3A_371, 16 : i32
        %gather3A_373 = tpu.vector_load_idx %arg6[%get3A_365] : memref<100000xi32, #tpu.memory_space<vmem>>[vector<16xi32>], vector<16xi32>,
        %swap3A_374 = arith.constant 0 : i32
        %swap3A_375 = arith.index_cast %swap3A_374 : i32 to index
        %swap3A_376 = arith.index_cast %multiple_of3A_372 : i32 to index
        %swap3A_377 = tpu.vector_load %arg5[%swap3A_375, %swap3A_376] {strides = array<i32>} : memref<2x2048xi32, #tpu.memory_space<vmem>>, vector<16xi32>,
        tpu.vector_store %arg5[%swap3A_375, %swap3A_376], %gather3A_373 {strides = array<i32>} : memref<2x2048xi32, #tpu.memory_space<vmem>>, vector<16xi32>,
        %mul3A_378 = arith.constant 8 : i32
        %mul3A_379 = arith.muli %scan3A_266, %mul3A_378 : i32
        %add3A_380 = arith.constant 5 : i32
        %add3A_381 = arith.addi %mul3A_379, %add3A_380 : i32
        %mul3A_382 = arith.constant 16 : i32
        %mul3A_383 = arith.muli %add3A_381, %mul3A_382 : i32
        %add3A_384 = arith.constant 12288 : i32
        %add3A_385 = arith.addi %add3A_384, %mul3A_383 : i32
        %multiple_of3A_386 = tpu.assume_multiple %add3A_385, 16 : i32
        %get3A_387 = arith.index_cast %multiple_of3A_386 : i32 to index
        %get3A_388 = tpu.vector_load %arg4[%get3A_387] {strides = array<i32>} : memref<16384xi32, #tpu.memory_space<vmem>>, vector<16xi32>,
        %mul3A_389 = arith.constant 8 : i32
        %mul3A_390 = arith.muli %scan3A_266, %mul3A_389 : i32
        %add3A_391 = arith.constant 5 : i32
        %add3A_392 = arith.addi %mul3A_390, %add3A_391 : i32
        %mul3A_393 = arith.constant 16 : i32
        %mul3A_394 = arith.muli %add3A_392, %mul3A_393 : i32
        %multiple_of3A_395 = tpu.assume_multiple %mul3A_394, 16 : i32
        %gather3A_396 = tpu.vector_load_idx %arg6[%get3A_388] : memref<100000xi32, #tpu.memory_space<vmem>>[vector<16xi32>], vector<16xi32>,
        %swap3A_397 = arith.constant 0 : i32
        %swap3A_398 = arith.index_cast %swap3A_397 : i32 to index
        %swap3A_399 = arith.index_cast %multiple_of3A_395 : i32 to index
        %swap3A_400 = tpu.vector_load %arg5[%swap3A_398, %swap3A_399] {strides = array<i32>} : memref<2x2048xi32, #tpu.memory_space<vmem>>, vector<16xi32>,
        tpu.vector_store %arg5[%swap3A_398, %swap3A_399], %gather3A_396 {strides = array<i32>} : memref<2x2048xi32, #tpu.memory_space<vmem>>, vector<16xi32>,
        %mul3A_401 = arith.constant 8 : i32
        %mul3A_402 = arith.muli %scan3A_266, %mul3A_401 : i32
        %add3A_403 = arith.constant 6 : i32
        %add3A_404 = arith.addi %mul3A_402, %add3A_403 : i32
        %mul3A_405 = arith.constant 16 : i32
        %mul3A_406 = arith.muli %add3A_404, %mul3A_405 : i32
        %add3A_407 = arith.constant 12288 : i32
        %add3A_408 = arith.addi %add3A_407, %mul3A_406 : i32
        %multiple_of3A_409 = tpu.assume_multiple %add3A_408, 16 : i32
        %get3A_410 = arith.index_cast %multiple_of3A_409 : i32 to index
        %get3A_411 = tpu.vector_load %arg4[%get3A_410] {strides = array<i32>} : memref<16384xi32, #tpu.memory_space<vmem>>, vector<16xi32>,
        %mul3A_412 = arith.constant 8 : i32
        %mul3A_413 = arith.muli %scan3A_266, %mul3A_412 : i32
        %add3A_414 = arith.constant 6 : i32
        %add3A_415 = arith.addi %mul3A_413, %add3A_414 : i32
        %mul3A_416 = arith.constant 16 : i32
        %mul3A_417 = arith.muli %add3A_415, %mul3A_416 : i32
        %multiple_of3A_418 = tpu.assume_multiple %mul3A_417, 16 : i32
        %gather3A_419 = tpu.vector_load_idx %arg6[%get3A_411] : memref<100000xi32, #tpu.memory_space<vmem>>[vector<16xi32>], vector<16xi32>,
        %swap3A_420 = arith.constant 0 : i32
        %swap3A_421 = arith.index_cast %swap3A_420 : i32 to index
        %swap3A_422 = arith.index_cast %multiple_of3A_418 : i32 to index
        %swap3A_423 = tpu.vector_load %arg5[%swap3A_421, %swap3A_422] {strides = array<i32>} : memref<2x2048xi32, #tpu.memory_space<vmem>>, vector<16xi32>,
        tpu.vector_store %arg5[%swap3A_421, %swap3A_422], %gather3A_419 {strides = array<i32>} : memref<2x2048xi32, #tpu.memory_space<vmem>>, vector<16xi32>,
        %mul3A_424 = arith.constant 8 : i32
        %mul3A_425 = arith.muli %scan3A_266, %mul3A_424 : i32
        %add3A_426 = arith.constant 7 : i32
        %add3A_427 = arith.addi %mul3A_425, %add3A_426 : i32
        %mul3A_428 = arith.constant 16 : i32
        %mul3A_429 = arith.muli %add3A_427, %mul3A_428 : i32
        %add3A_430 = arith.constant 12288 : i32
        %add3A_431 = arith.addi %add3A_430, %mul3A_429 : i32
        %multiple_of3A_432 = tpu.assume_multiple %add3A_431, 16 : i32
        %get3A_433 = arith.index_cast %multiple_of3A_432 : i32 to index
        %get3A_434 = tpu.vector_load %arg4[%get3A_433] {strides = array<i32>} : memref<16384xi32, #tpu.memory_space<vmem>>, vector<16xi32>,
        %mul3A_435 = arith.constant 8 : i32
        %mul3A_436 = arith.muli %scan3A_266, %mul3A_435 : i32
        %add3A_437 = arith.constant 7 : i32
        %add3A_438 = arith.addi %mul3A_436, %add3A_437 : i32
        %mul3A_439 = arith.constant 16 : i32
        %mul3A_440 = arith.muli %add3A_438, %mul3A_439 : i32
        %multiple_of3A_441 = tpu.assume_multiple %mul3A_440, 16 : i32
        %gather3A_442 = tpu.vector_load_idx %arg6[%get3A_434] : memref<100000xi32, #tpu.memory_space<vmem>>[vector<16xi32>], vector<16xi32>,
        %swap3A_443 = arith.constant 0 : i32
        %swap3A_444 = arith.index_cast %swap3A_443 : i32 to index
        %swap3A_445 = arith.index_cast %multiple_of3A_441 : i32 to index
        %swap3A_446 = tpu.vector_load %arg5[%swap3A_444, %swap3A_445] {strides = array<i32>} : memref<2x2048xi32, #tpu.memory_space<vmem>>, vector<16xi32>,
        tpu.vector_store %arg5[%swap3A_444, %swap3A_445], %gather3A_442 {strides = array<i32>} : memref<2x2048xi32, #tpu.memory_space<vmem>>, vector<16xi32>,
      }
      %scan3A_195 = arith.constant 16 : i32
      %dma_start3A_196 = arith.constant 0 : i32
      %dma_start3A_197 = arith.constant 0 : i32
      %dma_start3A_198 = tpu.memref_slice %arg5[%dma_start3A_196, %dma_start3A_197] : memref<2x2048xi32, #tpu.memory_space<vmem>> -> memref<1x2048xi32, #tpu.memory_space<vmem>>
      %dma_start3A_199 = tpu.memref_squeeze %dma_start3A_198 : memref<1x2048xi32, #tpu.memory_space<vmem>> -> memref<2048xi32, #tpu.memory_space<vmem>>
      %dma_start3A_200 = arith.constant 12288 : i32
      %dma_start3A_201 = tpu.memref_slice %arg3[%add3A, %dma_start3A_200] : memref<8x16384xi32, #tpu.memory_space<hbm>> -> memref<1x2048xi32, #tpu.memory_space<hbm>>
      %dma_start3A_202 = tpu.memref_squeeze %dma_start3A_201 : memref<1x2048xi32, #tpu.memory_space<hbm>> -> memref<2048xi32, #tpu.memory_space<hbm>>
      %dma_start3A_203 = arith.constant 12288 : i32
      %dma_start3A_204 = tpu.memref_slice %arg3[%add3A, %dma_start3A_203] : memref<8x16384xi32, #tpu.memory_space<hbm>> -> memref<1x2048xi32, #tpu.memory_space<hbm>>
      %dma_start3A_205 = tpu.memref_squeeze %dma_start3A_204 : memref<1x2048xi32, #tpu.memory_space<hbm>> -> memref<2048xi32, #tpu.memory_space<hbm>>
      %dma_start3A_206 = arith.constant 0 : i32
      %dma_start3A_207 = tpu.memref_slice %arg5[%dma_start3A_196, %dma_start3A_206] : memref<2x2048xi32, #tpu.memory_space<vmem>> -> memref<1x2048xi32, #tpu.memory_space<vmem>>
      %dma_start3A_208 = tpu.memref_squeeze %dma_start3A_207 : memref<1x2048xi32, #tpu.memory_space<vmem>> -> memref<2048xi32, #tpu.memory_space<vmem>>
      tpu.enqueue_dma source(%dma_start3A_208 : memref<2048xi32, #tpu.memory_space<vmem>>) target(%dma_start3A_205 : memref<2048xi32, #tpu.memory_space<hbm>>) target_semaphore(%arg7 : memref<!tpu.dma_semaphore, #tpu.memory_space<semaphore_mem>>)
      %dma_wait3A_209 = arith.constant 1 : i32
      %dma_wait3A_210 = arith.constant 0 : i32
      %dma_wait3A_211 = tpu.memref_slice %arg5[%dma_wait3A_209, %dma_wait3A_210] : memref<2x2048xi32, #tpu.memory_space<vmem>> -> memref<1x2048xi32, #tpu.memory_space<vmem>>
      %dma_wait3A_212 = tpu.memref_squeeze %dma_wait3A_211 : memref<1x2048xi32, #tpu.memory_space<vmem>> -> memref<2048xi32, #tpu.memory_space<vmem>>
      %dma_wait3A_213 = arith.constant 10240 : i32
      %dma_wait3A_214 = tpu.memref_slice %arg3[%add3A, %dma_wait3A_213] : memref<8x16384xi32, #tpu.memory_space<hbm>> -> memref<1x2048xi32, #tpu.memory_space<hbm>>
      %dma_wait3A_215 = tpu.memref_squeeze %dma_wait3A_214 : memref<1x2048xi32, #tpu.memory_space<hbm>> -> memref<2048xi32, #tpu.memory_space<hbm>>
      %dma_wait3A_216 = arith.constant 10240 : i32
      %dma_wait3A_217 = tpu.memref_slice %arg3[%add3A, %dma_wait3A_216] : memref<8x16384xi32, #tpu.memory_space<hbm>> -> memref<1x2048xi32, #tpu.memory_space<hbm>>
      %dma_wait3A_218 = tpu.memref_squeeze %dma_wait3A_217 : memref<1x2048xi32, #tpu.memory_space<hbm>> -> memref<2048xi32, #tpu.memory_space<hbm>>
      %dma_wait3A_219 = arith.constant 0 : i32
      %dma_wait3A_220 = tpu.memref_slice %arg5[%dma_wait3A_209, %dma_wait3A_219] : memref<2x2048xi32, #tpu.memory_space<vmem>> -> memref<1x2048xi32, #tpu.memory_space<vmem>>
      %dma_wait3A_221 = tpu.memref_squeeze %dma_wait3A_220 : memref<1x2048xi32, #tpu.memory_space<vmem>> -> memref<2048xi32, #tpu.memory_space<vmem>>
      tpu.wait_dma2 semaphore(%arg8 : memref<!tpu.dma_semaphore, #tpu.memory_space<semaphore_mem>>) src(%dma_wait3A_221 : memref<2048xi32, #tpu.memory_space<vmem>>) dst(%dma_wait3A_218 : memref<2048xi32, #tpu.memory_space<hbm>>)
      %scan3A_222 = arith.constant 0 : i32
      %scan3A_223 = arith.constant 16 : i32
      %scan3A_224 = arith.addi %scan3A_222, %scan3A_223 : i32
      %scan3A_225 = arith.constant 1 : i32
      scf.for %scan3A_266 = %scan3A_222 to %scan3A_224 step %scan3A_225  : i32 {
        %mul3A_267 = arith.constant 8 : i32
        %mul3A_268 = arith.muli %scan3A_266, %mul3A_267 : i32
        %add3A_269 = arith.constant 0 : i32
        %add3A_270 = arith.addi %mul3A_268, %add3A_269 : i32
        %mul3A_271 = arith.constant 16 : i32
        %mul3A_272 = arith.muli %add3A_270, %mul3A_271 : i32
        %add3A_273 = arith.constant 14336 : i32
        %add3A_274 = arith.addi %add3A_273, %mul3A_272 : i32
        %multiple_of3A = tpu.assume_multiple %add3A_274, 16 : i32
        %get3A = arith.index_cast %multiple_of3A : i32 to index
        %get3A_275 = tpu.vector_load %arg4[%get3A] {strides = array<i32>} : memref<16384xi32, #tpu.memory_space<vmem>>, vector<16xi32>,
        %mul3A_276 = arith.constant 8 : i32
        %mul3A_277 = arith.muli %scan3A_266, %mul3A_276 : i32
        %add3A_278 = arith.constant 0 : i32
        %add3A_279 = arith.addi %mul3A_277, %add3A_278 : i32
        %mul3A_280 = arith.constant 16 : i32
        %mul3A_281 = arith.muli %add3A_279, %mul3A_280 : i32
        %multiple_of3A_282 = tpu.assume_multiple %mul3A_281, 16 : i32
        %gather3A = tpu.vector_load_idx %arg6[%get3A_275] : memref<100000xi32, #tpu.memory_space<vmem>>[vector<16xi32>], vector<16xi32>,
        %swap3A = arith.constant 1 : i32
        %swap3A_283 = arith.index_cast %swap3A : i32 to index
        %swap3A_284 = arith.index_cast %multiple_of3A_282 : i32 to index
        %swap3A_285 = tpu.vector_load %arg5[%swap3A_283, %swap3A_284] {strides = array<i32>} : memref<2x2048xi32, #tpu.memory_space<vmem>>, vector<16xi32>,
        tpu.vector_store %arg5[%swap3A_283, %swap3A_284], %gather3A {strides = array<i32>} : memref<2x2048xi32, #tpu.memory_space<vmem>>, vector<16xi32>,
        %mul3A_286 = arith.constant 8 : i32
        %mul3A_287 = arith.muli %scan3A_266, %mul3A_286 : i32
        %add3A_288 = arith.constant 1 : i32
        %add3A_289 = arith.addi %mul3A_287, %add3A_288 : i32
        %mul3A_290 = arith.constant 16 : i32
        %mul3A_291 = arith.muli %add3A_289, %mul3A_290 : i32
        %add3A_292 = arith.constant 14336 : i32
        %add3A_293 = arith.addi %add3A_292, %mul3A_291 : i32
        %multiple_of3A_294 = tpu.assume_multiple %add3A_293, 16 : i32
        %get3A_295 = arith.index_cast %multiple_of3A_294 : i32 to index
        %get3A_296 = tpu.vector_load %arg4[%get3A_295] {strides = array<i32>} : memref<16384xi32, #tpu.memory_space<vmem>>, vector<16xi32>,
        %mul3A_297 = arith.constant 8 : i32
        %mul3A_298 = arith.muli %scan3A_266, %mul3A_297 : i32
        %add3A_299 = arith.constant 1 : i32
        %add3A_300 = arith.addi %mul3A_298, %add3A_299 : i32
        %mul3A_301 = arith.constant 16 : i32
        %mul3A_302 = arith.muli %add3A_300, %mul3A_301 : i32
        %multiple_of3A_303 = tpu.assume_multiple %mul3A_302, 16 : i32
        %gather3A_304 = tpu.vector_load_idx %arg6[%get3A_296] : memref<100000xi32, #tpu.memory_space<vmem>>[vector<16xi32>], vector<16xi32>,
        %swap3A_305 = arith.constant 1 : i32
        %swap3A_306 = arith.index_cast %swap3A_305 : i32 to index
        %swap3A_307 = arith.index_cast %multiple_of3A_303 : i32 to index
        %swap3A_308 = tpu.vector_load %arg5[%swap3A_306, %swap3A_307] {strides = array<i32>} : memref<2x2048xi32, #tpu.memory_space<vmem>>, vector<16xi32>,
        tpu.vector_store %arg5[%swap3A_306, %swap3A_307], %gather3A_304 {strides = array<i32>} : memref<2x2048xi32, #tpu.memory_space<vmem>>, vector<16xi32>,
        %mul3A_309 = arith.constant 8 : i32
        %mul3A_310 = arith.muli %scan3A_266, %mul3A_309 : i32
        %add3A_311 = arith.constant 2 : i32
        %add3A_312 = arith.addi %mul3A_310, %add3A_311 : i32
        %mul3A_313 = arith.constant 16 : i32
        %mul3A_314 = arith.muli %add3A_312, %mul3A_313 : i32
        %add3A_315 = arith.constant 14336 : i32
        %add3A_316 = arith.addi %add3A_315, %mul3A_314 : i32
        %multiple_of3A_317 = tpu.assume_multiple %add3A_316, 16 : i32
        %get3A_318 = arith.index_cast %multiple_of3A_317 : i32 to index
        %get3A_319 = tpu.vector_load %arg4[%get3A_318] {strides = array<i32>} : memref<16384xi32, #tpu.memory_space<vmem>>, vector<16xi32>,
        %mul3A_320 = arith.constant 8 : i32
        %mul3A_321 = arith.muli %scan3A_266, %mul3A_320 : i32
        %add3A_322 = arith.constant 2 : i32
        %add3A_323 = arith.addi %mul3A_321, %add3A_322 : i32
        %mul3A_324 = arith.constant 16 : i32
        %mul3A_325 = arith.muli %add3A_323, %mul3A_324 : i32
        %multiple_of3A_326 = tpu.assume_multiple %mul3A_325, 16 : i32
        %gather3A_327 = tpu.vector_load_idx %arg6[%get3A_319] : memref<100000xi32, #tpu.memory_space<vmem>>[vector<16xi32>], vector<16xi32>,
        %swap3A_328 = arith.constant 1 : i32
        %swap3A_329 = arith.index_cast %swap3A_328 : i32 to index
        %swap3A_330 = arith.index_cast %multiple_of3A_326 : i32 to index
        %swap3A_331 = tpu.vector_load %arg5[%swap3A_329, %swap3A_330] {strides = array<i32>} : memref<2x2048xi32, #tpu.memory_space<vmem>>, vector<16xi32>,
        tpu.vector_store %arg5[%swap3A_329, %swap3A_330], %gather3A_327 {strides = array<i32>} : memref<2x2048xi32, #tpu.memory_space<vmem>>, vector<16xi32>,
        %mul3A_332 = arith.constant 8 : i32
        %mul3A_333 = arith.muli %scan3A_266, %mul3A_332 : i32
        %add3A_334 = arith.constant 3 : i32
        %add3A_335 = arith.addi %mul3A_333, %add3A_334 : i32
        %mul3A_336 = arith.constant 16 : i32
        %mul3A_337 = arith.muli %add3A_335, %mul3A_336 : i32
        %add3A_338 = arith.constant 14336 : i32
        %add3A_339 = arith.addi %add3A_338, %mul3A_337 : i32
        %multiple_of3A_340 = tpu.assume_multiple %add3A_339, 16 : i32
        %get3A_341 = arith.index_cast %multiple_of3A_340 : i32 to index
        %get3A_342 = tpu.vector_load %arg4[%get3A_341] {strides = array<i32>} : memref<16384xi32, #tpu.memory_space<vmem>>, vector<16xi32>,
        %mul3A_343 = arith.constant 8 : i32
        %mul3A_344 = arith.muli %scan3A_266, %mul3A_343 : i32
        %add3A_345 = arith.constant 3 : i32
        %add3A_346 = arith.addi %mul3A_344, %add3A_345 : i32
        %mul3A_347 = arith.constant 16 : i32
        %mul3A_348 = arith.muli %add3A_346, %mul3A_347 : i32
        %multiple_of3A_349 = tpu.assume_multiple %mul3A_348, 16 : i32
        %gather3A_350 = tpu.vector_load_idx %arg6[%get3A_342] : memref<100000xi32, #tpu.memory_space<vmem>>[vector<16xi32>], vector<16xi32>,
        %swap3A_351 = arith.constant 1 : i32
        %swap3A_352 = arith.index_cast %swap3A_351 : i32 to index
        %swap3A_353 = arith.index_cast %multiple_of3A_349 : i32 to index
        %swap3A_354 = tpu.vector_load %arg5[%swap3A_352, %swap3A_353] {strides = array<i32>} : memref<2x2048xi32, #tpu.memory_space<vmem>>, vector<16xi32>,
        tpu.vector_store %arg5[%swap3A_352, %swap3A_353], %gather3A_350 {strides = array<i32>} : memref<2x2048xi32, #tpu.memory_space<vmem>>, vector<16xi32>,
        %mul3A_355 = arith.constant 8 : i32
        %mul3A_356 = arith.muli %scan3A_266, %mul3A_355 : i32
        %add3A_357 = arith.constant 4 : i32
        %add3A_358 = arith.addi %mul3A_356, %add3A_357 : i32
        %mul3A_359 = arith.constant 16 : i32
        %mul3A_360 = arith.muli %add3A_358, %mul3A_359 : i32
        %add3A_361 = arith.constant 14336 : i32
        %add3A_362 = arith.addi %add3A_361, %mul3A_360 : i32
        %multiple_of3A_363 = tpu.assume_multiple %add3A_362, 16 : i32
        %get3A_364 = arith.index_cast %multiple_of3A_363 : i32 to index
        %get3A_365 = tpu.vector_load %arg4[%get3A_364] {strides = array<i32>} : memref<16384xi32, #tpu.memory_space<vmem>>, vector<16xi32>,
        %mul3A_366 = arith.constant 8 : i32
        %mul3A_367 = arith.muli %scan3A_266, %mul3A_366 : i32
        %add3A_368 = arith.constant 4 : i32
        %add3A_369 = arith.addi %mul3A_367, %add3A_368 : i32
        %mul3A_370 = arith.constant 16 : i32
        %mul3A_371 = arith.muli %add3A_369, %mul3A_370 : i32
        %multiple_of3A_372 = tpu.assume_multiple %mul3A_371, 16 : i32
        %gather3A_373 = tpu.vector_load_idx %arg6[%get3A_365] : memref<100000xi32, #tpu.memory_space<vmem>>[vector<16xi32>], vector<16xi32>,
        %swap3A_374 = arith.constant 1 : i32
        %swap3A_375 = arith.index_cast %swap3A_374 : i32 to index
        %swap3A_376 = arith.index_cast %multiple_of3A_372 : i32 to index
        %swap3A_377 = tpu.vector_load %arg5[%swap3A_375, %swap3A_376] {strides = array<i32>} : memref<2x2048xi32, #tpu.memory_space<vmem>>, vector<16xi32>,
        tpu.vector_store %arg5[%swap3A_375, %swap3A_376], %gather3A_373 {strides = array<i32>} : memref<2x2048xi32, #tpu.memory_space<vmem>>, vector<16xi32>,
        %mul3A_378 = arith.constant 8 : i32
        %mul3A_379 = arith.muli %scan3A_266, %mul3A_378 : i32
        %add3A_380 = arith.constant 5 : i32
        %add3A_381 = arith.addi %mul3A_379, %add3A_380 : i32
        %mul3A_382 = arith.constant 16 : i32
        %mul3A_383 = arith.muli %add3A_381, %mul3A_382 : i32
        %add3A_384 = arith.constant 14336 : i32
        %add3A_385 = arith.addi %add3A_384, %mul3A_383 : i32
        %multiple_of3A_386 = tpu.assume_multiple %add3A_385, 16 : i32
        %get3A_387 = arith.index_cast %multiple_of3A_386 : i32 to index
        %get3A_388 = tpu.vector_load %arg4[%get3A_387] {strides = array<i32>} : memref<16384xi32, #tpu.memory_space<vmem>>, vector<16xi32>,
        %mul3A_389 = arith.constant 8 : i32
        %mul3A_390 = arith.muli %scan3A_266, %mul3A_389 : i32
        %add3A_391 = arith.constant 5 : i32
        %add3A_392 = arith.addi %mul3A_390, %add3A_391 : i32
        %mul3A_393 = arith.constant 16 : i32
        %mul3A_394 = arith.muli %add3A_392, %mul3A_393 : i32
        %multiple_of3A_395 = tpu.assume_multiple %mul3A_394, 16 : i32
        %gather3A_396 = tpu.vector_load_idx %arg6[%get3A_388] : memref<100000xi32, #tpu.memory_space<vmem>>[vector<16xi32>], vector<16xi32>,
        %swap3A_397 = arith.constant 1 : i32
        %swap3A_398 = arith.index_cast %swap3A_397 : i32 to index
        %swap3A_399 = arith.index_cast %multiple_of3A_395 : i32 to index
        %swap3A_400 = tpu.vector_load %arg5[%swap3A_398, %swap3A_399] {strides = array<i32>} : memref<2x2048xi32, #tpu.memory_space<vmem>>, vector<16xi32>,
        tpu.vector_store %arg5[%swap3A_398, %swap3A_399], %gather3A_396 {strides = array<i32>} : memref<2x2048xi32, #tpu.memory_space<vmem>>, vector<16xi32>,
        %mul3A_401 = arith.constant 8 : i32
        %mul3A_402 = arith.muli %scan3A_266, %mul3A_401 : i32
        %add3A_403 = arith.constant 6 : i32
        %add3A_404 = arith.addi %mul3A_402, %add3A_403 : i32
        %mul3A_405 = arith.constant 16 : i32
        %mul3A_406 = arith.muli %add3A_404, %mul3A_405 : i32
        %add3A_407 = arith.constant 14336 : i32
        %add3A_408 = arith.addi %add3A_407, %mul3A_406 : i32
        %multiple_of3A_409 = tpu.assume_multiple %add3A_408, 16 : i32
        %get3A_410 = arith.index_cast %multiple_of3A_409 : i32 to index
        %get3A_411 = tpu.vector_load %arg4[%get3A_410] {strides = array<i32>} : memref<16384xi32, #tpu.memory_space<vmem>>, vector<16xi32>,
        %mul3A_412 = arith.constant 8 : i32
        %mul3A_413 = arith.muli %scan3A_266, %mul3A_412 : i32
        %add3A_414 = arith.constant 6 : i32
        %add3A_415 = arith.addi %mul3A_413, %add3A_414 : i32
        %mul3A_416 = arith.constant 16 : i32
        %mul3A_417 = arith.muli %add3A_415, %mul3A_416 : i32
        %multiple_of3A_418 = tpu.assume_multiple %mul3A_417, 16 : i32
        %gather3A_419 = tpu.vector_load_idx %arg6[%get3A_411] : memref<100000xi32, #tpu.memory_space<vmem>>[vector<16xi32>], vector<16xi32>,
        %swap3A_420 = arith.constant 1 : i32
        %swap3A_421 = arith.index_cast %swap3A_420 : i32 to index
        %swap3A_422 = arith.index_cast %multiple_of3A_418 : i32 to index
        %swap3A_423 = tpu.vector_load %arg5[%swap3A_421, %swap3A_422] {strides = array<i32>} : memref<2x2048xi32, #tpu.memory_space<vmem>>, vector<16xi32>,
        tpu.vector_store %arg5[%swap3A_421, %swap3A_422], %gather3A_419 {strides = array<i32>} : memref<2x2048xi32, #tpu.memory_space<vmem>>, vector<16xi32>,
        %mul3A_424 = arith.constant 8 : i32
        %mul3A_425 = arith.muli %scan3A_266, %mul3A_424 : i32
        %add3A_426 = arith.constant 7 : i32
        %add3A_427 = arith.addi %mul3A_425, %add3A_426 : i32
        %mul3A_428 = arith.constant 16 : i32
        %mul3A_429 = arith.muli %add3A_427, %mul3A_428 : i32
        %add3A_430 = arith.constant 14336 : i32
        %add3A_431 = arith.addi %add3A_430, %mul3A_429 : i32
        %multiple_of3A_432 = tpu.assume_multiple %add3A_431, 16 : i32
        %get3A_433 = arith.index_cast %multiple_of3A_432 : i32 to index
        %get3A_434 = tpu.vector_load %arg4[%get3A_433] {strides = array<i32>} : memref<16384xi32, #tpu.memory_space<vmem>>, vector<16xi32>,
        %mul3A_435 = arith.constant 8 : i32
        %mul3A_436 = arith.muli %scan3A_266, %mul3A_435 : i32
        %add3A_437 = arith.constant 7 : i32
        %add3A_438 = arith.addi %mul3A_436, %add3A_437 : i32
        %mul3A_439 = arith.constant 16 : i32
        %mul3A_440 = arith.muli %add3A_438, %mul3A_439 : i32
        %multiple_of3A_441 = tpu.assume_multiple %mul3A_440, 16 : i32
        %gather3A_442 = tpu.vector_load_idx %arg6[%get3A_434] : memref<100000xi32, #tpu.memory_space<vmem>>[vector<16xi32>], vector<16xi32>,
        %swap3A_443 = arith.constant 1 : i32
        %swap3A_444 = arith.index_cast %swap3A_443 : i32 to index
        %swap3A_445 = arith.index_cast %multiple_of3A_441 : i32 to index
        %swap3A_446 = tpu.vector_load %arg5[%swap3A_444, %swap3A_445] {strides = array<i32>} : memref<2x2048xi32, #tpu.memory_space<vmem>>, vector<16xi32>,
        tpu.vector_store %arg5[%swap3A_444, %swap3A_445], %gather3A_442 {strides = array<i32>} : memref<2x2048xi32, #tpu.memory_space<vmem>>, vector<16xi32>,
      }
      %scan3A_226 = arith.constant 16 : i32
      %dma_start3A_227 = arith.constant 1 : i32
      %dma_start3A_228 = arith.constant 0 : i32
      %dma_start3A_229 = tpu.memref_slice %arg5[%dma_start3A_227, %dma_start3A_228] : memref<2x2048xi32, #tpu.memory_space<vmem>> -> memref<1x2048xi32, #tpu.memory_space<vmem>>
      %dma_start3A_230 = tpu.memref_squeeze %dma_start3A_229 : memref<1x2048xi32, #tpu.memory_space<vmem>> -> memref<2048xi32, #tpu.memory_space<vmem>>
      %dma_start3A_231 = arith.constant 14336 : i32
      %dma_start3A_232 = tpu.memref_slice %arg3[%add3A, %dma_start3A_231] : memref<8x16384xi32, #tpu.memory_space<hbm>> -> memref<1x2048xi32, #tpu.memory_space<hbm>>
      %dma_start3A_233 = tpu.memref_squeeze %dma_start3A_232 : memref<1x2048xi32, #tpu.memory_space<hbm>> -> memref<2048xi32, #tpu.memory_space<hbm>>
      %dma_start3A_234 = arith.constant 14336 : i32
      %dma_start3A_235 = tpu.memref_slice %arg3[%add3A, %dma_start3A_234] : memref<8x16384xi32, #tpu.memory_space<hbm>> -> memref<1x2048xi32, #tpu.memory_space<hbm>>
      %dma_start3A_236 = tpu.memref_squeeze %dma_start3A_235 : memref<1x2048xi32, #tpu.memory_space<hbm>> -> memref<2048xi32, #tpu.memory_space<hbm>>
      %dma_start3A_237 = arith.constant 0 : i32
      %dma_start3A_238 = tpu.memref_slice %arg5[%dma_start3A_227, %dma_start3A_237] : memref<2x2048xi32, #tpu.memory_space<vmem>> -> memref<1x2048xi32, #tpu.memory_space<vmem>>
      %dma_start3A_239 = tpu.memref_squeeze %dma_start3A_238 : memref<1x2048xi32, #tpu.memory_space<vmem>> -> memref<2048xi32, #tpu.memory_space<vmem>>
      tpu.enqueue_dma source(%dma_start3A_239 : memref<2048xi32, #tpu.memory_space<vmem>>) target(%dma_start3A_236 : memref<2048xi32, #tpu.memory_space<hbm>>) target_semaphore(%arg8 : memref<!tpu.dma_semaphore, #tpu.memory_space<semaphore_mem>>)
      %dma_wait3A_240 = arith.constant 0 : i32
      %dma_wait3A_241 = arith.constant 0 : i32
      %dma_wait3A_242 = tpu.memref_slice %arg5[%dma_wait3A_240, %dma_wait3A_241] : memref<2x2048xi32, #tpu.memory_space<vmem>> -> memref<1x2048xi32, #tpu.memory_space<vmem>>
      %dma_wait3A_243 = tpu.memref_squeeze %dma_wait3A_242 : memref<1x2048xi32, #tpu.memory_space<vmem>> -> memref<2048xi32, #tpu.memory_space<vmem>>
      %dma_wait3A_244 = arith.constant 12288 : i32
      %dma_wait3A_245 = tpu.memref_slice %arg3[%add3A, %dma_wait3A_244] : memref<8x16384xi32, #tpu.memory_space<hbm>> -> memref<1x2048xi32, #tpu.memory_space<hbm>>
      %dma_wait3A_246 = tpu.memref_squeeze %dma_wait3A_245 : memref<1x2048xi32, #tpu.memory_space<hbm>> -> memref<2048xi32, #tpu.memory_space<hbm>>
      %dma_wait3A_247 = arith.constant 12288 : i32
      %dma_wait3A_248 = tpu.memref_slice %arg3[%add3A, %dma_wait3A_247] : memref<8x16384xi32, #tpu.memory_space<hbm>> -> memref<1x2048xi32, #tpu.memory_space<hbm>>
      %dma_wait3A_249 = tpu.memref_squeeze %dma_wait3A_248 : memref<1x2048xi32, #tpu.memory_space<hbm>> -> memref<2048xi32, #tpu.memory_space<hbm>>
      %dma_wait3A_250 = arith.constant 0 : i32
      %dma_wait3A_251 = tpu.memref_slice %arg5[%dma_wait3A_240, %dma_wait3A_250] : memref<2x2048xi32, #tpu.memory_space<vmem>> -> memref<1x2048xi32, #tpu.memory_space<vmem>>
      %dma_wait3A_252 = tpu.memref_squeeze %dma_wait3A_251 : memref<1x2048xi32, #tpu.memory_space<vmem>> -> memref<2048xi32, #tpu.memory_space<vmem>>
      tpu.wait_dma2 semaphore(%arg7 : memref<!tpu.dma_semaphore, #tpu.memory_space<semaphore_mem>>) src(%dma_wait3A_252 : memref<2048xi32, #tpu.memory_space<vmem>>) dst(%dma_wait3A_249 : memref<2048xi32, #tpu.memory_space<hbm>>)
      %dma_wait3A_253 = arith.constant 1 : i32
      %dma_wait3A_254 = arith.constant 0 : i32
      %dma_wait3A_255 = tpu.memref_slice %arg5[%dma_wait3A_253, %dma_wait3A_254] : memref<2x2048xi32, #tpu.memory_space<vmem>> -> memref<1x2048xi32, #tpu.memory_space<vmem>>
      %dma_wait3A_256 = tpu.memref_squeeze %dma_wait3A_255 : memref<1x2048xi32, #tpu.memory_space<vmem>> -> memref<2048xi32, #tpu.memory_space<vmem>>
      %dma_wait3A_257 = arith.constant 14336 : i32
      %dma_wait3A_258 = tpu.memref_slice %arg3[%add3A, %dma_wait3A_257] : memref<8x16384xi32, #tpu.memory_space<hbm>> -> memref<1x2048xi32, #tpu.memory_space<hbm>>
      %dma_wait3A_259 = tpu.memref_squeeze %dma_wait3A_258 : memref<1x2048xi32, #tpu.memory_space<hbm>> -> memref<2048xi32, #tpu.memory_space<hbm>>
      %dma_wait3A_260 = arith.constant 14336 : i32
      %dma_wait3A_261 = tpu.memref_slice %arg3[%add3A, %dma_wait3A_260] : memref<8x16384xi32, #tpu.memory_space<hbm>> -> memref<1x2048xi32, #tpu.memory_space<hbm>>
      %dma_wait3A_262 = tpu.memref_squeeze %dma_wait3A_261 : memref<1x2048xi32, #tpu.memory_space<hbm>> -> memref<2048xi32, #tpu.memory_space<hbm>>
      %dma_wait3A_263 = arith.constant 0 : i32
      %dma_wait3A_264 = tpu.memref_slice %arg5[%dma_wait3A_253, %dma_wait3A_263] : memref<2x2048xi32, #tpu.memory_space<vmem>> -> memref<1x2048xi32, #tpu.memory_space<vmem>>
      %dma_wait3A_265 = tpu.memref_squeeze %dma_wait3A_264 : memref<1x2048xi32, #tpu.memory_space<vmem>> -> memref<2048xi32, #tpu.memory_space<vmem>>
      tpu.wait_dma2 semaphore(%arg8 : memref<!tpu.dma_semaphore, #tpu.memory_space<semaphore_mem>>) src(%dma_wait3A_265 : memref<2048xi32, #tpu.memory_space<vmem>>) dst(%dma_wait3A_262 : memref<2048xi32, #tpu.memory_space<hbm>>)
    } else {
    }
    return
  }
}

</mosaic_0001>

<sc_bundles>
// kernel: kernel.4.cloned.1.call-start
scs
__scs_entry_jumppad:
0x0: {  	(pc) =	sbr.rel $0x88, $3  }
0x1: {  	(tag) =	ssettag $0x0;
	lr =	simm.s32 $0x1  }
0x2: {  	[smem:$0x3F9F] =	sst lr;
	_ =	strace $0xD0000000  }
0x3: {  	_ = 	snop  }
0x4: {  	_ = 	snop  }
0x5: {  	_ = 	snop  }
0x6: {  	_ = 	snop  }
0x7: {  	_ = 	snop  }
__scs_overlays_trampoline_lowered:
0x8: {  	[smem:$0x3FAE] =	sst s0  }
0x9: {  	[smem:$0x3FAF] =	sst s1  }
0xa: {  	[smem:$0x3FB0] =	sst s2  }
0xb: {  	[smem:$0x3FB1] =	sst s3  }
0xc: {  	[smem:$0x3FB2] =	sst s4  }
0xd: {  	[smem:$0x3FB3] =	sst s5  }
0xe: {  	[smem:$0x3FB4] =	sst s6  }
0xf: {  	[smem:$0x3FB5] =	sst s7  }
0x10: {  	[smem:$0x3FB6] =	sst s8  }
0x11: {  	[smem:$0x3FB7] =	sst s9;
	s0 =	simm.s32 @!p0 $0x0  }
0x12: {  	s1 =	sld [smem:$0x3F9D];
	s0 =	simm.s32 @p0 $0x1  }
0x13: {  	[smem:$0x3FB8] =	sst s0;
	s0 =	simm.s32 @!p1 $0x0  }
0x14: {  	s2 =	sld [smem:$0x3F9C];
	s0 =	simm.s32 @p1 $0x1  }
0x15: {  	[smem:$0x3FB9] =	sst s0;
	s0 =	simm.s32 @!p2 $0x0  }
0x16: {  	s3 =	sld [smem:$0x3FDB];
	s0 =	simm.s32 @p2 $0x1  }
0x17: {  	s4 =	simm.s32 $0x1BF5;
	[smem:$0x3FBB] =	sst s0  }
0x18: {  	s0 =	sld [smem:$0x3F9E];
	_ =	swait.ge [sflag:s4], $0x0  }
0x19: {  	s7 =	sld [smem:$0x3F9F]  }
0x1a: {  	s8 =	sadd.s32 $0xFFFFE003, lr  }
0x1b: {  	s9 =	sadd.s32 $0xFFFFFEF7, lr;
	s5 =	simm.s32 $0xFFFFFFFF;
	p2 =	slt.u32 s8, $0xFFFFF086  }
0x1c: {  	p1 =	slt.u32 s9, $0xF7A;
	s5 =	simm.s32 @!p2 $0x0  }
0x1d: {  	s5 =	simm.s32 @p1 $0x1;
	p0 =	seq.s32 s7, s2  }
0x1e: {  	s7 =	smul.u32 @!p0 $0xF7A, s2;
	p2 =	seq.s32 @!p0 s5, $0x0  }
0x1f: {  	s9 =	smul.u32 $0xF7A, s1;
	s8 =	simm.s32 @!p0 $0x1BF5;
	p2 =	por !p2, p0  }
0x20: {  	[sflag:s8] =	ssyncset.s32 @!p0 $0xFFFFF086;
	s6 =	sadd.s32 @!p0 s3, s7;
	s7 =	simm.s32 @!p0 $0x108  }
0x21: {  	s3 =	sadd.s32 s3, s9;
	s6 =	sadd.s32 @!p0 $0x88, s6;
	s7 =	simm.s32 @p2 $0x1082  }
0x22: {  	[simem:s7], [sflag:s8] =	dma.local @!p0 [hbm:s6], $0xF7A  }
0x23: {  	s9 =	sor.u32 $0xD0000000, s2;
	s6 =	simm.s32 $0x108;
	_ =	swait.ge @!p0 [sflag:s8], $0x0  }
0x24: {  	s3 =	sadd.s32 $0x88, s3;
	s6 =	simm.s32 @!p1 $0x1082;
	[sflag:s4] =	ssyncset.s32 $0xFFFFF086  }
0x25: {  	[simem:s6], [sflag:s4] =	dma.local [hbm:s3], $0xF7A  }
0x26: {  	[smem:$0x3F9F] =	sst s1;
	(tag) =	ssettag s2;
	_ =	strace s9  }
0x27: {  	s1 =	sld [smem:$0x3FAF]  }
0x28: {  	s2 =	sld [smem:$0x3FB0]  }
0x29: {  	s4 =	sld [smem:$0x3FB2]  }
0x2a: {  	p0 =	seq.s32 s5, $0x0;
	s5 =	sld [smem:$0x3FB3]  }
0x2b: {  	s6 =	sld [smem:$0x3FB4]  }
0x2c: {  	s7 =	sld [smem:$0x3FB5]  }
0x2d: {  	s3 =	simm.s32 $0x108;
	s8 =	sld [smem:$0x3FB6]  }
0x2e: {  	s3 =	simm.s32 @!p0 $0x1082;
	s9 =	sld [smem:$0x3FB7]  }
0x2f: {  	lr =	sadd.s32 s0, s3;
	s0 =	sld [smem:$0x3FAE]  }
0x30: {  	s3 =	sld [smem:$0x3FB1]  }
0x31: {  	[smem:$0x3FBA] =	sst s10  }
0x32: {  	s10 =	sld [smem:$0x3FB8];
	_ =	sdelay $0x3  }
0x33: {  	p0 =	seq.s32 s10, $0x1;
	s10 =	sld [smem:$0x3FBA];
	_ =	sdelay $0x3  }
0x34: {  	[smem:$0x3FBA] =	sst s10  }
0x35: {  	s10 =	sld [smem:$0x3FB9];
	_ =	sdelay $0x3  }
0x36: {  	p1 =	seq.s32 s10, $0x1;
	s10 =	sld [smem:$0x3FBA];
	_ =	sdelay $0x3  }
0x37: {  	[smem:$0x3FBA] =	sst s10  }
0x38: {  	s10 =	sld [smem:$0x3FBB]  }
0x39: {  	_ = 	snop;
	(pc) =	sbr.ind lr, $3  }
0x3a: {  	_ = 	snop  }
0x3b: {  	_ = 	snop  }
0x3c: {  	p2 =	seq.s32 s10, $0x1;
	s10 =	sld [smem:$0x3FBA]  }
0x3d: {  	_ =	shalt  }
0x3e: {  	_ =	shalt  }
0x3f: {  	_ =	shalt  }
0x40: {  	_ =	shalt  }
0x41: {  	_ =	shalt  }
0x42: {  	_ =	shalt  }
0x43: {  	_ =	shalt  }
0x44: {  	_ =	shalt  }
0x45: {  	_ =	shalt  }
0x46: {  	_ =	shalt  }
0x47: {  	_ =	shalt  }
0x48: {  	_ =	shalt  }
0x49: {  	_ =	shalt  }
0x4a: {  	_ =	shalt  }
0x4b: {  	_ =	shalt  }
0x4c: {  	_ =	shalt  }
0x4d: {  	_ =	shalt  }
0x4e: {  	_ =	shalt  }
0x4f: {  	_ =	shalt  }
0x50: {  	_ =	shalt  }
0x51: {  	_ =	shalt  }
0x52: {  	_ =	shalt  }
0x53: {  	_ =	shalt  }
0x54: {  	_ =	shalt  }
0x55: {  	_ =	shalt  }
0x56: {  	_ =	shalt  }
0x57: {  	_ =	shalt  }
0x58: {  	_ =	shalt  }
0x59: {  	_ =	shalt  }
0x5a: {  	_ =	shalt  }
0x5b: {  	_ =	shalt  }
0x5c: {  	_ =	shalt  }
0x5d: {  	_ =	shalt  }
0x5e: {  	_ =	shalt  }
0x5f: {  	_ =	shalt  }
0x60: {  	_ =	shalt  }
0x61: {  	_ =	shalt  }
0x62: {  	_ =	shalt  }
0x63: {  	_ =	shalt  }
0x64: {  	_ =	shalt  }
0x65: {  	_ =	shalt  }
0x66: {  	_ =	shalt  }
0x67: {  	_ =	shalt  }
0x68: {  	_ =	shalt  }
0x69: {  	_ =	shalt  }
0x6a: {  	_ =	shalt  }
0x6b: {  	_ =	shalt  }
0x6c: {  	_ =	shalt  }
0x6d: {  	_ =	shalt  }
0x6e: {  	_ =	shalt  }
0x6f: {  	_ =	shalt  }
0x70: {  	_ =	shalt  }
0x71: {  	_ =	shalt  }
0x72: {  	_ =	shalt  }
0x73: {  	_ =	shalt  }
0x74: {  	_ =	shalt  }
0x75: {  	_ =	shalt  }
0x76: {  	_ =	shalt  }
0x77: {  	_ =	shalt  }
0x78: {  	_ =	shalt  }
0x79: {  	_ =	shalt  }
0x7a: {  	_ =	shalt  }
0x7b: {  	_ =	shalt  }
0x7c: {  	_ =	shalt  }
0x7d: {  	_ =	shalt  }
0x7e: {  	_ =	shalt  }
0x7f: {  	_ =	shalt  }
0x80: {  	_ =	shalt  }
0x81: {  	_ =	shalt  }
0x82: {  	_ =	shalt  }
0x83: {  	_ =	shalt  }
0x84: {  	_ =	shalt  }
0x85: {  	_ =	shalt  }
0x86: {  	_ =	shalt  }
0x87: {  	_ =	shalt  }
.Lfunc_end0:
.L_simem_size_0:
called_computation_lowered:
.L_overlay_start_0:
0x88: {  	s2 =	sld [smem:$0x3FD9]  }
0x89: {  	s3 =	sld [smem:$0x3FFE];
	_ =	sdelay $0x1  }
0x8a: {  	s1 =	srdreg.scid  }
0x8b: {  	s0 =	sand.u32 $0x1, s1  }
0x8c: {  	s17 =	sshll.u32 s0, $0xA;
	s2 =	sadd.s32 s3, s2  }
0x8d: {  	s2 =	sadd.s32 s2, s17  }
0x8e: {  	[smem:$0x3FC6] =	sst s2  }
0x8f: {  	_ = 	snop  }
0x90: {  	s2 =	sld [smem:$0x3FC8];
	(tm) =	ssettm $0x1  }
0x91: {  	s18 =	sld [smem:$0x3FFB];
	_ =	sdelay $0x3  }
0x92: {  	_ =	strace s18  }
0x93: {  	s3 =	sld [smem:$0x3FFC];
	_ =	sdelay $0x3  }
0x94: {  	_ =	strace s3  }
0x95: {  	s3 =	sld [smem:$0x3FFD];
	_ =	sdelay $0x3  }
0x96: {  	_ =	strace s3  }
0x97: {  	_ =	strace $0x8FFFFFFF  }
0x98: {  	s19 =	sld [smem:$0x3FDB];
	_ =	sdelay $0x1  }
0x99: {  	s4 =	simm.s32 $_scs_section_size  }
0x9a: {  	s5 =	simm.s32 $_size__tile_overlayer_lowered;
	s6 =	simm.s32 $_tile_overlayer_lowered  }
0x9b: {  	s22 =	simm.s32 $0x1BFF;
	s21 =	sshll.u32 s6, $0x1;
	s3 =	sadd.s32 s4, s19  }
0x9c: {  	s7 =	simm.s32 $0x0;
	s20 =	sshll.u32 s5, $0x1;
	s5 =	sadd.s32 s21, s3  }
0x9d: {  	[timem:s7], [sflag:s22] =	dma.local [hbm:s5], s20  }
0x9e: {  	_ =	swait.ge [sflag:s22], s20  }
0x9f: {  	s4 =	ssub.s32 $0x0, s20;
	[sflag:s22] =	ssyncset.done $0x0  }
0xa0: {  	[sflag:s22] =	ssyncadd.s32 s4;
	_ =	sdelay $0x1  }
0xa1: {  	s23 =	simm.s32 $0x1B8B  }
0xa2: {  	_ =	swait.ge [sflag:s23], $0x1  }
0xa3: {  	[sflag:s23] =	ssyncset.done $0x0  }
0xa4: {  	s25 =	simm.s32 $0x1B8E;
	s24 =	sld [smem:$0x3FFE];
	[sflag:s23] =	ssyncadd.s32 $0xFFFFFFFF  }
0xa5: {  	s26 =	simm.s32 $execute0_lowered;
	[smem:$0x3FD2] =	sst s25  }
0xa6: {  	s5 =	sshll.u32 s26, $0x1;
	_ =	strace $0x80000046;
	[dreg:$0x1] =	wrdreg $0xFFFFFFFF  }
0xa7: {  	s28 =	simm.s32 $_size_execute0_lowered;
	s3 =	sadd.s32 s3, s5;
	[dreg:$0x0] =	wrdreg $0x0  }
0xa8: {  	s5 =	sshll.u32 s28, $0x1;
	[dreg:$0x2] =	wrdreg s3  }
0xa9: {  	[dreg:$0x3] =	wrdreg s5  }
0xaa: {  	[dreg:$0x4] =	wrdreg $0xC0  }
0xab: {  	_ =	task [dreg:s7], $0x5FFFF  }
0xac: {  	[dreg:$0x1] =	wrdreg $0xFFFFFFFF  }
0xad: {  	[dreg:$0x0] =	wrdreg $0x60  }
0xae: {  	[dreg:$0x2] =	wrdreg s2  }
0xaf: {  	[dreg:$0x3] =	wrdreg s24  }
0xb0: {  	[dreg:$0x4] =	wrdreg $0x9  }
0xb1: {  	_ =	task.clear_ibuf [dreg:s7], $0x5FFFF;
	_ =	strace $0x90000046  }
0xb2: {  	s29 =	simm.s32 $0x9;
	_ =	strace $0x80000048  }
0xb3: {  	_ =	swait.ge [sflag:s29], $0x1  }
0xb4: {  	[sflag:s29] =	ssyncadd.s32 $0xFFFFFFFF  }
0xb5: {  	_ =	strace $0x90000048  }
0xb6: {  	_ =	sfence  }
0xb7: {  	s30 =	sld [smem:$0x0];
	_ =	sdelay $0x2  }
0xb8: {  	s31 =	sshll.u32 s1, $0xD;
	s1 =	sshrl.u32 s1, $0x2  }
0xb9: {  	s3 =	sand.u32 $0x4000, s31;
	s1 =	sadd.s32 s1, s30  }
0xba: {  	s0 =	sor.u32 s3, s0;
	s1 =	sshll.u32 s1, $0x11  }
0xbb: {  	s0 =	sor.u32 s1, s0  }
0xbc: {  	s0 =	sadd.s32 $0x8F2B, s0  }
0xbd: {  	[sflag:s0] =	ssyncadd.remote.s32 $0x1  }
0xbe: {  	_ =	sfence.sel $0xFFFF  }
0xbf: {  	[dreg:$0x0] =	wrdreg $0xFFFFFFFF;
	(pc) =	sbr.abs _section_cstart, $3  }
0xc0: {  	[dreg:$0x1] =	wrdreg $0xFFFFFFFF  }
0xc1: {  	_ =	task.clear_ibuf [dreg:s7], $0x2FFFF;
	_ =	strace $0x9FFFFFFF  }
0xc2: {  	(tm) =	ssettm $0x7FFFFFFF  }
0xc3: {  	_ =	shalt  }
tec
execute0_lowered:
.L_overlay_start_1:
0x0: {  	(tag) =	ssettag $0x1  }
0x1: {  	s1 =	stileid.u32  }
0x2: {  	p0 =	sgt.u32 s1, $0x3  }
.Ltmp0:
0x3: {  	_ = 	snop;
	(pc) =	sbr.rel @p0 .LBB2_22-.Ltmp0, $4  }
0x4: {  	_ = 	snop  }
0x5: {  	s3 =	simm.s32 $0x0  }
0x6: {  	[smem:$0x7FF] =	sst s3  }
0x7: {  	s0 =	rddreg [dreg:$0x1];
	_ =	strace $0x80000047  }
0x8: {  	s1 =	srdreg.scid  }
0x9: {  	s4 =	stileid.u32;
	s15 =	simm.s32 $0x5000;
	s14 =	simm.s32 $0x4380  }
0xa: {  	s16 =	simm.s32 $0x4480;
	s17 =	simm.s32 $0x4580;
	s18 =	simm.s32 $0x4680  }
0xb: {  	s19 =	simm.s32 $0x4780;
	s20 =	simm.s32 $0x4880;
	s21 =	simm.s32 $0x4980  }
0xc: {  	s22 =	simm.s32 $0x4A80;
	s23 =	simm.s32 $0x4B80;
	s24 =	simm.s32 $0x4C80  }
0xd: {  	v0 =	vimm.s32 $0xFFEDCBA9;
	v1 =	vimm.s32 $0x87654321;
	s25 =	simm.s32 $0x4D80;
	s28 =	simm.s32 $0x4F80;
	s1 =	sand.u32 $0x1, s1  }
0xe: {  	s29 =	simm.s32 $0x1;
	s30 =	simm.s32 $0x2;
	v0 =	vunpack.c.l.s4.s8 v0;
	v1 =	vunpack.c.l.s4.s8 v1;
	s2 =	sshll.u32 s1, $0x2  }
0xf: {  	s31 =	simm.s32 $0x0;
	s26 =	ssub.s32 $0x2, s1;
	s2 =	sadd.s32 s4, s2  }
0x10: {  	s1 =	sshrl.u32 s26, $0x1;
	v0 =	vunpack.c.0.s8.s32 v0;
	v1 =	vunpack.c.0.s8.s32 v1;
	s5 =	sshll.u32 s2, $0x4;
	s4 =	sshll.u32 s2, $0xB  }
0x11: {  	s5 =	sadd.s32 s0, s5;
	s0 =	ssub.s32 s26, s1;
	s26 =	simm.s32 $0x4E80  }
0x12: {  	v2 =	vcombine.low v1, v0;
	s6 =	sadd.s32 $0x800, s5;
	s7 =	sadd.s32 $0x1000, s5;
	s8 =	sadd.s32 $0x1800, s5  }
0x13: {  	vm0 =	vcmask $0x3F3C;
	s9 =	sadd.s32 $0x2000, s5;
	s10 =	sadd.s32 $0x2800, s5;
	s0 =	smax.u32 s0, $0x1  }
0x14: {  	v0 =	vimm.s32 $0x0;
	v1 =	vlaneseq.u32;
	s11 =	sadd.s32 $0x3000, s5;
	s12 =	sadd.s32 $0x3800, s5;
	[dreg:$0x3] =	wrdreg s0;
	v2 =	vand.u32 $0xF, v2  }
.LBB2_2:
0x15: {  	s0 =	simm.s32 $0x0;
	s1 =	rddreg [dreg:$0x0];
	s13 =	simm.s32 $0x3  }
0x16: {  	[tilespmem:s0], [sflag:$0x3] =	stream.linear.gather [hbm4b:s1+s0], $0x4000, $0x38;
	[tilespmem:$0x1D700] =	vst v63  }
0x17: {  	_ =	swait.ge [sflag:s13], $0x4000  }
0x18: {  	[sflag:s13] =	ssyncset.done $0x0  }
0x19: {  	s1 =	simm.s32 $0x0;
	[sflag:s13] =	ssyncadd.s32 $0xFFFFC000  }
.LBB2_3:
0x1a: {  	s2 =	sshra.s32 s1, $0x2  }
0x1b: {  	v3 =	vld [tilespmem:s2+$0x0];
	_ =	sdelay $0x7  }
0x1c: {  	[tilespmem:v3+s15+$0x0] =	vst.idx.msk $0xffff, v0  }
0x1d: {  	v3 =	vld [tilespmem:s2+$0x10];
	_ =	sdelay $0x7  }
0x1e: {  	[tilespmem:v3+s15+$0x0] =	vst.idx.msk $0xffff, v0  }
0x1f: {  	v3 =	vld [tilespmem:s2+$0x20];
	_ =	sdelay $0x7  }
0x20: {  	[tilespmem:v3+s15+$0x0] =	vst.idx.msk $0xffff, v0  }
0x21: {  	v3 =	vld [tilespmem:s2+$0x30];
	_ =	sdelay $0x7  }
0x22: {  	[tilespmem:v3+s15+$0x0] =	vst.idx.msk $0xffff, v0  }
0x23: {  	v3 =	vld [tilespmem:s2+$0x40];
	_ =	sdelay $0x7  }
0x24: {  	[tilespmem:v3+s15+$0x0] =	vst.idx.msk $0xffff, v0  }
0x25: {  	v3 =	vld [tilespmem:s2+$0x50];
	_ =	sdelay $0x7  }
0x26: {  	[tilespmem:v3+s15+$0x0] =	vst.idx.msk $0xffff, v0  }
0x27: {  	v3 =	vld [tilespmem:s2+$0x60];
	_ =	sdelay $0x7  }
0x28: {  	[tilespmem:v3+s15+$0x0] =	vst.idx.msk $0xffff, v0  }
0x29: {  	v3 =	vld [tilespmem:s2+$0x70];
	_ =	sdelay $0x2  }
0x2a: {  	p0 =	sne.s32 s1, $0xFE00  }
.Ltmp1:
0x2b: {  	_ = 	snop;
	(pc) =	sbr.rel @p0 .LBB2_3-.Ltmp1, $2  }
0x2c: {  	_ =	sdelay $0x2  }
0x2d: {  	s1 =	sadd.s32 $0x200, s1;
	[tilespmem:v3+s15+$0x0] =	vst.idx.msk $0xffff, v0  }
.LBB2_4:
0x2e: {  	s1 =	sadd.s32 s0, s4  }
0x2f: {  	s13 =	sand.u32 $0x60, s0;
	s2 =	sand.u32 $0x3F80, s1  }
0x30: {  	s2 =	sor.u32 s13, s2  }
0x31: {  	v3 =	vld [tilespmem:s2+$0x0];
	_ =	sdelay $0x4  }
0x32: {  	v3 =	vshll.u32 v3, $0xE  }
0x33: {  	v3 =	vor.u32 s1, v3  }
0x34: {  	v3 =	vor.u32 v1, v3  }
0x35: {  	(xrf1) =	vsort.ascd.msk.u32 $0xffff, v3, v3;
	_ =	sdelay $0xd  }
0x36: {  	v3, _, _ =	vpop (xrf1)  }
0x37: {  	v4 =	vperm.xlane v3, v2;
	_ =	sdelay $0x1  }
0x38: {  	v5 =	vshra.s32 v3, $0xE;
	v4 =	vshra.s32 v4, $0xE  }
0x39: {  	vm1 =	vne.s32 v5, v4  }
0x3a: {  	vm1 =	vmor vm1, vm0;
	_ =	sdelay $0x3  }
0x3b: {  	s2 =	sadd.s32 $0x10, s0;
	s1 =	sadd.s32 $0x10, s1  }
0x3c: {  	s2 =	sand.u32 $0x70, s2;
	s13 =	sand.u32 $0x3F80, s1;
	v3 =	vand.u32 $0x3FFF, v3  }
0x3d: {  	s2 =	sor.u32 s2, s13;
	[tilespmem:v5+s15+$0x0] =	vst.idx.msk vm1, v3  }
0x3e: {  	v3 =	vld [tilespmem:s2+$0x0];
	_ =	sdelay $0x4  }
0x3f: {  	v3 =	vshll.u32 v3, $0xE  }
0x40: {  	v3 =	vor.u32 s1, v3  }
0x41: {  	v3 =	vor.u32 v1, v3  }
0x42: {  	(xrf1) =	vsort.ascd.msk.u32 $0xffff, v3, v3;
	_ =	sdelay $0xd  }
0x43: {  	v3, _, _ =	vpop (xrf1)  }
0x44: {  	v62 =	vperm.xlane v3, v2;
	_ =	sdelay $0x1  }
0x45: {  	v63 =	vshra.s32 v3, $0xE;
	v4 =	vshra.s32 v62, $0xE  }
0x46: {  	vm1 =	vne.s32 v63, v4  }
0x47: {  	vm1 =	vmor vm1, vm0  }
0x48: {  	p0 =	sne.s32 s0, $0x7E0  }
.Ltmp2:
0x49: {  	_ = 	snop;
	(pc) =	sbr.rel @p0 .LBB2_4-.Ltmp2, $3  }
0x4a: {  	_ =	sdelay $0x1  }
0x4b: {  	v3 =	vand.u32 $0x3FFF, v3  }
0x4c: {  	s0 =	sadd.s32 $0x20, s0;
	[tilespmem:v63+s15+$0x0] =	vst.idx.msk vm1, v3  }
0x4d: {  	s0 =	simm.s32 $0x0;
	s1 =	simm.s32 $0x40  }
.LBB2_6:
0x4e: {  	v3 =	vld [tilespmem:s1+$0xFFFFFFC0];
	_ =	sdelay $0x7  }
0x4f: {  	v3 =	vld.idx.msk [tilespmem:v3+s15+$0x0], $0xffff;
	_ =	sdelay $0x3  }
0x50: {  	s2 =	sshra.s32 s0, $0x2  }
0x51: {  	[tilespmem:s2+$0x4000] =	vst v3  }
0x52: {  	v3 =	vld [tilespmem:s1+$0xFFFFFFD0];
	_ =	sdelay $0x7  }
0x53: {  	v3 =	vld.idx.msk [tilespmem:v3+s15+$0x0], $0xffff;
	_ =	sdelay $0x4  }
0x54: {  	[tilespmem:s2+$0x4010] =	vst v3  }
0x55: {  	v3 =	vld [tilespmem:s1+$0xFFFFFFE0];
	_ =	sdelay $0x7  }
0x56: {  	v3 =	vld.idx.msk [tilespmem:v3+s15+$0x0], $0xffff;
	_ =	sdelay $0x4  }
0x57: {  	[tilespmem:s2+$0x4020] =	vst v3  }
0x58: {  	v3 =	vld [tilespmem:s1+$0xFFFFFFF0];
	_ =	sdelay $0x7  }
0x59: {  	v3 =	vld.idx.msk [tilespmem:v3+s15+$0x0], $0xffff;
	_ =	sdelay $0x4  }
0x5a: {  	[tilespmem:s2+$0x4030] =	vst v3  }
0x5b: {  	v3 =	vld [tilespmem:s1+$0x0];
	_ =	sdelay $0x7  }
0x5c: {  	v3 =	vld.idx.msk [tilespmem:v3+s15+$0x0], $0xffff;
	_ =	sdelay $0x4  }
0x5d: {  	[tilespmem:s2+$0x4040] =	vst v3  }
0x5e: {  	v3 =	vld [tilespmem:s1+$0x10];
	_ =	sdelay $0x7  }
0x5f: {  	v3 =	vld.idx.msk [tilespmem:v3+s15+$0x0], $0xffff;
	_ =	sdelay $0x4  }
0x60: {  	[tilespmem:s2+$0x4050] =	vst v3  }
0x61: {  	v3 =	vld [tilespmem:s1+$0x20];
	_ =	sdelay $0x7  }
0x62: {  	v3 =	vld.idx.msk [tilespmem:v3+s15+$0x0], $0xffff;
	_ =	sdelay $0x4  }
0x63: {  	[tilespmem:s2+$0x4060] =	vst v3  }
0x64: {  	v3 =	vld [tilespmem:s1+$0x30];
	_ =	sdelay $0x7  }
0x65: {  	p0 =	sne.s32 s0, $0x3C00;
	v3 =	vld.idx.msk [tilespmem:v3+s15+$0x0], $0xffff  }
.Ltmp3:
0x66: {  	_ = 	snop;
	(pc) =	sbr.rel @p0 .LBB2_6-.Ltmp3, $2  }
0x67: {  	_ =	sdelay $0x2  }
0x68: {  	s0 =	sadd.s32 $0x400, s0;
	s1 =	sadd.s32 $0x80, s1;
	[tilespmem:s2+$0x4070] =	vst v3  }
0x69: {  	s0 =	simm.s32 $0x0;
	s13 =	simm.s32 $0x4000  }
0x6a: {  	[hbm4b:s5+s0] =	stream.linear.scatter [tilespmem:s13], [sflag:$0x1], $0x80, $0x38;
	[tilespmem:$0x1D700] =	vst v63  }
0x6b: {  	s1 =	sadd.s32 $0x80, s5;
	s2 =	simm.s32 $0x4100  }
0x6c: {  	[hbm4b:s1+s0] =	stream.linear.scatter [tilespmem:s2], [sflag:$0x1], $0x80, $0x38;
	[tilespmem:$0x1D700] =	vst v63  }
0x6d: {  	s1 =	sadd.s32 $0x100, s5;
	s2 =	simm.s32 $0x4200  }
0x6e: {  	[hbm4b:s1+s0] =	stream.linear.scatter [tilespmem:s2], [sflag:$0x1], $0x80, $0x38;
	[tilespmem:$0x1D700] =	vst v63  }
0x6f: {  	s1 =	sadd.s32 $0x180, s5;
	s2 =	simm.s32 $0x4300  }
0x70: {  	[hbm4b:s1+s0] =	stream.linear.scatter [tilespmem:s2], [sflag:$0x1], $0x80, $0x38;
	[tilespmem:$0x1D700] =	vst v63  }
0x71: {  	s1 =	sadd.s32 $0x200, s5;
	s2 =	simm.s32 $0x4400  }
0x72: {  	[hbm4b:s1+s0] =	stream.linear.scatter [tilespmem:s2], [sflag:$0x1], $0x80, $0x38;
	[tilespmem:$0x1D700] =	vst v63  }
0x73: {  	s1 =	sadd.s32 $0x280, s5;
	s2 =	simm.s32 $0x4500  }
0x74: {  	[hbm4b:s1+s0] =	stream.linear.scatter [tilespmem:s2], [sflag:$0x1], $0x80, $0x38;
	[tilespmem:$0x1D700] =	vst v63  }
0x75: {  	s1 =	sadd.s32 $0x300, s5;
	s2 =	simm.s32 $0x4600  }
0x76: {  	[hbm4b:s1+s0] =	stream.linear.scatter [tilespmem:s2], [sflag:$0x1], $0x80, $0x38;
	[tilespmem:$0x1D700] =	vst v63  }
0x77: {  	s1 =	sadd.s32 $0x380, s5;
	s2 =	simm.s32 $0x4700  }
0x78: {  	[hbm4b:s1+s0] =	stream.linear.scatter [tilespmem:s2], [sflag:$0x1], $0x80, $0x38;
	[tilespmem:$0x1D700] =	vst v63  }
0x79: {  	s1 =	sadd.s32 $0x400, s5;
	s2 =	simm.s32 $0x4800  }
0x7a: {  	[hbm4b:s1+s0] =	stream.linear.scatter [tilespmem:s2], [sflag:$0x1], $0x80, $0x38;
	[tilespmem:$0x1D700] =	vst v63  }
0x7b: {  	s1 =	sadd.s32 $0x480, s5;
	s2 =	simm.s32 $0x4900  }
0x7c: {  	[hbm4b:s1+s0] =	stream.linear.scatter [tilespmem:s2], [sflag:$0x1], $0x80, $0x38;
	[tilespmem:$0x1D700] =	vst v63  }
0x7d: {  	s1 =	sadd.s32 $0x500, s5;
	s2 =	simm.s32 $0x4A00  }
0x7e: {  	[hbm4b:s1+s0] =	stream.linear.scatter [tilespmem:s2], [sflag:$0x1], $0x80, $0x38;
	[tilespmem:$0x1D700] =	vst v63  }
0x7f: {  	s1 =	sadd.s32 $0x580, s5;
	s2 =	simm.s32 $0x4B00  }
0x80: {  	[hbm4b:s1+s0] =	stream.linear.scatter [tilespmem:s2], [sflag:$0x1], $0x80, $0x38;
	[tilespmem:$0x1D700] =	vst v63  }
0x81: {  	s1 =	sadd.s32 $0x600, s5;
	s2 =	simm.s32 $0x4C00  }
0x82: {  	[hbm4b:s1+s0] =	stream.linear.scatter [tilespmem:s2], [sflag:$0x1], $0x80, $0x38;
	[tilespmem:$0x1D700] =	vst v63  }
0x83: {  	s1 =	sadd.s32 $0x680, s5;
	s2 =	simm.s32 $0x4D00  }
0x84: {  	[hbm4b:s1+s0] =	stream.linear.scatter [tilespmem:s2], [sflag:$0x1], $0x80, $0x38;
	[tilespmem:$0x1D700] =	vst v63  }
0x85: {  	s1 =	sadd.s32 $0x700, s5;
	s2 =	simm.s32 $0x4E00  }
0x86: {  	[hbm4b:s1+s0] =	stream.linear.scatter [tilespmem:s2], [sflag:$0x1], $0x80, $0x38;
	[tilespmem:$0x1D700] =	vst v63  }
0x87: {  	s1 =	sadd.s32 $0x780, s5;
	s2 =	simm.s32 $0x4F00  }
0x88: {  	[hbm4b:s1+s0] =	stream.linear.scatter [tilespmem:s2], [sflag:$0x1], $0x80, $0x38;
	[tilespmem:$0x1D700] =	vst v63  }
0x89: {  	s1 =	simm.s32 $0x40F0  }
.LBB2_8:
0x8a: {  	s2 =	sshra.s32 s0, $0x2  }
0x8b: {  	v3 =	vld [tilespmem:s2+$0x800];
	_ =	sdelay $0x7  }
0x8c: {  	v3 =	vld.idx.msk [tilespmem:v3+s15+$0x0], $0xffff;
	_ =	sdelay $0x4  }
0x8d: {  	[tilespmem:s1+$0xFFFFFF90] =	vst v3  }
0x8e: {  	v3 =	vld [tilespmem:s2+$0x810];
	_ =	sdelay $0x7  }
0x8f: {  	v3 =	vld.idx.msk [tilespmem:v3+s15+$0x0], $0xffff;
	_ =	sdelay $0x4  }
0x90: {  	[tilespmem:s1+$0xFFFFFFA0] =	vst v3  }
0x91: {  	v3 =	vld [tilespmem:s2+$0x820];
	_ =	sdelay $0x7  }
0x92: {  	v3 =	vld.idx.msk [tilespmem:v3+s15+$0x0], $0xffff;
	_ =	sdelay $0x4  }
0x93: {  	[tilespmem:s1+$0xFFFFFFB0] =	vst v3  }
0x94: {  	v3 =	vld [tilespmem:s2+$0x830];
	_ =	sdelay $0x7  }
0x95: {  	v3 =	vld.idx.msk [tilespmem:v3+s15+$0x0], $0xffff;
	_ =	sdelay $0x4  }
0x96: {  	[tilespmem:s1+$0xFFFFFFC0] =	vst v3  }
0x97: {  	v3 =	vld [tilespmem:s2+$0x840];
	_ =	sdelay $0x7  }
0x98: {  	v3 =	vld.idx.msk [tilespmem:v3+s15+$0x0], $0xffff;
	_ =	sdelay $0x4  }
0x99: {  	[tilespmem:s1+$0xFFFFFFD0] =	vst v3  }
0x9a: {  	v3 =	vld [tilespmem:s2+$0x850];
	_ =	sdelay $0x7  }
0x9b: {  	v3 =	vld.idx.msk [tilespmem:v3+s15+$0x0], $0xffff;
	_ =	sdelay $0x4  }
0x9c: {  	[tilespmem:s1+$0xFFFFFFE0] =	vst v3  }
0x9d: {  	v3 =	vld [tilespmem:s2+$0x860];
	_ =	sdelay $0x7  }
0x9e: {  	v3 =	vld.idx.msk [tilespmem:v3+s15+$0x0], $0xffff;
	_ =	sdelay $0x4  }
0x9f: {  	[tilespmem:s1+$0xFFFFFFF0] =	vst v3  }
0xa0: {  	v3 =	vld [tilespmem:s2+$0x870];
	_ =	sdelay $0x7  }
0xa1: {  	p0 =	sne.s32 s0, $0x1E00;
	v3 =	vld.idx.msk [tilespmem:v3+s15+$0x0], $0xffff  }
.Ltmp4:
0xa2: {  	_ = 	snop;
	(pc) =	sbr.rel @p0 .LBB2_8-.Ltmp4, $2  }
0xa3: {  	_ =	sdelay $0x2  }
0xa4: {  	s0 =	sadd.s32 $0x200, s0;
	[tilespmem:s1+$0x0] =	vst v3;
	s1 =	sadd.s32 $0x100, s1  }
0xa5: {  	s0 =	simm.s32 $0x0;
	s1 =	simm.s32 $0x4080  }
0xa6: {  	[hbm4b:s6+s0] =	stream.linear.scatter [tilespmem:s1], [sflag:$0x2], $0x80, $0x38;
	[tilespmem:$0x1D700] =	vst v63  }
0xa7: {  	s2 =	simm.s32 $0x4180;
	s1 =	sadd.s32 $0x80, s6  }
0xa8: {  	[hbm4b:s1+s0] =	stream.linear.scatter [tilespmem:s2], [sflag:$0x2], $0x80, $0x38;
	[tilespmem:$0x1D700] =	vst v63  }
0xa9: {  	s1 =	sadd.s32 $0x100, s6;
	s2 =	simm.s32 $0x4280  }
0xaa: {  	[hbm4b:s1+s0] =	stream.linear.scatter [tilespmem:s2], [sflag:$0x2], $0x80, $0x38;
	[tilespmem:$0x1D700] =	vst v63  }
0xab: {  	s2 =	sadd.s32 $0x180, s6  }
0xac: {  	[hbm4b:s2+s0] =	stream.linear.scatter [tilespmem:s14], [sflag:$0x2], $0x80, $0x38;
	[tilespmem:$0x1D700] =	vst v63  }
0xad: {  	s2 =	sadd.s32 $0x200, s6  }
0xae: {  	[hbm4b:s2+s0] =	stream.linear.scatter [tilespmem:s16], [sflag:$0x2], $0x80, $0x38;
	[tilespmem:$0x1D700] =	vst v63  }
0xaf: {  	s2 =	sadd.s32 $0x280, s6  }
0xb0: {  	[hbm4b:s2+s0] =	stream.linear.scatter [tilespmem:s17], [sflag:$0x2], $0x80, $0x38;
	[tilespmem:$0x1D700] =	vst v63  }
0xb1: {  	s2 =	sadd.s32 $0x300, s6  }
0xb2: {  	[hbm4b:s2+s0] =	stream.linear.scatter [tilespmem:s18], [sflag:$0x2], $0x80, $0x38;
	[tilespmem:$0x1D700] =	vst v63  }
0xb3: {  	s2 =	sadd.s32 $0x380, s6  }
0xb4: {  	[hbm4b:s2+s0] =	stream.linear.scatter [tilespmem:s19], [sflag:$0x2], $0x80, $0x38;
	[tilespmem:$0x1D700] =	vst v63  }
0xb5: {  	s2 =	sadd.s32 $0x400, s6  }
0xb6: {  	[hbm4b:s2+s0] =	stream.linear.scatter [tilespmem:s20], [sflag:$0x2], $0x80, $0x38;
	[tilespmem:$0x1D700] =	vst v63  }
0xb7: {  	s2 =	sadd.s32 $0x480, s6  }
0xb8: {  	[hbm4b:s2+s0] =	stream.linear.scatter [tilespmem:s21], [sflag:$0x2], $0x80, $0x38;
	[tilespmem:$0x1D700] =	vst v63  }
0xb9: {  	s2 =	sadd.s32 $0x500, s6  }
0xba: {  	[hbm4b:s2+s0] =	stream.linear.scatter [tilespmem:s22], [sflag:$0x2], $0x80, $0x38;
	[tilespmem:$0x1D700] =	vst v63  }
0xbb: {  	s2 =	sadd.s32 $0x580, s6  }
0xbc: {  	[hbm4b:s2+s0] =	stream.linear.scatter [tilespmem:s23], [sflag:$0x2], $0x80, $0x38;
	[tilespmem:$0x1D700] =	vst v63  }
0xbd: {  	s2 =	sadd.s32 $0x600, s6  }
0xbe: {  	[hbm4b:s2+s0] =	stream.linear.scatter [tilespmem:s24], [sflag:$0x2], $0x80, $0x38;
	[tilespmem:$0x1D700] =	vst v63  }
0xbf: {  	s2 =	sadd.s32 $0x680, s6  }
0xc0: {  	[hbm4b:s2+s0] =	stream.linear.scatter [tilespmem:s25], [sflag:$0x2], $0x80, $0x38;
	[tilespmem:$0x1D700] =	vst v63  }
0xc1: {  	s2 =	sadd.s32 $0x700, s6  }
0xc2: {  	[hbm4b:s2+s0] =	stream.linear.scatter [tilespmem:s26], [sflag:$0x2], $0x80, $0x38;
	[tilespmem:$0x1D700] =	vst v63  }
0xc3: {  	s2 =	sadd.s32 $0x780, s6  }
0xc4: {  	[hbm4b:s2+s0] =	stream.linear.scatter [tilespmem:s28], [sflag:$0x2], $0x80, $0x38;
	[tilespmem:$0x1D700] =	vst v63  }
0xc5: {  	_ =	swait.ge [sflag:s29], $0x800  }
0xc6: {  	[sflag:s29] =	ssyncset.done $0x0  }
0xc7: {  	s1 =	simm.s32 $0x4040;
	[sflag:s29] =	ssyncadd.s32 $0xFFFFF800  }
.LBB2_10:
0xc8: {  	s2 =	sshra.s32 s0, $0x2  }
0xc9: {  	v3 =	vld [tilespmem:s2+$0x1000];
	_ =	sdelay $0x7  }
0xca: {  	v3 =	vld.idx.msk [tilespmem:v3+s15+$0x0], $0xffff;
	_ =	sdelay $0x4  }
0xcb: {  	[tilespmem:s1+$0xFFFFFFC0] =	vst v3  }
0xcc: {  	v3 =	vld [tilespmem:s2+$0x1010];
	_ =	sdelay $0x7  }
0xcd: {  	v3 =	vld.idx.msk [tilespmem:v3+s15+$0x0], $0xffff;
	_ =	sdelay $0x4  }
0xce: {  	[tilespmem:s1+$0xFFFFFFD0] =	vst v3  }
0xcf: {  	v3 =	vld [tilespmem:s2+$0x1020];
	_ =	sdelay $0x7  }
0xd0: {  	v3 =	vld.idx.msk [tilespmem:v3+s15+$0x0], $0xffff;
	_ =	sdelay $0x4  }
0xd1: {  	[tilespmem:s1+$0xFFFFFFE0] =	vst v3  }
0xd2: {  	v3 =	vld [tilespmem:s2+$0x1030];
	_ =	sdelay $0x7  }
0xd3: {  	v3 =	vld.idx.msk [tilespmem:v3+s15+$0x0], $0xffff;
	_ =	sdelay $0x4  }
0xd4: {  	[tilespmem:s1+$0xFFFFFFF0] =	vst v3  }
0xd5: {  	v3 =	vld [tilespmem:s2+$0x1040];
	_ =	sdelay $0x7  }
0xd6: {  	v3 =	vld.idx.msk [tilespmem:v3+s15+$0x0], $0xffff;
	_ =	sdelay $0x4  }
0xd7: {  	[tilespmem:s1+$0x0] =	vst v3  }
0xd8: {  	v3 =	vld [tilespmem:s2+$0x1050];
	_ =	sdelay $0x7  }
0xd9: {  	v3 =	vld.idx.msk [tilespmem:v3+s15+$0x0], $0xffff;
	_ =	sdelay $0x4  }
0xda: {  	[tilespmem:s1+$0x10] =	vst v3  }
0xdb: {  	v3 =	vld [tilespmem:s2+$0x1060];
	_ =	sdelay $0x7  }
0xdc: {  	v3 =	vld.idx.msk [tilespmem:v3+s15+$0x0], $0xffff;
	_ =	sdelay $0x4  }
0xdd: {  	[tilespmem:s1+$0x20] =	vst v3  }
0xde: {  	v3 =	vld [tilespmem:s2+$0x1070];
	_ =	sdelay $0x7  }
0xdf: {  	p0 =	sne.s32 s0, $0x1E00;
	v3 =	vld.idx.msk [tilespmem:v3+s15+$0x0], $0xffff  }
.Ltmp5:
0xe0: {  	_ = 	snop;
	(pc) =	sbr.rel @p0 .LBB2_10-.Ltmp5, $2  }
0xe1: {  	_ =	sdelay $0x2  }
0xe2: {  	s0 =	sadd.s32 $0x200, s0;
	[tilespmem:s1+$0x30] =	vst v3;
	s1 =	sadd.s32 $0x100, s1  }
0xe3: {  	s0 =	simm.s32 $0x0  }
0xe4: {  	[hbm4b:s7+s0] =	stream.linear.scatter [tilespmem:s13], [sflag:$0x1], $0x80, $0x38;
	[tilespmem:$0x1D700] =	vst v63  }
0xe5: {  	s1 =	sadd.s32 $0x80, s7;
	s2 =	simm.s32 $0x4100  }
0xe6: {  	[hbm4b:s1+s0] =	stream.linear.scatter [tilespmem:s2], [sflag:$0x1], $0x80, $0x38;
	[tilespmem:$0x1D700] =	vst v63  }
0xe7: {  	s1 =	sadd.s32 $0x100, s7;
	s2 =	simm.s32 $0x4200  }
0xe8: {  	[hbm4b:s1+s0] =	stream.linear.scatter [tilespmem:s2], [sflag:$0x1], $0x80, $0x38;
	[tilespmem:$0x1D700] =	vst v63  }
0xe9: {  	s1 =	sadd.s32 $0x180, s7;
	s2 =	simm.s32 $0x4300  }
0xea: {  	[hbm4b:s1+s0] =	stream.linear.scatter [tilespmem:s2], [sflag:$0x1], $0x80, $0x38;
	[tilespmem:$0x1D700] =	vst v63  }
0xeb: {  	s1 =	sadd.s32 $0x200, s7;
	s2 =	simm.s32 $0x4400  }
0xec: {  	[hbm4b:s1+s0] =	stream.linear.scatter [tilespmem:s2], [sflag:$0x1], $0x80, $0x38;
	[tilespmem:$0x1D700] =	vst v63  }
0xed: {  	s1 =	sadd.s32 $0x280, s7;
	s2 =	simm.s32 $0x4500  }
0xee: {  	[hbm4b:s1+s0] =	stream.linear.scatter [tilespmem:s2], [sflag:$0x1], $0x80, $0x38;
	[tilespmem:$0x1D700] =	vst v63  }
0xef: {  	s1 =	sadd.s32 $0x300, s7;
	s2 =	simm.s32 $0x4600  }
0xf0: {  	[hbm4b:s1+s0] =	stream.linear.scatter [tilespmem:s2], [sflag:$0x1], $0x80, $0x38;
	[tilespmem:$0x1D700] =	vst v63  }
0xf1: {  	s1 =	sadd.s32 $0x380, s7;
	s2 =	simm.s32 $0x4700  }
0xf2: {  	[hbm4b:s1+s0] =	stream.linear.scatter [tilespmem:s2], [sflag:$0x1], $0x80, $0x38;
	[tilespmem:$0x1D700] =	vst v63  }
0xf3: {  	s1 =	sadd.s32 $0x400, s7;
	s2 =	simm.s32 $0x4800  }
0xf4: {  	[hbm4b:s1+s0] =	stream.linear.scatter [tilespmem:s2], [sflag:$0x1], $0x80, $0x38;
	[tilespmem:$0x1D700] =	vst v63  }
0xf5: {  	s1 =	sadd.s32 $0x480, s7;
	s2 =	simm.s32 $0x4900  }
0xf6: {  	[hbm4b:s1+s0] =	stream.linear.scatter [tilespmem:s2], [sflag:$0x1], $0x80, $0x38;
	[tilespmem:$0x1D700] =	vst v63  }
0xf7: {  	s1 =	sadd.s32 $0x500, s7;
	s2 =	simm.s32 $0x4A00  }
0xf8: {  	[hbm4b:s1+s0] =	stream.linear.scatter [tilespmem:s2], [sflag:$0x1], $0x80, $0x38;
	[tilespmem:$0x1D700] =	vst v63  }
0xf9: {  	s1 =	sadd.s32 $0x580, s7;
	s2 =	simm.s32 $0x4B00  }
0xfa: {  	[hbm4b:s1+s0] =	stream.linear.scatter [tilespmem:s2], [sflag:$0x1], $0x80, $0x38;
	[tilespmem:$0x1D700] =	vst v63  }
0xfb: {  	s1 =	sadd.s32 $0x600, s7;
	s2 =	simm.s32 $0x4C00  }
0xfc: {  	[hbm4b:s1+s0] =	stream.linear.scatter [tilespmem:s2], [sflag:$0x1], $0x80, $0x38;
	[tilespmem:$0x1D700] =	vst v63  }
0xfd: {  	s1 =	sadd.s32 $0x680, s7;
	s2 =	simm.s32 $0x4D00  }
0xfe: {  	[hbm4b:s1+s0] =	stream.linear.scatter [tilespmem:s2], [sflag:$0x1], $0x80, $0x38;
	[tilespmem:$0x1D700] =	vst v63  }
0xff: {  	s1 =	sadd.s32 $0x700, s7;
	s2 =	simm.s32 $0x4E00  }
0x100: {  	[hbm4b:s1+s0] =	stream.linear.scatter [tilespmem:s2], [sflag:$0x1], $0x80, $0x38;
	[tilespmem:$0x1D700] =	vst v63  }
0x101: {  	s1 =	sadd.s32 $0x780, s7;
	s2 =	simm.s32 $0x4F00  }
0x102: {  	[hbm4b:s1+s0] =	stream.linear.scatter [tilespmem:s2], [sflag:$0x1], $0x80, $0x38;
	[tilespmem:$0x1D700] =	vst v63  }
0x103: {  	_ =	swait.ge [sflag:s30], $0x800  }
0x104: {  	[sflag:s30] =	ssyncset.done $0x0  }
0x105: {  	s1 =	simm.s32 $0x40F0;
	[sflag:s30] =	ssyncadd.s32 $0xFFFFF800  }
.LBB2_12:
0x106: {  	s2 =	sshra.s32 s0, $0x2  }
0x107: {  	v3 =	vld [tilespmem:s2+$0x1800];
	_ =	sdelay $0x7  }
0x108: {  	v3 =	vld.idx.msk [tilespmem:v3+s15+$0x0], $0xffff;
	_ =	sdelay $0x4  }
0x109: {  	[tilespmem:s1+$0xFFFFFF90] =	vst v3  }
0x10a: {  	v3 =	vld [tilespmem:s2+$0x1810];
	_ =	sdelay $0x7  }
0x10b: {  	v3 =	vld.idx.msk [tilespmem:v3+s15+$0x0], $0xffff;
	_ =	sdelay $0x4  }
0x10c: {  	[tilespmem:s1+$0xFFFFFFA0] =	vst v3  }
0x10d: {  	v3 =	vld [tilespmem:s2+$0x1820];
	_ =	sdelay $0x7  }
0x10e: {  	v3 =	vld.idx.msk [tilespmem:v3+s15+$0x0], $0xffff;
	_ =	sdelay $0x4  }
0x10f: {  	[tilespmem:s1+$0xFFFFFFB0] =	vst v3  }
0x110: {  	v3 =	vld [tilespmem:s2+$0x1830];
	_ =	sdelay $0x7  }
0x111: {  	v3 =	vld.idx.msk [tilespmem:v3+s15+$0x0], $0xffff;
	_ =	sdelay $0x4  }
0x112: {  	[tilespmem:s1+$0xFFFFFFC0] =	vst v3  }
0x113: {  	v3 =	vld [tilespmem:s2+$0x1840];
	_ =	sdelay $0x7  }
0x114: {  	v3 =	vld.idx.msk [tilespmem:v3+s15+$0x0], $0xffff;
	_ =	sdelay $0x4  }
0x115: {  	[tilespmem:s1+$0xFFFFFFD0] =	vst v3  }
0x116: {  	v3 =	vld [tilespmem:s2+$0x1850];
	_ =	sdelay $0x7  }
0x117: {  	v3 =	vld.idx.msk [tilespmem:v3+s15+$0x0], $0xffff;
	_ =	sdelay $0x4  }
0x118: {  	[tilespmem:s1+$0xFFFFFFE0] =	vst v3  }
0x119: {  	v3 =	vld [tilespmem:s2+$0x1860];
	_ =	sdelay $0x7  }
0x11a: {  	v3 =	vld.idx.msk [tilespmem:v3+s15+$0x0], $0xffff;
	_ =	sdelay $0x4  }
0x11b: {  	[tilespmem:s1+$0xFFFFFFF0] =	vst v3  }
0x11c: {  	v3 =	vld [tilespmem:s2+$0x1870];
	_ =	sdelay $0x7  }
0x11d: {  	p0 =	sne.s32 s0, $0x1E00;
	v3 =	vld.idx.msk [tilespmem:v3+s15+$0x0], $0xffff  }
.Ltmp6:
0x11e: {  	_ = 	snop;
	(pc) =	sbr.rel @p0 .LBB2_12-.Ltmp6, $2  }
0x11f: {  	_ =	sdelay $0x2  }
0x120: {  	s0 =	sadd.s32 $0x200, s0;
	[tilespmem:s1+$0x0] =	vst v3;
	s1 =	sadd.s32 $0x100, s1  }
0x121: {  	s0 =	simm.s32 $0x0;
	s1 =	simm.s32 $0x4080  }
0x122: {  	[hbm4b:s8+s0] =	stream.linear.scatter [tilespmem:s1], [sflag:$0x2], $0x80, $0x38;
	[tilespmem:$0x1D700] =	vst v63  }
0x123: {  	s2 =	simm.s32 $0x4180;
	s1 =	sadd.s32 $0x80, s8  }
0x124: {  	[hbm4b:s1+s0] =	stream.linear.scatter [tilespmem:s2], [sflag:$0x2], $0x80, $0x38;
	[tilespmem:$0x1D700] =	vst v63  }
0x125: {  	s1 =	sadd.s32 $0x100, s8;
	s2 =	simm.s32 $0x4280  }
0x126: {  	[hbm4b:s1+s0] =	stream.linear.scatter [tilespmem:s2], [sflag:$0x2], $0x80, $0x38;
	[tilespmem:$0x1D700] =	vst v63  }
0x127: {  	s2 =	sadd.s32 $0x180, s8  }
0x128: {  	[hbm4b:s2+s0] =	stream.linear.scatter [tilespmem:s14], [sflag:$0x2], $0x80, $0x38;
	[tilespmem:$0x1D700] =	vst v63  }
0x129: {  	s2 =	sadd.s32 $0x200, s8  }
0x12a: {  	[hbm4b:s2+s0] =	stream.linear.scatter [tilespmem:s16], [sflag:$0x2], $0x80, $0x38;
	[tilespmem:$0x1D700] =	vst v63  }
0x12b: {  	s2 =	sadd.s32 $0x280, s8  }
0x12c: {  	[hbm4b:s2+s0] =	stream.linear.scatter [tilespmem:s17], [sflag:$0x2], $0x80, $0x38;
	[tilespmem:$0x1D700] =	vst v63  }
0x12d: {  	s2 =	sadd.s32 $0x300, s8  }
0x12e: {  	[hbm4b:s2+s0] =	stream.linear.scatter [tilespmem:s18], [sflag:$0x2], $0x80, $0x38;
	[tilespmem:$0x1D700] =	vst v63  }
0x12f: {  	s2 =	sadd.s32 $0x380, s8  }
0x130: {  	[hbm4b:s2+s0] =	stream.linear.scatter [tilespmem:s19], [sflag:$0x2], $0x80, $0x38;
	[tilespmem:$0x1D700] =	vst v63  }
0x131: {  	s2 =	sadd.s32 $0x400, s8  }
0x132: {  	[hbm4b:s2+s0] =	stream.linear.scatter [tilespmem:s20], [sflag:$0x2], $0x80, $0x38;
	[tilespmem:$0x1D700] =	vst v63  }
0x133: {  	s2 =	sadd.s32 $0x480, s8  }
0x134: {  	[hbm4b:s2+s0] =	stream.linear.scatter [tilespmem:s21], [sflag:$0x2], $0x80, $0x38;
	[tilespmem:$0x1D700] =	vst v63  }
0x135: {  	s2 =	sadd.s32 $0x500, s8  }
0x136: {  	[hbm4b:s2+s0] =	stream.linear.scatter [tilespmem:s22], [sflag:$0x2], $0x80, $0x38;
	[tilespmem:$0x1D700] =	vst v63  }
0x137: {  	s2 =	sadd.s32 $0x580, s8  }
0x138: {  	[hbm4b:s2+s0] =	stream.linear.scatter [tilespmem:s23], [sflag:$0x2], $0x80, $0x38;
	[tilespmem:$0x1D700] =	vst v63  }
0x139: {  	s2 =	sadd.s32 $0x600, s8  }
0x13a: {  	[hbm4b:s2+s0] =	stream.linear.scatter [tilespmem:s24], [sflag:$0x2], $0x80, $0x38;
	[tilespmem:$0x1D700] =	vst v63  }
0x13b: {  	s2 =	sadd.s32 $0x680, s8  }
0x13c: {  	[hbm4b:s2+s0] =	stream.linear.scatter [tilespmem:s25], [sflag:$0x2], $0x80, $0x38;
	[tilespmem:$0x1D700] =	vst v63  }
0x13d: {  	s2 =	sadd.s32 $0x700, s8  }
0x13e: {  	[hbm4b:s2+s0] =	stream.linear.scatter [tilespmem:s26], [sflag:$0x2], $0x80, $0x38;
	[tilespmem:$0x1D700] =	vst v63  }
0x13f: {  	s2 =	sadd.s32 $0x780, s8  }
0x140: {  	[hbm4b:s2+s0] =	stream.linear.scatter [tilespmem:s28], [sflag:$0x2], $0x80, $0x38;
	[tilespmem:$0x1D700] =	vst v63  }
0x141: {  	_ =	swait.ge [sflag:s29], $0x800  }
0x142: {  	[sflag:s29] =	ssyncset.done $0x0  }
0x143: {  	s1 =	simm.s32 $0x4040;
	[sflag:s29] =	ssyncadd.s32 $0xFFFFF800  }
.LBB2_14:
0x144: {  	s2 =	sshra.s32 s0, $0x2  }
0x145: {  	v3 =	vld [tilespmem:s2+$0x2000];
	_ =	sdelay $0x7  }
0x146: {  	v3 =	vld.idx.msk [tilespmem:v3+s15+$0x0], $0xffff;
	_ =	sdelay $0x4  }
0x147: {  	[tilespmem:s1+$0xFFFFFFC0] =	vst v3  }
0x148: {  	v3 =	vld [tilespmem:s2+$0x2010];
	_ =	sdelay $0x7  }
0x149: {  	v3 =	vld.idx.msk [tilespmem:v3+s15+$0x0], $0xffff;
	_ =	sdelay $0x4  }
0x14a: {  	[tilespmem:s1+$0xFFFFFFD0] =	vst v3  }
0x14b: {  	v3 =	vld [tilespmem:s2+$0x2020];
	_ =	sdelay $0x7  }
0x14c: {  	v3 =	vld.idx.msk [tilespmem:v3+s15+$0x0], $0xffff;
	_ =	sdelay $0x4  }
0x14d: {  	[tilespmem:s1+$0xFFFFFFE0] =	vst v3  }
0x14e: {  	v3 =	vld [tilespmem:s2+$0x2030];
	_ =	sdelay $0x7  }
0x14f: {  	v3 =	vld.idx.msk [tilespmem:v3+s15+$0x0], $0xffff;
	_ =	sdelay $0x4  }
0x150: {  	[tilespmem:s1+$0xFFFFFFF0] =	vst v3  }
0x151: {  	v3 =	vld [tilespmem:s2+$0x2040];
	_ =	sdelay $0x7  }
0x152: {  	v3 =	vld.idx.msk [tilespmem:v3+s15+$0x0], $0xffff;
	_ =	sdelay $0x4  }
0x153: {  	[tilespmem:s1+$0x0] =	vst v3  }
0x154: {  	v3 =	vld [tilespmem:s2+$0x2050];
	_ =	sdelay $0x7  }
0x155: {  	v3 =	vld.idx.msk [tilespmem:v3+s15+$0x0], $0xffff;
	_ =	sdelay $0x4  }
0x156: {  	[tilespmem:s1+$0x10] =	vst v3  }
0x157: {  	v3 =	vld [tilespmem:s2+$0x2060];
	_ =	sdelay $0x7  }
0x158: {  	v3 =	vld.idx.msk [tilespmem:v3+s15+$0x0], $0xffff;
	_ =	sdelay $0x4  }
0x159: {  	[tilespmem:s1+$0x20] =	vst v3  }
0x15a: {  	v3 =	vld [tilespmem:s2+$0x2070];
	_ =	sdelay $0x7  }
0x15b: {  	p0 =	sne.s32 s0, $0x1E00;
	v3 =	vld.idx.msk [tilespmem:v3+s15+$0x0], $0xffff  }
.Ltmp7:
0x15c: {  	_ = 	snop;
	(pc) =	sbr.rel @p0 .LBB2_14-.Ltmp7, $2  }
0x15d: {  	_ =	sdelay $0x2  }
0x15e: {  	s0 =	sadd.s32 $0x200, s0;
	[tilespmem:s1+$0x30] =	vst v3;
	s1 =	sadd.s32 $0x100, s1  }
0x15f: {  	s0 =	simm.s32 $0x0  }
0x160: {  	[hbm4b:s9+s0] =	stream.linear.scatter [tilespmem:s13], [sflag:$0x1], $0x80, $0x38;
	[tilespmem:$0x1D700] =	vst v63  }
0x161: {  	s1 =	sadd.s32 $0x80, s9;
	s2 =	simm.s32 $0x4100  }
0x162: {  	[hbm4b:s1+s0] =	stream.linear.scatter [tilespmem:s2], [sflag:$0x1], $0x80, $0x38;
	[tilespmem:$0x1D700] =	vst v63  }
0x163: {  	s1 =	sadd.s32 $0x100, s9;
	s2 =	simm.s32 $0x4200  }
0x164: {  	[hbm4b:s1+s0] =	stream.linear.scatter [tilespmem:s2], [sflag:$0x1], $0x80, $0x38;
	[tilespmem:$0x1D700] =	vst v63  }
0x165: {  	s1 =	sadd.s32 $0x180, s9;
	s2 =	simm.s32 $0x4300  }
0x166: {  	[hbm4b:s1+s0] =	stream.linear.scatter [tilespmem:s2], [sflag:$0x1], $0x80, $0x38;
	[tilespmem:$0x1D700] =	vst v63  }
0x167: {  	s1 =	sadd.s32 $0x200, s9;
	s2 =	simm.s32 $0x4400  }
0x168: {  	[hbm4b:s1+s0] =	stream.linear.scatter [tilespmem:s2], [sflag:$0x1], $0x80, $0x38;
	[tilespmem:$0x1D700] =	vst v63  }
0x169: {  	s1 =	sadd.s32 $0x280, s9;
	s2 =	simm.s32 $0x4500  }
0x16a: {  	[hbm4b:s1+s0] =	stream.linear.scatter [tilespmem:s2], [sflag:$0x1], $0x80, $0x38;
	[tilespmem:$0x1D700] =	vst v63  }
0x16b: {  	s1 =	sadd.s32 $0x300, s9;
	s2 =	simm.s32 $0x4600  }
0x16c: {  	[hbm4b:s1+s0] =	stream.linear.scatter [tilespmem:s2], [sflag:$0x1], $0x80, $0x38;
	[tilespmem:$0x1D700] =	vst v63  }
0x16d: {  	s1 =	sadd.s32 $0x380, s9;
	s2 =	simm.s32 $0x4700  }
0x16e: {  	[hbm4b:s1+s0] =	stream.linear.scatter [tilespmem:s2], [sflag:$0x1], $0x80, $0x38;
	[tilespmem:$0x1D700] =	vst v63  }
0x16f: {  	s1 =	sadd.s32 $0x400, s9;
	s2 =	simm.s32 $0x4800  }
0x170: {  	[hbm4b:s1+s0] =	stream.linear.scatter [tilespmem:s2], [sflag:$0x1], $0x80, $0x38;
	[tilespmem:$0x1D700] =	vst v63  }
0x171: {  	s1 =	sadd.s32 $0x480, s9;
	s2 =	simm.s32 $0x4900  }
0x172: {  	[hbm4b:s1+s0] =	stream.linear.scatter [tilespmem:s2], [sflag:$0x1], $0x80, $0x38;
	[tilespmem:$0x1D700] =	vst v63  }
0x173: {  	s1 =	sadd.s32 $0x500, s9;
	s2 =	simm.s32 $0x4A00  }
0x174: {  	[hbm4b:s1+s0] =	stream.linear.scatter [tilespmem:s2], [sflag:$0x1], $0x80, $0x38;
	[tilespmem:$0x1D700] =	vst v63  }
0x175: {  	s1 =	sadd.s32 $0x580, s9;
	s2 =	simm.s32 $0x4B00  }
0x176: {  	[hbm4b:s1+s0] =	stream.linear.scatter [tilespmem:s2], [sflag:$0x1], $0x80, $0x38;
	[tilespmem:$0x1D700] =	vst v63  }
0x177: {  	s1 =	sadd.s32 $0x600, s9;
	s2 =	simm.s32 $0x4C00  }
0x178: {  	[hbm4b:s1+s0] =	stream.linear.scatter [tilespmem:s2], [sflag:$0x1], $0x80, $0x38;
	[tilespmem:$0x1D700] =	vst v63  }
0x179: {  	s1 =	sadd.s32 $0x680, s9;
	s2 =	simm.s32 $0x4D00  }
0x17a: {  	[hbm4b:s1+s0] =	stream.linear.scatter [tilespmem:s2], [sflag:$0x1], $0x80, $0x38;
	[tilespmem:$0x1D700] =	vst v63  }
0x17b: {  	s1 =	sadd.s32 $0x700, s9;
	s2 =	simm.s32 $0x4E00  }
0x17c: {  	[hbm4b:s1+s0] =	stream.linear.scatter [tilespmem:s2], [sflag:$0x1], $0x80, $0x38;
	[tilespmem:$0x1D700] =	vst v63  }
0x17d: {  	s1 =	sadd.s32 $0x780, s9;
	s2 =	simm.s32 $0x4F00  }
0x17e: {  	[hbm4b:s1+s0] =	stream.linear.scatter [tilespmem:s2], [sflag:$0x1], $0x80, $0x38;
	[tilespmem:$0x1D700] =	vst v63  }
0x17f: {  	_ =	swait.ge [sflag:s30], $0x800  }
0x180: {  	[sflag:s30] =	ssyncset.done $0x0  }
0x181: {  	s1 =	simm.s32 $0x40F0;
	[sflag:s30] =	ssyncadd.s32 $0xFFFFF800  }
.LBB2_16:
0x182: {  	s2 =	sshra.s32 s0, $0x2  }
0x183: {  	v3 =	vld [tilespmem:s2+$0x2800];
	_ =	sdelay $0x7  }
0x184: {  	v3 =	vld.idx.msk [tilespmem:v3+s15+$0x0], $0xffff;
	_ =	sdelay $0x4  }
0x185: {  	[tilespmem:s1+$0xFFFFFF90] =	vst v3  }
0x186: {  	v3 =	vld [tilespmem:s2+$0x2810];
	_ =	sdelay $0x7  }
0x187: {  	v3 =	vld.idx.msk [tilespmem:v3+s15+$0x0], $0xffff;
	_ =	sdelay $0x4  }
0x188: {  	[tilespmem:s1+$0xFFFFFFA0] =	vst v3  }
0x189: {  	v3 =	vld [tilespmem:s2+$0x2820];
	_ =	sdelay $0x7  }
0x18a: {  	v3 =	vld.idx.msk [tilespmem:v3+s15+$0x0], $0xffff;
	_ =	sdelay $0x4  }
0x18b: {  	[tilespmem:s1+$0xFFFFFFB0] =	vst v3  }
0x18c: {  	v3 =	vld [tilespmem:s2+$0x2830];
	_ =	sdelay $0x7  }
0x18d: {  	v3 =	vld.idx.msk [tilespmem:v3+s15+$0x0], $0xffff;
	_ =	sdelay $0x4  }
0x18e: {  	[tilespmem:s1+$0xFFFFFFC0] =	vst v3  }
0x18f: {  	v3 =	vld [tilespmem:s2+$0x2840];
	_ =	sdelay $0x7  }
0x190: {  	v3 =	vld.idx.msk [tilespmem:v3+s15+$0x0], $0xffff;
	_ =	sdelay $0x4  }
0x191: {  	[tilespmem:s1+$0xFFFFFFD0] =	vst v3  }
0x192: {  	v3 =	vld [tilespmem:s2+$0x2850];
	_ =	sdelay $0x7  }
0x193: {  	v3 =	vld.idx.msk [tilespmem:v3+s15+$0x0], $0xffff;
	_ =	sdelay $0x4  }
0x194: {  	[tilespmem:s1+$0xFFFFFFE0] =	vst v3  }
0x195: {  	v3 =	vld [tilespmem:s2+$0x2860];
	_ =	sdelay $0x7  }
0x196: {  	v3 =	vld.idx.msk [tilespmem:v3+s15+$0x0], $0xffff;
	_ =	sdelay $0x4  }
0x197: {  	[tilespmem:s1+$0xFFFFFFF0] =	vst v3  }
0x198: {  	v3 =	vld [tilespmem:s2+$0x2870];
	_ =	sdelay $0x7  }
0x199: {  	p0 =	sne.s32 s0, $0x1E00;
	v3 =	vld.idx.msk [tilespmem:v3+s15+$0x0], $0xffff  }
.Ltmp8:
0x19a: {  	_ = 	snop;
	(pc) =	sbr.rel @p0 .LBB2_16-.Ltmp8, $2  }
0x19b: {  	_ =	sdelay $0x2  }
0x19c: {  	s0 =	sadd.s32 $0x200, s0;
	[tilespmem:s1+$0x0] =	vst v3;
	s1 =	sadd.s32 $0x100, s1  }
0x19d: {  	s0 =	simm.s32 $0x0;
	s1 =	simm.s32 $0x4080  }
0x19e: {  	[hbm4b:s10+s0] =	stream.linear.scatter [tilespmem:s1], [sflag:$0x2], $0x80, $0x38;
	[tilespmem:$0x1D700] =	vst v63  }
0x19f: {  	s2 =	simm.s32 $0x4180;
	s1 =	sadd.s32 $0x80, s10  }
0x1a0: {  	[hbm4b:s1+s0] =	stream.linear.scatter [tilespmem:s2], [sflag:$0x2], $0x80, $0x38;
	[tilespmem:$0x1D700] =	vst v63  }
0x1a1: {  	s1 =	sadd.s32 $0x100, s10;
	s2 =	simm.s32 $0x4280  }
0x1a2: {  	[hbm4b:s1+s0] =	stream.linear.scatter [tilespmem:s2], [sflag:$0x2], $0x80, $0x38;
	[tilespmem:$0x1D700] =	vst v63  }
0x1a3: {  	s2 =	sadd.s32 $0x180, s10  }
0x1a4: {  	[hbm4b:s2+s0] =	stream.linear.scatter [tilespmem:s14], [sflag:$0x2], $0x80, $0x38;
	[tilespmem:$0x1D700] =	vst v63  }
0x1a5: {  	s2 =	sadd.s32 $0x200, s10  }
0x1a6: {  	[hbm4b:s2+s0] =	stream.linear.scatter [tilespmem:s16], [sflag:$0x2], $0x80, $0x38;
	[tilespmem:$0x1D700] =	vst v63  }
0x1a7: {  	s2 =	sadd.s32 $0x280, s10  }
0x1a8: {  	[hbm4b:s2+s0] =	stream.linear.scatter [tilespmem:s17], [sflag:$0x2], $0x80, $0x38;
	[tilespmem:$0x1D700] =	vst v63  }
0x1a9: {  	s2 =	sadd.s32 $0x300, s10  }
0x1aa: {  	[hbm4b:s2+s0] =	stream.linear.scatter [tilespmem:s18], [sflag:$0x2], $0x80, $0x38;
	[tilespmem:$0x1D700] =	vst v63  }
0x1ab: {  	s2 =	sadd.s32 $0x380, s10  }
0x1ac: {  	[hbm4b:s2+s0] =	stream.linear.scatter [tilespmem:s19], [sflag:$0x2], $0x80, $0x38;
	[tilespmem:$0x1D700] =	vst v63  }
0x1ad: {  	s2 =	sadd.s32 $0x400, s10  }
0x1ae: {  	[hbm4b:s2+s0] =	stream.linear.scatter [tilespmem:s20], [sflag:$0x2], $0x80, $0x38;
	[tilespmem:$0x1D700] =	vst v63  }
0x1af: {  	s2 =	sadd.s32 $0x480, s10  }
0x1b0: {  	[hbm4b:s2+s0] =	stream.linear.scatter [tilespmem:s21], [sflag:$0x2], $0x80, $0x38;
	[tilespmem:$0x1D700] =	vst v63  }
0x1b1: {  	s2 =	sadd.s32 $0x500, s10  }
0x1b2: {  	[hbm4b:s2+s0] =	stream.linear.scatter [tilespmem:s22], [sflag:$0x2], $0x80, $0x38;
	[tilespmem:$0x1D700] =	vst v63  }
0x1b3: {  	s2 =	sadd.s32 $0x580, s10  }
0x1b4: {  	[hbm4b:s2+s0] =	stream.linear.scatter [tilespmem:s23], [sflag:$0x2], $0x80, $0x38;
	[tilespmem:$0x1D700] =	vst v63  }
0x1b5: {  	s2 =	sadd.s32 $0x600, s10  }
0x1b6: {  	[hbm4b:s2+s0] =	stream.linear.scatter [tilespmem:s24], [sflag:$0x2], $0x80, $0x38;
	[tilespmem:$0x1D700] =	vst v63  }
0x1b7: {  	s2 =	sadd.s32 $0x680, s10  }
0x1b8: {  	[hbm4b:s2+s0] =	stream.linear.scatter [tilespmem:s25], [sflag:$0x2], $0x80, $0x38;
	[tilespmem:$0x1D700] =	vst v63  }
0x1b9: {  	s2 =	sadd.s32 $0x700, s10  }
0x1ba: {  	[hbm4b:s2+s0] =	stream.linear.scatter [tilespmem:s26], [sflag:$0x2], $0x80, $0x38;
	[tilespmem:$0x1D700] =	vst v63  }
0x1bb: {  	s2 =	sadd.s32 $0x780, s10  }
0x1bc: {  	[hbm4b:s2+s0] =	stream.linear.scatter [tilespmem:s28], [sflag:$0x2], $0x80, $0x38;
	[tilespmem:$0x1D700] =	vst v63  }
0x1bd: {  	_ =	swait.ge [sflag:s29], $0x800  }
0x1be: {  	[sflag:s29] =	ssyncset.done $0x0  }
0x1bf: {  	s1 =	simm.s32 $0x4040;
	[sflag:s29] =	ssyncadd.s32 $0xFFFFF800  }
.LBB2_18:
0x1c0: {  	s2 =	sshra.s32 s0, $0x2  }
0x1c1: {  	v3 =	vld [tilespmem:s2+$0x3000];
	_ =	sdelay $0x7  }
0x1c2: {  	v3 =	vld.idx.msk [tilespmem:v3+s15+$0x0], $0xffff;
	_ =	sdelay $0x4  }
0x1c3: {  	[tilespmem:s1+$0xFFFFFFC0] =	vst v3  }
0x1c4: {  	v3 =	vld [tilespmem:s2+$0x3010];
	_ =	sdelay $0x7  }
0x1c5: {  	v3 =	vld.idx.msk [tilespmem:v3+s15+$0x0], $0xffff;
	_ =	sdelay $0x4  }
0x1c6: {  	[tilespmem:s1+$0xFFFFFFD0] =	vst v3  }
0x1c7: {  	v3 =	vld [tilespmem:s2+$0x3020];
	_ =	sdelay $0x7  }
0x1c8: {  	v3 =	vld.idx.msk [tilespmem:v3+s15+$0x0], $0xffff;
	_ =	sdelay $0x4  }
0x1c9: {  	[tilespmem:s1+$0xFFFFFFE0] =	vst v3  }
0x1ca: {  	v3 =	vld [tilespmem:s2+$0x3030];
	_ =	sdelay $0x7  }
0x1cb: {  	v3 =	vld.idx.msk [tilespmem:v3+s15+$0x0], $0xffff;
	_ =	sdelay $0x4  }
0x1cc: {  	[tilespmem:s1+$0xFFFFFFF0] =	vst v3  }
0x1cd: {  	v3 =	vld [tilespmem:s2+$0x3040];
	_ =	sdelay $0x7  }
0x1ce: {  	v3 =	vld.idx.msk [tilespmem:v3+s15+$0x0], $0xffff;
	_ =	sdelay $0x4  }
0x1cf: {  	[tilespmem:s1+$0x0] =	vst v3  }
0x1d0: {  	v3 =	vld [tilespmem:s2+$0x3050];
	_ =	sdelay $0x7  }
0x1d1: {  	v3 =	vld.idx.msk [tilespmem:v3+s15+$0x0], $0xffff;
	_ =	sdelay $0x4  }
0x1d2: {  	[tilespmem:s1+$0x10] =	vst v3  }
0x1d3: {  	v3 =	vld [tilespmem:s2+$0x3060];
	_ =	sdelay $0x7  }
0x1d4: {  	v3 =	vld.idx.msk [tilespmem:v3+s15+$0x0], $0xffff;
	_ =	sdelay $0x4  }
0x1d5: {  	[tilespmem:s1+$0x20] =	vst v3  }
0x1d6: {  	v3 =	vld [tilespmem:s2+$0x3070];
	_ =	sdelay $0x7  }
0x1d7: {  	p0 =	sne.s32 s0, $0x1E00;
	v3 =	vld.idx.msk [tilespmem:v3+s15+$0x0], $0xffff  }
.Ltmp9:
0x1d8: {  	_ = 	snop;
	(pc) =	sbr.rel @p0 .LBB2_18-.Ltmp9, $2  }
0x1d9: {  	_ =	sdelay $0x2  }
0x1da: {  	s0 =	sadd.s32 $0x200, s0;
	[tilespmem:s1+$0x30] =	vst v3;
	s1 =	sadd.s32 $0x100, s1  }
0x1db: {  	s0 =	simm.s32 $0x0  }
0x1dc: {  	[hbm4b:s11+s0] =	stream.linear.scatter [tilespmem:s13], [sflag:$0x1], $0x80, $0x38;
	[tilespmem:$0x1D700] =	vst v63  }
0x1dd: {  	s1 =	sadd.s32 $0x80, s11;
	s2 =	simm.s32 $0x4100  }
0x1de: {  	[hbm4b:s1+s0] =	stream.linear.scatter [tilespmem:s2], [sflag:$0x1], $0x80, $0x38;
	[tilespmem:$0x1D700] =	vst v63  }
0x1df: {  	s13 =	simm.s32 $0x4200;
	s2 =	sadd.s32 $0x100, s11  }
0x1e0: {  	[hbm4b:s2+s0] =	stream.linear.scatter [tilespmem:s13], [sflag:$0x1], $0x80, $0x38;
	[tilespmem:$0x1D700] =	vst v63  }
0x1e1: {  	s2 =	sadd.s32 $0x180, s11;
	s13 =	simm.s32 $0x4300  }
0x1e2: {  	[hbm4b:s2+s0] =	stream.linear.scatter [tilespmem:s13], [sflag:$0x1], $0x80, $0x38;
	[tilespmem:$0x1D700] =	vst v63  }
0x1e3: {  	s2 =	sadd.s32 $0x200, s11;
	s13 =	simm.s32 $0x4400  }
0x1e4: {  	[hbm4b:s2+s0] =	stream.linear.scatter [tilespmem:s13], [sflag:$0x1], $0x80, $0x38;
	[tilespmem:$0x1D700] =	vst v63  }
0x1e5: {  	s2 =	sadd.s32 $0x280, s11;
	s13 =	simm.s32 $0x4500  }
0x1e6: {  	[hbm4b:s2+s0] =	stream.linear.scatter [tilespmem:s13], [sflag:$0x1], $0x80, $0x38;
	[tilespmem:$0x1D700] =	vst v63  }
0x1e7: {  	s2 =	sadd.s32 $0x300, s11;
	s13 =	simm.s32 $0x4600  }
0x1e8: {  	[hbm4b:s2+s0] =	stream.linear.scatter [tilespmem:s13], [sflag:$0x1], $0x80, $0x38;
	[tilespmem:$0x1D700] =	vst v63  }
0x1e9: {  	s2 =	sadd.s32 $0x380, s11;
	s13 =	simm.s32 $0x4700  }
0x1ea: {  	[hbm4b:s2+s0] =	stream.linear.scatter [tilespmem:s13], [sflag:$0x1], $0x80, $0x38;
	[tilespmem:$0x1D700] =	vst v63  }
0x1eb: {  	s2 =	sadd.s32 $0x400, s11;
	s13 =	simm.s32 $0x4800  }
0x1ec: {  	[hbm4b:s2+s0] =	stream.linear.scatter [tilespmem:s13], [sflag:$0x1], $0x80, $0x38;
	[tilespmem:$0x1D700] =	vst v63  }
0x1ed: {  	s2 =	sadd.s32 $0x480, s11;
	s13 =	simm.s32 $0x4900  }
0x1ee: {  	[hbm4b:s2+s0] =	stream.linear.scatter [tilespmem:s13], [sflag:$0x1], $0x80, $0x38;
	[tilespmem:$0x1D700] =	vst v63  }
0x1ef: {  	s2 =	sadd.s32 $0x500, s11;
	s13 =	simm.s32 $0x4A00  }
0x1f0: {  	[hbm4b:s2+s0] =	stream.linear.scatter [tilespmem:s13], [sflag:$0x1], $0x80, $0x38;
	[tilespmem:$0x1D700] =	vst v63  }
0x1f1: {  	s2 =	sadd.s32 $0x580, s11;
	s13 =	simm.s32 $0x4B00  }
0x1f2: {  	[hbm4b:s2+s0] =	stream.linear.scatter [tilespmem:s13], [sflag:$0x1], $0x80, $0x38;
	[tilespmem:$0x1D700] =	vst v63  }
0x1f3: {  	s2 =	sadd.s32 $0x600, s11;
	s13 =	simm.s32 $0x4C00  }
0x1f4: {  	[hbm4b:s2+s0] =	stream.linear.scatter [tilespmem:s13], [sflag:$0x1], $0x80, $0x38;
	[tilespmem:$0x1D700] =	vst v63  }
0x1f5: {  	s2 =	sadd.s32 $0x680, s11;
	s13 =	simm.s32 $0x4D00  }
0x1f6: {  	[hbm4b:s2+s0] =	stream.linear.scatter [tilespmem:s13], [sflag:$0x1], $0x80, $0x38;
	[tilespmem:$0x1D700] =	vst v63  }
0x1f7: {  	s2 =	sadd.s32 $0x700, s11;
	s13 =	simm.s32 $0x4E00  }
0x1f8: {  	[hbm4b:s2+s0] =	stream.linear.scatter [tilespmem:s13], [sflag:$0x1], $0x80, $0x38;
	[tilespmem:$0x1D700] =	vst v63  }
0x1f9: {  	s2 =	sadd.s32 $0x780, s11;
	s13 =	simm.s32 $0x4F00  }
0x1fa: {  	[hbm4b:s2+s0] =	stream.linear.scatter [tilespmem:s13], [sflag:$0x1], $0x80, $0x38;
	[tilespmem:$0x1D700] =	vst v63  }
0x1fb: {  	_ =	swait.ge [sflag:s30], $0x800  }
0x1fc: {  	[sflag:s30] =	ssyncset.done $0x0  }
0x1fd: {  	s1 =	simm.s32 $0x40F0;
	[sflag:s30] =	ssyncadd.s32 $0xFFFFF800  }
.LBB2_20:
0x1fe: {  	s2 =	sshra.s32 s0, $0x2  }
0x1ff: {  	v3 =	vld [tilespmem:s2+$0x3800];
	_ =	sdelay $0x7  }
0x200: {  	v3 =	vld.idx.msk [tilespmem:v3+s15+$0x0], $0xffff;
	_ =	sdelay $0x4  }
0x201: {  	[tilespmem:s1+$0xFFFFFF90] =	vst v3  }
0x202: {  	v3 =	vld [tilespmem:s2+$0x3810];
	_ =	sdelay $0x7  }
0x203: {  	v3 =	vld.idx.msk [tilespmem:v3+s15+$0x0], $0xffff;
	_ =	sdelay $0x4  }
0x204: {  	[tilespmem:s1+$0xFFFFFFA0] =	vst v3  }
0x205: {  	v3 =	vld [tilespmem:s2+$0x3820];
	_ =	sdelay $0x7  }
0x206: {  	v3 =	vld.idx.msk [tilespmem:v3+s15+$0x0], $0xffff;
	_ =	sdelay $0x4  }
0x207: {  	[tilespmem:s1+$0xFFFFFFB0] =	vst v3  }
0x208: {  	v3 =	vld [tilespmem:s2+$0x3830];
	_ =	sdelay $0x7  }
0x209: {  	v3 =	vld.idx.msk [tilespmem:v3+s15+$0x0], $0xffff;
	_ =	sdelay $0x4  }
0x20a: {  	[tilespmem:s1+$0xFFFFFFC0] =	vst v3  }
0x20b: {  	v3 =	vld [tilespmem:s2+$0x3840];
	_ =	sdelay $0x7  }
0x20c: {  	v3 =	vld.idx.msk [tilespmem:v3+s15+$0x0], $0xffff;
	_ =	sdelay $0x4  }
0x20d: {  	[tilespmem:s1+$0xFFFFFFD0] =	vst v3  }
0x20e: {  	v3 =	vld [tilespmem:s2+$0x3850];
	_ =	sdelay $0x7  }
0x20f: {  	v3 =	vld.idx.msk [tilespmem:v3+s15+$0x0], $0xffff;
	_ =	sdelay $0x4  }
0x210: {  	[tilespmem:s1+$0xFFFFFFE0] =	vst v3  }
0x211: {  	v3 =	vld [tilespmem:s2+$0x3860];
	_ =	sdelay $0x7  }
0x212: {  	v3 =	vld.idx.msk [tilespmem:v3+s15+$0x0], $0xffff;
	_ =	sdelay $0x4  }
0x213: {  	[tilespmem:s1+$0xFFFFFFF0] =	vst v3  }
0x214: {  	v3 =	vld [tilespmem:s2+$0x3870];
	_ =	sdelay $0x7  }
0x215: {  	p0 =	sne.s32 s0, $0x1E00;
	v3 =	vld.idx.msk [tilespmem:v3+s15+$0x0], $0xffff  }
.Ltmp10:
0x216: {  	_ = 	snop;
	(pc) =	sbr.rel @p0 .LBB2_20-.Ltmp10, $2  }
0x217: {  	_ =	sdelay $0x2  }
0x218: {  	s0 =	sadd.s32 $0x200, s0;
	[tilespmem:s1+$0x0] =	vst v3;
	s1 =	sadd.s32 $0x100, s1  }
0x219: {  	s0 =	simm.s32 $0x4080  }
0x21a: {  	[hbm4b:s12+s3] =	stream.linear.scatter [tilespmem:s0], [sflag:$0x2], $0x80, $0x38;
	[tilespmem:$0x1D700] =	vst v63  }
0x21b: {  	s13 =	sadd.s32 $0x80, s12;
	s1 =	simm.s32 $0x4180  }
0x21c: {  	[hbm4b:s13+s3] =	stream.linear.scatter [tilespmem:s1], [sflag:$0x2], $0x80, $0x38;
	[tilespmem:$0x1D700] =	vst v63  }
0x21d: {  	s2 =	sadd.s32 $0x100, s12;
	s13 =	simm.s32 $0x4280  }
0x21e: {  	[hbm4b:s2+s3] =	stream.linear.scatter [tilespmem:s13], [sflag:$0x2], $0x80, $0x38;
	[tilespmem:$0x1D700] =	vst v63  }
0x21f: {  	s2 =	sadd.s32 $0x180, s12  }
0x220: {  	[hbm4b:s2+s3] =	stream.linear.scatter [tilespmem:s14], [sflag:$0x2], $0x80, $0x38;
	[tilespmem:$0x1D700] =	vst v63  }
0x221: {  	s13 =	sadd.s32 $0x200, s12  }
0x222: {  	[hbm4b:s13+s3] =	stream.linear.scatter [tilespmem:s16], [sflag:$0x2], $0x80, $0x38;
	[tilespmem:$0x1D700] =	vst v63  }
0x223: {  	s1 =	sadd.s32 $0x280, s12  }
0x224: {  	[hbm4b:s1+s3] =	stream.linear.scatter [tilespmem:s17], [sflag:$0x2], $0x80, $0x38;
	[tilespmem:$0x1D700] =	vst v63  }
0x225: {  	s2 =	sadd.s32 $0x300, s12  }
0x226: {  	[hbm4b:s2+s3] =	stream.linear.scatter [tilespmem:s18], [sflag:$0x2], $0x80, $0x38;
	[tilespmem:$0x1D700] =	vst v63  }
0x227: {  	s13 =	sadd.s32 $0x380, s12  }
0x228: {  	[hbm4b:s13+s3] =	stream.linear.scatter [tilespmem:s19], [sflag:$0x2], $0x80, $0x38;
	[tilespmem:$0x1D700] =	vst v63  }
0x229: {  	s1 =	sadd.s32 $0x400, s12  }
0x22a: {  	[hbm4b:s1+s3] =	stream.linear.scatter [tilespmem:s20], [sflag:$0x2], $0x80, $0x38;
	[tilespmem:$0x1D700] =	vst v63  }
0x22b: {  	s2 =	sadd.s32 $0x480, s12  }
0x22c: {  	[hbm4b:s2+s3] =	stream.linear.scatter [tilespmem:s21], [sflag:$0x2], $0x80, $0x38;
	[tilespmem:$0x1D700] =	vst v63  }
0x22d: {  	s13 =	sadd.s32 $0x500, s12  }
0x22e: {  	[hbm4b:s13+s3] =	stream.linear.scatter [tilespmem:s22], [sflag:$0x2], $0x80, $0x38;
	[tilespmem:$0x1D700] =	vst v63  }
0x22f: {  	s1 =	sadd.s32 $0x580, s12  }
0x230: {  	[hbm4b:s1+s3] =	stream.linear.scatter [tilespmem:s23], [sflag:$0x2], $0x80, $0x38;
	[tilespmem:$0x1D700] =	vst v63  }
0x231: {  	s2 =	sadd.s32 $0x600, s12  }
0x232: {  	[hbm4b:s2+s3] =	stream.linear.scatter [tilespmem:s24], [sflag:$0x2], $0x80, $0x38;
	[tilespmem:$0x1D700] =	vst v63  }
0x233: {  	s13 =	sadd.s32 $0x680, s12  }
0x234: {  	[hbm4b:s13+s3] =	stream.linear.scatter [tilespmem:s25], [sflag:$0x2], $0x80, $0x38;
	[tilespmem:$0x1D700] =	vst v63  }
0x235: {  	s1 =	sadd.s32 $0x700, s12  }
0x236: {  	[hbm4b:s1+s3] =	stream.linear.scatter [tilespmem:s26], [sflag:$0x2], $0x80, $0x38;
	[tilespmem:$0x1D700] =	vst v63  }
0x237: {  	s2 =	sadd.s32 $0x780, s12  }
0x238: {  	[hbm4b:s2+s3] =	stream.linear.scatter [tilespmem:s28], [sflag:$0x2], $0x80, $0x38;
	[tilespmem:$0x1D700] =	vst v63  }
0x239: {  	_ =	swait.ge [sflag:s29], $0x800  }
0x23a: {  	[sflag:s29] =	ssyncset.done $0x0  }
0x23b: {  	[sflag:s29] =	ssyncadd.s32 $0xFFFFF800  }
0x23c: {  	_ =	swait.ge [sflag:s30], $0x800  }
0x23d: {  	s31 =	sadd.s32 $0x1, s31;
	s13 =	rddreg [dreg:$0x3]  }
0x23e: {  	p0 =	sne.s32 s31, s13  }
.Ltmp11:
0x23f: {  	_ = 	snop;
	(pc) =	sbr.rel @p0 .LBB2_2-.Ltmp11, $3  }
0x240: {  	_ =	sdelay $0x1  }
0x241: {  	[sflag:s30] =	ssyncset.done $0x0  }
0x242: {  	[sflag:s30] =	ssyncadd.s32 $0xFFFFF800  }
.LBB2_22:
0x243: {  	_ =	sfence.sel $0x180000  }
0x244: {  	[bflag:$0x0] =	sbarrier.arrive $0xFFFF  }
0x245: {  	_ =	strace $0x90000047  }
0x246: {  	s0 =	stileid.u32;
	[bflag:$0x2] =	sbarrier.arrive $0xFFFF  }
0x247: {  	p0 =	sne.s32 s0, $0x0;
	s0 =	rddreg [dreg:$0x2]  }
0x248: {  	s0 =	sadd.s32 @!p0 $0x100000, s0  }
0x249: {  	[sflag:s0] =	ssyncadd.tile.s32 @!p0 $0x1;
	_ =	shalt  }
.Lfunc_end2:
_tile_overlayer_lowered:
.L_overlay_start_2:
0x24a: {  	(tag) =	ssettag $0x2  }
0x24b: {  	s0 =	rddreg [dreg:$0x0];
	s2 =	stileid.u32  }
0x24c: {  	s1 =	rddreg [dreg:$0x1];
	p0 =	sne.s32 s2, $0x0  }
0x24d: {  	s3 =	rddreg [dreg:$0x2];
	[bflag:$0x3] =	sbarrier.arrive $0xFFFF;
	s2 =	simm.s32 @!p0 $0x1C03  }
0x24e: {  	[timem:s3], [sflag:s2] =	dma.local @!p0 [hbm:s0], s1  }
0x24f: {  	s0 =	simm.s32 @!p0 $0x3  }
0x250: {  	_ =	swait.ge @!p0 [sflag:s0], s1  }
0x251: {  	s1 =	ssub.s32 @!p0 $0x0, s1;
	[sflag:s0] =	ssyncset.done @!p0 $0x0  }
0x252: {  	[sflag:s0] =	ssyncadd.s32 @!p0 s1  }
0x253: {  	[bflag:$0x3] =	sbarrier.arrive $0xFFFF  }
0x254: {  	_ =	shalt  }

// kernel: kernel.7.cloned.1.call-start
scs
__scs_entry_jumppad:
0x0: {  	(pc) =	sbr.rel $0x88, $3  }
0x1: {  	(tag) =	ssettag $0x0;
	lr =	simm.s32 $0x1  }
0x2: {  	[smem:$0x3F9F] =	sst lr;
	_ =	strace $0xD0000000  }
0x3: {  	_ = 	snop  }
0x4: {  	_ = 	snop  }
0x5: {  	_ = 	snop  }
0x6: {  	_ = 	snop  }
0x7: {  	_ = 	snop  }
__scs_overlays_trampoline_lowered:
0x8: {  	[smem:$0x3FAE] =	sst s0  }
0x9: {  	[smem:$0x3FAF] =	sst s1  }
0xa: {  	[smem:$0x3FB0] =	sst s2  }
0xb: {  	[smem:$0x3FB1] =	sst s3  }
0xc: {  	[smem:$0x3FB2] =	sst s4  }
0xd: {  	[smem:$0x3FB3] =	sst s5  }
0xe: {  	[smem:$0x3FB4] =	sst s6  }
0xf: {  	[smem:$0x3FB5] =	sst s7  }
0x10: {  	[smem:$0x3FB6] =	sst s8  }
0x11: {  	[smem:$0x3FB7] =	sst s9;
	s0 =	simm.s32 @!p0 $0x0  }
0x12: {  	s1 =	sld [smem:$0x3F9D];
	s0 =	simm.s32 @p0 $0x1  }
0x13: {  	[smem:$0x3FB8] =	sst s0;
	s0 =	simm.s32 @!p1 $0x0  }
0x14: {  	s2 =	sld [smem:$0x3F9C];
	s0 =	simm.s32 @p1 $0x1  }
0x15: {  	[smem:$0x3FB9] =	sst s0;
	s0 =	simm.s32 @!p2 $0x0  }
0x16: {  	s3 =	sld [smem:$0x3FDB];
	s0 =	simm.s32 @p2 $0x1  }
0x17: {  	s4 =	simm.s32 $0x1BF5;
	[smem:$0x3FBB] =	sst s0  }
0x18: {  	s0 =	sld [smem:$0x3F9E];
	_ =	swait.ge [sflag:s4], $0x0  }
0x19: {  	s7 =	sld [smem:$0x3F9F]  }
0x1a: {  	s8 =	sadd.s32 $0xFFFFE003, lr  }
0x1b: {  	s9 =	sadd.s32 $0xFFFFFEF7, lr;
	s5 =	simm.s32 $0xFFFFFFFF;
	p2 =	slt.u32 s8, $0xFFFFF086  }
0x1c: {  	p1 =	slt.u32 s9, $0xF7A;
	s5 =	simm.s32 @!p2 $0x0  }
0x1d: {  	s5 =	simm.s32 @p1 $0x1;
	p0 =	seq.s32 s7, s2  }
0x1e: {  	s7 =	smul.u32 @!p0 $0xF7A, s2;
	p2 =	seq.s32 @!p0 s5, $0x0  }
0x1f: {  	s9 =	smul.u32 $0xF7A, s1;
	s8 =	simm.s32 @!p0 $0x1BF5;
	p2 =	por !p2, p0  }
0x20: {  	[sflag:s8] =	ssyncset.s32 @!p0 $0xFFFFF086;
	s6 =	sadd.s32 @!p0 s3, s7;
	s7 =	simm.s32 @!p0 $0x108  }
0x21: {  	s3 =	sadd.s32 s3, s9;
	s6 =	sadd.s32 @!p0 $0x88, s6;
	s7 =	simm.s32 @p2 $0x1082  }
0x22: {  	[simem:s7], [sflag:s8] =	dma.local @!p0 [hbm:s6], $0xF7A  }
0x23: {  	s9 =	sor.u32 $0xD0000000, s2;
	s6 =	simm.s32 $0x108;
	_ =	swait.ge @!p0 [sflag:s8], $0x0  }
0x24: {  	s3 =	sadd.s32 $0x88, s3;
	s6 =	simm.s32 @!p1 $0x1082;
	[sflag:s4] =	ssyncset.s32 $0xFFFFF086  }
0x25: {  	[simem:s6], [sflag:s4] =	dma.local [hbm:s3], $0xF7A  }
0x26: {  	[smem:$0x3F9F] =	sst s1;
	(tag) =	ssettag s2;
	_ =	strace s9  }
0x27: {  	s1 =	sld [smem:$0x3FAF]  }
0x28: {  	s2 =	sld [smem:$0x3FB0]  }
0x29: {  	s4 =	sld [smem:$0x3FB2]  }
0x2a: {  	p0 =	seq.s32 s5, $0x0;
	s5 =	sld [smem:$0x3FB3]  }
0x2b: {  	s6 =	sld [smem:$0x3FB4]  }
0x2c: {  	s7 =	sld [smem:$0x3FB5]  }
0x2d: {  	s3 =	simm.s32 $0x108;
	s8 =	sld [smem:$0x3FB6]  }
0x2e: {  	s3 =	simm.s32 @!p0 $0x1082;
	s9 =	sld [smem:$0x3FB7]  }
0x2f: {  	lr =	sadd.s32 s0, s3;
	s0 =	sld [smem:$0x3FAE]  }
0x30: {  	s3 =	sld [smem:$0x3FB1]  }
0x31: {  	[smem:$0x3FBA] =	sst s10  }
0x32: {  	s10 =	sld [smem:$0x3FB8];
	_ =	sdelay $0x3  }
0x33: {  	p0 =	seq.s32 s10, $0x1;
	s10 =	sld [smem:$0x3FBA];
	_ =	sdelay $0x3  }
0x34: {  	[smem:$0x3FBA] =	sst s10  }
0x35: {  	s10 =	sld [smem:$0x3FB9];
	_ =	sdelay $0x3  }
0x36: {  	p1 =	seq.s32 s10, $0x1;
	s10 =	sld [smem:$0x3FBA];
	_ =	sdelay $0x3  }
0x37: {  	[smem:$0x3FBA] =	sst s10  }
0x38: {  	s10 =	sld [smem:$0x3FBB]  }
0x39: {  	_ = 	snop;
	(pc) =	sbr.ind lr, $3  }
0x3a: {  	_ = 	snop  }
0x3b: {  	_ = 	snop  }
0x3c: {  	p2 =	seq.s32 s10, $0x1;
	s10 =	sld [smem:$0x3FBA]  }
0x3d: {  	_ =	shalt  }
0x3e: {  	_ =	shalt  }
0x3f: {  	_ =	shalt  }
0x40: {  	_ =	shalt  }
0x41: {  	_ =	shalt  }
0x42: {  	_ =	shalt  }
0x43: {  	_ =	shalt  }
0x44: {  	_ =	shalt  }
0x45: {  	_ =	shalt  }
0x46: {  	_ =	shalt  }
0x47: {  	_ =	shalt  }
0x48: {  	_ =	shalt  }
0x49: {  	_ =	shalt  }
0x4a: {  	_ =	shalt  }
0x4b: {  	_ =	shalt  }
0x4c: {  	_ =	shalt  }
0x4d: {  	_ =	shalt  }
0x4e: {  	_ =	shalt  }
0x4f: {  	_ =	shalt  }
0x50: {  	_ =	shalt  }
0x51: {  	_ =	shalt  }
0x52: {  	_ =	shalt  }
0x53: {  	_ =	shalt  }
0x54: {  	_ =	shalt  }
0x55: {  	_ =	shalt  }
0x56: {  	_ =	shalt  }
0x57: {  	_ =	shalt  }
0x58: {  	_ =	shalt  }
0x59: {  	_ =	shalt  }
0x5a: {  	_ =	shalt  }
0x5b: {  	_ =	shalt  }
0x5c: {  	_ =	shalt  }
0x5d: {  	_ =	shalt  }
0x5e: {  	_ =	shalt  }
0x5f: {  	_ =	shalt  }
0x60: {  	_ =	shalt  }
0x61: {  	_ =	shalt  }
0x62: {  	_ =	shalt  }
0x63: {  	_ =	shalt  }
0x64: {  	_ =	shalt  }
0x65: {  	_ =	shalt  }
0x66: {  	_ =	shalt  }
0x67: {  	_ =	shalt  }
0x68: {  	_ =	shalt  }
0x69: {  	_ =	shalt  }
0x6a: {  	_ =	shalt  }
0x6b: {  	_ =	shalt  }
0x6c: {  	_ =	shalt  }
0x6d: {  	_ =	shalt  }
0x6e: {  	_ =	shalt  }
0x6f: {  	_ =	shalt  }
0x70: {  	_ =	shalt  }
0x71: {  	_ =	shalt  }
0x72: {  	_ =	shalt  }
0x73: {  	_ =	shalt  }
0x74: {  	_ =	shalt  }
0x75: {  	_ =	shalt  }
0x76: {  	_ =	shalt  }
0x77: {  	_ =	shalt  }
0x78: {  	_ =	shalt  }
0x79: {  	_ =	shalt  }
0x7a: {  	_ =	shalt  }
0x7b: {  	_ =	shalt  }
0x7c: {  	_ =	shalt  }
0x7d: {  	_ =	shalt  }
0x7e: {  	_ =	shalt  }
0x7f: {  	_ =	shalt  }
0x80: {  	_ =	shalt  }
0x81: {  	_ =	shalt  }
0x82: {  	_ =	shalt  }
0x83: {  	_ =	shalt  }
0x84: {  	_ =	shalt  }
0x85: {  	_ =	shalt  }
0x86: {  	_ =	shalt  }
0x87: {  	_ =	shalt  }
.Lfunc_end0:
.L_simem_size_0:
called_computation.1_lowered:
.L_overlay_start_0:
0x88: {  	s2 =	sld [smem:$0x3FD9]  }
0x89: {  	s3 =	sld [smem:$0x3FFE];
	_ =	sdelay $0x1  }
0x8a: {  	s1 =	srdreg.scid  }
0x8b: {  	s0 =	sand.u32 $0x1, s1  }
0x8c: {  	s17 =	sshll.u32 s0, $0xA;
	s2 =	sadd.s32 s3, s2  }
0x8d: {  	s2 =	sadd.s32 s2, s17  }
0x8e: {  	[smem:$0x3FC6] =	sst s2  }
0x8f: {  	_ = 	snop  }
0x90: {  	s2 =	sld [smem:$0x3FD0];
	(tm) =	ssettm $0x1  }
0x91: {  	s18 =	sld [smem:$0x3FFB];
	_ =	sdelay $0x3  }
0x92: {  	_ =	strace s18  }
0x93: {  	s3 =	sld [smem:$0x3FFC];
	_ =	sdelay $0x3  }
0x94: {  	_ =	strace s3  }
0x95: {  	s3 =	sld [smem:$0x3FFD];
	_ =	sdelay $0x3  }
0x96: {  	_ =	strace s3  }
0x97: {  	_ =	strace $0x8FFFFFFF  }
0x98: {  	s19 =	sld [smem:$0x3FDB];
	_ =	sdelay $0x1  }
0x99: {  	s4 =	simm.s32 $_scs_section_size  }
0x9a: {  	s5 =	simm.s32 $_size__tile_overlayer_lowered;
	s6 =	simm.s32 $_tile_overlayer_lowered  }
0x9b: {  	s22 =	simm.s32 $0x1BFF;
	s21 =	sshll.u32 s6, $0x1;
	s3 =	sadd.s32 s4, s19  }
0x9c: {  	s7 =	simm.s32 $0x0;
	s20 =	sshll.u32 s5, $0x1;
	s5 =	sadd.s32 s21, s3  }
0x9d: {  	[timem:s7], [sflag:s22] =	dma.local [hbm:s5], s20  }
0x9e: {  	_ =	swait.ge [sflag:s22], s20  }
0x9f: {  	s4 =	ssub.s32 $0x0, s20;
	[sflag:s22] =	ssyncset.done $0x0  }
0xa0: {  	[sflag:s22] =	ssyncadd.s32 s4;
	_ =	sdelay $0x1  }
0xa1: {  	s23 =	simm.s32 $0x1B8B  }
0xa2: {  	_ =	swait.ge [sflag:s23], $0x1  }
0xa3: {  	[sflag:s23] =	ssyncset.done $0x0  }
0xa4: {  	s25 =	simm.s32 $0x1B8E;
	s24 =	sld [smem:$0x3FFE];
	[sflag:s23] =	ssyncadd.s32 $0xFFFFFFFF  }
0xa5: {  	s26 =	simm.s32 $execute0_lowered;
	[smem:$0x3FD2] =	sst s25  }
0xa6: {  	s5 =	sshll.u32 s26, $0x1;
	_ =	strace $0x80000049;
	[dreg:$0x1] =	wrdreg $0xFFFFFFFF  }
0xa7: {  	s28 =	simm.s32 $_size_execute0_lowered;
	s3 =	sadd.s32 s3, s5;
	[dreg:$0x0] =	wrdreg $0x0  }
0xa8: {  	s5 =	sshll.u32 s28, $0x1;
	[dreg:$0x2] =	wrdreg s3  }
0xa9: {  	[dreg:$0x3] =	wrdreg s5  }
0xaa: {  	[dreg:$0x4] =	wrdreg $0xC0  }
0xab: {  	_ =	task [dreg:s7], $0x5FFFF  }
0xac: {  	[dreg:$0x1] =	wrdreg $0xFFFFFFFF  }
0xad: {  	[dreg:$0x0] =	wrdreg $0x60  }
0xae: {  	[dreg:$0x2] =	wrdreg s24  }
0xaf: {  	[dreg:$0x3] =	wrdreg s2  }
0xb0: {  	[dreg:$0x4] =	wrdreg $0x9  }
0xb1: {  	_ =	task.clear_ibuf [dreg:s7], $0x5FFFF;
	_ =	strace $0x90000049  }
0xb2: {  	s29 =	simm.s32 $0x9;
	_ =	strace $0x8000004B  }
0xb3: {  	_ =	swait.ge [sflag:s29], $0x1  }
0xb4: {  	[sflag:s29] =	ssyncadd.s32 $0xFFFFFFFF  }
0xb5: {  	_ =	strace $0x9000004B  }
0xb6: {  	_ =	sfence  }
0xb7: {  	s30 =	sld [smem:$0x0];
	_ =	sdelay $0x2  }
0xb8: {  	s31 =	sshll.u32 s1, $0xD;
	s1 =	sshrl.u32 s1, $0x2  }
0xb9: {  	s3 =	sand.u32 $0x4000, s31;
	s1 =	sadd.s32 s1, s30  }
0xba: {  	s0 =	sor.u32 s3, s0;
	s1 =	sshll.u32 s1, $0x11  }
0xbb: {  	s0 =	sor.u32 s1, s0  }
0xbc: {  	s0 =	sadd.s32 $0x8F2B, s0  }
0xbd: {  	[sflag:s0] =	ssyncadd.remote.s32 $0x1  }
0xbe: {  	_ =	sfence.sel $0xFFFF  }
0xbf: {  	[dreg:$0x0] =	wrdreg $0xFFFFFFFF;
	(pc) =	sbr.abs _section_cstart, $3  }
0xc0: {  	[dreg:$0x1] =	wrdreg $0xFFFFFFFF  }
0xc1: {  	_ =	task.clear_ibuf [dreg:s7], $0x2FFFF;
	_ =	strace $0x9FFFFFFF  }
0xc2: {  	(tm) =	ssettm $0x7FFFFFFF  }
0xc3: {  	_ =	shalt  }
tec
execute0_lowered:
.L_overlay_start_1:
0x0: {  	(tag) =	ssettag $0x1  }
0x1: {  	s3 =	srdreg.scid  }
0x2: {  	s0 =	rddreg [dreg:$0x0];
	s5 =	stileid.u32;
	s3 =	sand.u32 $0x1, s3  }
0x3: {  	s5 =	sshll.u32 s5, $0xA;
	s4 =	ssub.s32 $0x2, s3;
	s3 =	sshll.u32 s3, $0x9  }
0x4: {  	s1 =	rddreg [dreg:$0x1];
	s6 =	sshrl.u32 s4, $0x1;
	s5 =	sor.u32 s3, s5  }
0x5: {  	s2 =	simm.s32 $0x0;
	s6 =	ssub.s32 s4, s6;
	s4 =	sadd.s32 s0, s5  }
0x6: {  	[smem:$0x7FF] =	sst s2;
	s3 =	sadd.s32 $0x4000, s0;
	s0 =	sadd.s32 $0x10, s4  }
0x7: {  	_ =	strace $0x8000004A;
	s26 =	sadd.s32 $0x20, s4;
	[dreg:$0x3] =	wrdreg s0  }
0x8: {  	s29 =	sadd.s32 $0x30, s4;
	[dreg:$0x4] =	wrdreg s26  }
0x9: {  	s30 =	sadd.s32 $0x40, s4;
	[dreg:$0x5] =	wrdreg s29  }
0xa: {  	s31 =	sadd.s32 $0x50, s4;
	[dreg:$0x6] =	wrdreg s30  }
0xb: {  	s8 =	sadd.s32 $0x60, s4;
	[dreg:$0x7] =	wrdreg s31  }
0xc: {  	s9 =	sadd.s32 $0x70, s4;
	[dreg:$0x8] =	wrdreg s8  }
0xd: {  	s13 =	smax.u32 s6, $0x1;
	[dreg:$0x9] =	wrdreg s9  }
0xe: {  	s14 =	sadd.s32 $0x80, s4;
	[dreg:$0xd] =	wrdreg s13  }
0xf: {  	s15 =	sadd.s32 $0x100, s4;
	[dreg:$0xe] =	wrdreg s14  }
0x10: {  	s16 =	sadd.s32 $0x180, s4;
	[dreg:$0xf] =	wrdreg s15  }
0x11: {  	s28 =	simm.s32 $0x0;
	s17 =	sadd.s32 $0x90, s4;
	[dreg:$0x10] =	wrdreg s16  }
0x12: {  	s7 =	sshll.u32 s5, $0x4;
	s18 =	sadd.s32 $0x110, s4;
	[dreg:$0x11] =	wrdreg s17  }
0x13: {  	s12 =	sadd.s32 s1, s7;
	s19 =	sadd.s32 $0x190, s4;
	[dreg:$0x12] =	wrdreg s18  }
0x14: {  	s20 =	sadd.s32 $0xA0, s4;
	s21 =	sadd.s32 $0x120, s4;
	[dreg:$0x13] =	wrdreg s19  }
0x15: {  	s22 =	sadd.s32 $0x1A0, s4;
	s23 =	sadd.s32 $0xB0, s4;
	[dreg:$0x14] =	wrdreg s20  }
0x16: {  	s24 =	sadd.s32 $0x130, s4;
	s25 =	sadd.s32 $0x1B0, s4;
	[dreg:$0x15] =	wrdreg s21  }
0x17: {  	s5 =	sadd.s32 $0x150, s4;
	s6 =	sadd.s32 $0x1D0, s4;
	[dreg:$0x16] =	wrdreg s22  }
0x18: {  	s7 =	sadd.s32 $0xE0, s4;
	s0 =	sadd.s32 $0x800, s12;
	[dreg:$0x17] =	wrdreg s23  }
0x19: {  	s10 =	sadd.s32 $0x1000, s12;
	s11 =	sadd.s32 $0x1800, s12;
	[dreg:$0x18] =	wrdreg s24  }
0x1a: {  	[dreg:$0x19] =	wrdreg s25;
	s26 =	sadd.s32 $0xC0, s4;
	s29 =	sadd.s32 $0x140, s4  }
0x1b: {  	s30 =	sadd.s32 $0x1C0, s4;
	s31 =	sadd.s32 $0xD0, s4;
	s8 =	sadd.s32 $0x160, s4  }
0x1c: {  	s9 =	sadd.s32 $0x1E0, s4;
	s13 =	sadd.s32 $0x1F0, s4;
	[dreg:$0xa] =	wrdreg s0  }
0x1d: {  	s14 =	simm.s32 $0x80;
	s15 =	simm.s32 $0x1;
	[dreg:$0xb] =	wrdreg s10  }
0x1e: {  	s16 =	simm.s32 $0x1000;
	s17 =	simm.s32 $0x1200;
	[dreg:$0xc] =	wrdreg s11  }
0x1f: {  	s18 =	simm.s32 $0x5200;
	s19 =	simm.s32 $0x9200;
	[dreg:$0x1a] =	wrdreg s26  }
0x20: {  	s20 =	simm.s32 $0xD200;
	s21 =	simm.s32 $0x2;
	[dreg:$0x1b] =	wrdreg s29  }
0x21: {  	s22 =	simm.s32 $0x3;
	s23 =	simm.s32 $0x4;
	[dreg:$0x1c] =	wrdreg s30  }
0x22: {  	s24 =	simm.s32 $0x5;
	s25 =	simm.s32 $0x6;
	[dreg:$0x1d] =	wrdreg s31  }
0x23: {  	s10 =	sadd.s32 $0xF0, s4;
	s11 =	sadd.s32 $0x170, s4;
	s26 =	simm.s32 $0x7  }
.LBB2_1:
0x24: {  	[tilespmem:s2], [sflag:$0x1] =	stream.linear.gather [hbm4b:s4+s2], $0x80, $0x38;
	[tilespmem:$0x11200] =	vst v63  }
0x25: {  	s0 =	rddreg [dreg:$0xe];
	s1 =	simm.s32 $0x400  }
0x26: {  	[tilespmem:s1], [sflag:$0x1] =	stream.linear.gather [hbm4b:s0+s2], $0x80, $0x38;
	[tilespmem:$0x11200] =	vst v63  }
0x27: {  	s0 =	rddreg [dreg:$0xf];
	s1 =	simm.s32 $0x800  }
0x28: {  	[tilespmem:s1], [sflag:$0x1] =	stream.linear.gather [hbm4b:s0+s2], $0x80, $0x38;
	[tilespmem:$0x11200] =	vst v63  }
0x29: {  	s0 =	rddreg [dreg:$0x10];
	s1 =	simm.s32 $0xC00  }
0x2a: {  	[tilespmem:s1], [sflag:$0x1] =	stream.linear.gather [hbm4b:s0+s2], $0x80, $0x38;
	[tilespmem:$0x11200] =	vst v63  }
0x2b: {  	s1 =	rddreg [dreg:$0x3]  }
0x2c: {  	[tilespmem:s14], [sflag:$0x1] =	stream.linear.gather [hbm4b:s1+s2], $0x80, $0x38;
	[tilespmem:$0x11200] =	vst v63  }
0x2d: {  	s0 =	rddreg [dreg:$0x11];
	s1 =	simm.s32 $0x480  }
0x2e: {  	[tilespmem:s1], [sflag:$0x1] =	stream.linear.gather [hbm4b:s0+s2], $0x80, $0x38;
	[tilespmem:$0x11200] =	vst v63  }
0x2f: {  	s0 =	rddreg [dreg:$0x12];
	s1 =	simm.s32 $0x880  }
0x30: {  	[tilespmem:s1], [sflag:$0x1] =	stream.linear.gather [hbm4b:s0+s2], $0x80, $0x38;
	[tilespmem:$0x11200] =	vst v63  }
0x31: {  	s0 =	rddreg [dreg:$0x13];
	s1 =	simm.s32 $0xC80  }
0x32: {  	[tilespmem:s1], [sflag:$0x1] =	stream.linear.gather [hbm4b:s0+s2], $0x80, $0x38;
	[tilespmem:$0x11200] =	vst v63  }
0x33: {  	s0 =	rddreg [dreg:$0x4];
	s1 =	simm.s32 $0x100  }
0x34: {  	[tilespmem:s1], [sflag:$0x1] =	stream.linear.gather [hbm4b:s0+s2], $0x80, $0x38;
	[tilespmem:$0x11200] =	vst v63  }
0x35: {  	s0 =	rddreg [dreg:$0x14];
	s1 =	simm.s32 $0x500  }
0x36: {  	[tilespmem:s1], [sflag:$0x1] =	stream.linear.gather [hbm4b:s0+s2], $0x80, $0x38;
	[tilespmem:$0x11200] =	vst v63  }
0x37: {  	s0 =	rddreg [dreg:$0x15];
	s1 =	simm.s32 $0x900  }
0x38: {  	[tilespmem:s1], [sflag:$0x1] =	stream.linear.gather [hbm4b:s0+s2], $0x80, $0x38;
	[tilespmem:$0x11200] =	vst v63  }
0x39: {  	s0 =	rddreg [dreg:$0x16];
	s1 =	simm.s32 $0xD00  }
0x3a: {  	[tilespmem:s1], [sflag:$0x1] =	stream.linear.gather [hbm4b:s0+s2], $0x80, $0x38;
	[tilespmem:$0x11200] =	vst v63  }
0x3b: {  	s0 =	rddreg [dreg:$0x5];
	s1 =	simm.s32 $0x180  }
0x3c: {  	[tilespmem:s1], [sflag:$0x1] =	stream.linear.gather [hbm4b:s0+s2], $0x80, $0x38;
	[tilespmem:$0x11200] =	vst v63  }
0x3d: {  	s0 =	rddreg [dreg:$0x17];
	s1 =	simm.s32 $0x580  }
0x3e: {  	[tilespmem:s1], [sflag:$0x1] =	stream.linear.gather [hbm4b:s0+s2], $0x80, $0x38;
	[tilespmem:$0x11200] =	vst v63  }
0x3f: {  	s0 =	rddreg [dreg:$0x18];
	s1 =	simm.s32 $0x980  }
0x40: {  	[tilespmem:s1], [sflag:$0x1] =	stream.linear.gather [hbm4b:s0+s2], $0x80, $0x38;
	[tilespmem:$0x11200] =	vst v63  }
0x41: {  	s0 =	rddreg [dreg:$0x19];
	s1 =	simm.s32 $0xD80  }
0x42: {  	[tilespmem:s1], [sflag:$0x1] =	stream.linear.gather [hbm4b:s0+s2], $0x80, $0x38;
	[tilespmem:$0x11200] =	vst v63  }
0x43: {  	s0 =	rddreg [dreg:$0x6];
	s1 =	simm.s32 $0x200  }
0x44: {  	[tilespmem:s1], [sflag:$0x1] =	stream.linear.gather [hbm4b:s0+s2], $0x80, $0x38;
	[tilespmem:$0x11200] =	vst v63  }
0x45: {  	s0 =	rddreg [dreg:$0x1a];
	s1 =	simm.s32 $0x600  }
0x46: {  	[tilespmem:s1], [sflag:$0x1] =	stream.linear.gather [hbm4b:s0+s2], $0x80, $0x38;
	[tilespmem:$0x11200] =	vst v63  }
0x47: {  	s0 =	rddreg [dreg:$0x1b];
	s1 =	simm.s32 $0xA00  }
0x48: {  	[tilespmem:s1], [sflag:$0x1] =	stream.linear.gather [hbm4b:s0+s2], $0x80, $0x38;
	[tilespmem:$0x11200] =	vst v63  }
0x49: {  	s0 =	rddreg [dreg:$0x1c];
	s1 =	simm.s32 $0xE00  }
0x4a: {  	[tilespmem:s1], [sflag:$0x1] =	stream.linear.gather [hbm4b:s0+s2], $0x80, $0x38;
	[tilespmem:$0x11200] =	vst v63  }
0x4b: {  	s0 =	rddreg [dreg:$0x7];
	s1 =	simm.s32 $0x280  }
0x4c: {  	[tilespmem:s1], [sflag:$0x1] =	stream.linear.gather [hbm4b:s0+s2], $0x80, $0x38;
	[tilespmem:$0x11200] =	vst v63  }
0x4d: {  	s0 =	rddreg [dreg:$0x1d];
	s1 =	simm.s32 $0x680  }
0x4e: {  	[tilespmem:s1], [sflag:$0x1] =	stream.linear.gather [hbm4b:s0+s2], $0x80, $0x38;
	[tilespmem:$0x11200] =	vst v63  }
0x4f: {  	s1 =	simm.s32 $0xA80  }
0x50: {  	[tilespmem:s1], [sflag:$0x1] =	stream.linear.gather [hbm4b:s5+s2], $0x80, $0x38;
	[tilespmem:$0x11200] =	vst v63  }
0x51: {  	s1 =	simm.s32 $0xE80  }
0x52: {  	[tilespmem:s1], [sflag:$0x1] =	stream.linear.gather [hbm4b:s6+s2], $0x80, $0x38;
	[tilespmem:$0x11200] =	vst v63  }
0x53: {  	s0 =	rddreg [dreg:$0x8];
	s1 =	simm.s32 $0x300  }
0x54: {  	[tilespmem:s1], [sflag:$0x1] =	stream.linear.gather [hbm4b:s0+s2], $0x80, $0x38;
	[tilespmem:$0x11200] =	vst v63  }
0x55: {  	s1 =	simm.s32 $0x700  }
0x56: {  	[tilespmem:s1], [sflag:$0x1] =	stream.linear.gather [hbm4b:s7+s2], $0x80, $0x38;
	[tilespmem:$0x11200] =	vst v63  }
0x57: {  	s1 =	simm.s32 $0xB00  }
0x58: {  	[tilespmem:s1], [sflag:$0x1] =	stream.linear.gather [hbm4b:s8+s2], $0x80, $0x38;
	[tilespmem:$0x11200] =	vst v63  }
0x59: {  	s1 =	simm.s32 $0xF00  }
0x5a: {  	[tilespmem:s1], [sflag:$0x1] =	stream.linear.gather [hbm4b:s9+s2], $0x80, $0x38;
	[tilespmem:$0x11200] =	vst v63  }
0x5b: {  	s0 =	rddreg [dreg:$0x9];
	s1 =	simm.s32 $0x380  }
0x5c: {  	[tilespmem:s1], [sflag:$0x1] =	stream.linear.gather [hbm4b:s0+s2], $0x80, $0x38;
	[tilespmem:$0x11200] =	vst v63  }
0x5d: {  	s1 =	simm.s32 $0x780  }
0x5e: {  	[tilespmem:s1], [sflag:$0x1] =	stream.linear.gather [hbm4b:s10+s2], $0x80, $0x38;
	[tilespmem:$0x11200] =	vst v63  }
0x5f: {  	s1 =	simm.s32 $0xB80  }
0x60: {  	[tilespmem:s1], [sflag:$0x1] =	stream.linear.gather [hbm4b:s11+s2], $0x80, $0x38;
	[tilespmem:$0x11200] =	vst v63  }
0x61: {  	s1 =	simm.s32 $0xF80  }
0x62: {  	[tilespmem:s1], [sflag:$0x1] =	stream.linear.gather [hbm4b:s13+s2], $0x80, $0x38;
	[tilespmem:$0x11200] =	vst v63  }
0x63: {  	_ =	swait.ge [sflag:s15], $0x200  }
0x64: {  	[sflag:s15] =	ssyncset.done $0x0  }
0x65: {  	[sflag:s15] =	ssyncadd.s32 $0xFFFFFE00  }
0x66: {  	_ =	swait.ge [sflag:s15], $0x200  }
0x67: {  	[sflag:s15] =	ssyncset.done $0x0  }
0x68: {  	[sflag:s15] =	ssyncadd.s32 $0xFFFFFE00  }
0x69: {  	_ =	swait.ge [sflag:s15], $0x200  }
0x6a: {  	[sflag:s15] =	ssyncset.done $0x0  }
0x6b: {  	[sflag:s15] =	ssyncadd.s32 $0xFFFFFE00  }
0x6c: {  	_ =	swait.ge [sflag:s15], $0x200  }
0x6d: {  	[sflag:s15] =	ssyncset.done $0x0  }
0x6e: {  	[sflag:s15] =	ssyncadd.s32 $0xFFFFFE00  }
0x6f: {  	_ =	swait.ge [sflag:s15], $0x200  }
0x70: {  	[sflag:s15] =	ssyncset.done $0x0  }
0x71: {  	[sflag:s15] =	ssyncadd.s32 $0xFFFFFE00  }
0x72: {  	_ =	swait.ge [sflag:s15], $0x200  }
0x73: {  	[sflag:s15] =	ssyncset.done $0x0  }
0x74: {  	[sflag:s15] =	ssyncadd.s32 $0xFFFFFE00  }
0x75: {  	_ =	swait.ge [sflag:s15], $0x200  }
0x76: {  	[sflag:s15] =	ssyncset.done $0x0  }
0x77: {  	[sflag:s15] =	ssyncadd.s32 $0xFFFFFE00  }
0x78: {  	_ =	swait.ge [sflag:s15], $0x200  }
0x79: {  	s29 =	sand.u32 $0xC00, s2;
	s1 =	sand.u32 $0x70, s2;
	[sflag:s15] =	ssyncset.done $0x0  }
0x7a: {  	s0 =	sor.u32 s1, s29;
	[sflag:s15] =	ssyncadd.s32 $0xFFFFFE00  }
0x7b: {  	v0 =	vld [tilespmem:s0+$0x80]  }
0x7c: {  	v1 =	vld [tilespmem:s0+$0x0];
	_ =	sdelay $0x1  }
0x7d: {  	v2 =	vld [tilespmem:s0+$0x100];
	_ =	sdelay $0x1  }
0x7e: {  	v3 =	vld [tilespmem:s0+$0x180]  }
0x7f: {  	vm0 =	vgt.s32 v1, v0  }
0x80: {  	v60 =	vld [tilespmem:s0+$0x200];
	v0 =	vsel vm0, v1, v0  }
0x81: {  	vm0 =	vgt.s32 v0, v2  }
0x82: {  	v61 =	vld [tilespmem:s0+$0x280];
	v0 =	vsel vm0, v0, v2  }
0x83: {  	vm0 =	vgt.s32 v0, v3  }
0x84: {  	v62 =	vld [tilespmem:s0+$0x300];
	v0 =	vsel vm0, v0, v3  }
0x85: {  	vm0 =	vgt.s32 v0, v60  }
0x86: {  	v63 =	vld [tilespmem:s0+$0x380];
	v0 =	vsel vm0, v0, v60  }
0x87: {  	vm0 =	vgt.s32 v0, v61  }
0x88: {  	v0 =	vsel vm0, v0, v61  }
0x89: {  	vm0 =	vgt.s32 v0, v62  }
0x8a: {  	v0 =	vsel vm0, v0, v62  }
0x8b: {  	s30 =	simm.s32 $0x80;
	s1 =	simm.s32 $0x10;
	vm0 =	vgt.s32 v0, v63  }
0x8c: {  	s29 =	sand.u32 $0xC00, s30;
	s0 =	sand.u32 $0x70, s1;
	v0 =	vsel vm0, v0, v63  }
0x8d: {  	s31 =	simm.s32 $0x20;
	s0 =	sor.u32 s0, s29;
	s29 =	simm.s32 $0x1000;
	[tilespmem:s16+$0x0] =	vst v0  }
.LBB2_2:
0x8e: {  	p0 =	sne.s32 s31, $0x1F0;
	v0 =	vld [tilespmem:s0+$0x80]  }
0x8f: {  	v1 =	vld [tilespmem:s0+$0x0];
	_ =	sdelay $0x1  }
0x90: {  	v2 =	vld [tilespmem:s0+$0x100];
	_ =	sdelay $0x1  }
0x91: {  	v3 =	vld [tilespmem:s0+$0x180]  }
0x92: {  	vm0 =	vgt.s32 v1, v0  }
0x93: {  	v0 =	vsel vm0, v1, v0;
	v1 =	vld [tilespmem:s0+$0x200]  }
0x94: {  	vm0 =	vgt.s32 v0, v2  }
0x95: {  	v0 =	vsel vm0, v0, v2;
	v2 =	vld [tilespmem:s0+$0x280]  }
0x96: {  	vm0 =	vgt.s32 v0, v3  }
0x97: {  	v0 =	vsel vm0, v0, v3;
	v3 =	vld [tilespmem:s0+$0x300]  }
0x98: {  	vm0 =	vgt.s32 v0, v1  }
0x99: {  	v0 =	vsel vm0, v0, v1;
	v1 =	vld [tilespmem:s0+$0x380]  }
0x9a: {  	vm0 =	vgt.s32 v0, v2  }
0x9b: {  	v0 =	vsel vm0, v0, v2  }
.Ltmp0:
0x9c: {  	vm0 =	vgt.s32 v0, v3;
	(pc) =	sbr.rel @p0 .LBB2_2-.Ltmp0, $4  }
0x9d: {  	v0 =	vsel vm0, v0, v3  }
0x9e: {  	s30 =	sadd.s32 $0x80, s30;
	vm0 =	vgt.s32 v0, v1  }
0x9f: {  	s29 =	sadd.s32 $0x10, s29;
	s1 =	sand.u32 $0xC00, s30;
	s0 =	sand.u32 $0x70, s31;
	v0 =	vsel vm0, v0, v1  }
0xa0: {  	s31 =	sadd.s32 $0x10, s31;
	s0 =	sor.u32 s0, s1;
	[tilespmem:s29+$0x0] =	vst v0  }
0xa1: {  	v0 =	vld [tilespmem:s0+$0x80]  }
0xa2: {  	v1 =	vld [tilespmem:s0+$0x0];
	_ =	sdelay $0x1  }
0xa3: {  	v2 =	vld [tilespmem:s0+$0x100];
	_ =	sdelay $0x1  }
0xa4: {  	v3 =	vld [tilespmem:s0+$0x180]  }
0xa5: {  	vm0 =	vgt.s32 v1, v0  }
0xa6: {  	v60 =	vld [tilespmem:s0+$0x200];
	v0 =	vsel vm0, v1, v0  }
0xa7: {  	vm0 =	vgt.s32 v0, v2  }
0xa8: {  	v61 =	vld [tilespmem:s0+$0x280];
	v0 =	vsel vm0, v0, v2  }
0xa9: {  	vm0 =	vgt.s32 v0, v3  }
0xaa: {  	v62 =	vld [tilespmem:s0+$0x300];
	v0 =	vsel vm0, v0, v3  }
0xab: {  	vm0 =	vgt.s32 v0, v60  }
0xac: {  	v63 =	vld [tilespmem:s0+$0x380];
	v0 =	vsel vm0, v0, v60  }
0xad: {  	vm0 =	vgt.s32 v0, v61  }
0xae: {  	v0 =	vsel vm0, v0, v61  }
0xaf: {  	vm0 =	vgt.s32 v0, v62  }
0xb0: {  	v0 =	vsel vm0, v0, v62  }
0xb1: {  	vm0 =	vgt.s32 v0, v63  }
0xb2: {  	s1 =	sadd.s32 $0x10, s29;
	v0 =	vsel vm0, v0, v63  }
0xb3: {  	[tilespmem:s1+$0x0] =	vst v0  }
0xb4: {  	[tilespmem:s17], [sflag:$0x2] =	stream.indirect.gather [hbm4b:s3+s14], $0x80, s16, s14, $0xb8;
	[tilespmem:$0x11200] =	vst v63  }
0xb5: {  	s29 =	simm.s32 $0x1080  }
0xb6: {  	[tilespmem:s18], [sflag:$0x3] =	stream.indirect.gather [hbm4b:s3+s14], $0x80, s29, s14, $0xb8;
	[tilespmem:$0x11200] =	vst v63  }
0xb7: {  	s30 =	simm.s32 $0x1100  }
0xb8: {  	[tilespmem:s19], [sflag:$0x4] =	stream.indirect.gather [hbm4b:s3+s14], $0x80, s30, s14, $0xb8;
	[tilespmem:$0x11200] =	vst v63  }
0xb9: {  	s31 =	simm.s32 $0x1180  }
0xba: {  	[tilespmem:s20], [sflag:$0x5] =	stream.indirect.gather [hbm4b:s3+s14], $0x80, s31, s14, $0xb8;
	[tilespmem:$0x11200] =	vst v63  }
0xbb: {  	_ =	swait.ge [sflag:s21], $0x4000  }
0xbc: {  	[sflag:s21] =	ssyncset.done $0x0  }
0xbd: {  	[sflag:s21] =	ssyncadd.s32 $0xFFFFC000  }
0xbe: {  	[hbm4b:s12+s2] =	stream.linear.scatter [tilespmem:s17], [sflag:$0x6], $0x4000, $0x38;
	[tilespmem:$0x11200] =	vst v63  }
0xbf: {  	_ =	swait.ge [sflag:s22], $0x4000  }
0xc0: {  	[sflag:s22] =	ssyncset.done $0x0  }
0xc1: {  	s1 =	rddreg [dreg:$0xa];
	[sflag:s22] =	ssyncadd.s32 $0xFFFFC000  }
0xc2: {  	[hbm4b:s1+s2] =	stream.linear.scatter [tilespmem:s18], [sflag:$0x7], $0x4000, $0x38;
	[tilespmem:$0x11200] =	vst v63  }
0xc3: {  	_ =	swait.ge [sflag:s23], $0x4000  }
0xc4: {  	[sflag:s23] =	ssyncset.done $0x0  }
0xc5: {  	s29 =	rddreg [dreg:$0xb];
	[sflag:s23] =	ssyncadd.s32 $0xFFFFC000  }
0xc6: {  	[hbm4b:s29+s2] =	stream.linear.scatter [tilespmem:s19], [sflag:$0x6], $0x4000, $0x38;
	[tilespmem:$0x11200] =	vst v63  }
0xc7: {  	_ =	swait.ge [sflag:s24], $0x4000  }
0xc8: {  	[sflag:s24] =	ssyncset.done $0x0  }
0xc9: {  	s30 =	rddreg [dreg:$0xc];
	[sflag:s24] =	ssyncadd.s32 $0xFFFFC000  }
0xca: {  	[hbm4b:s30+s2] =	stream.linear.scatter [tilespmem:s20], [sflag:$0x7], $0x4000, $0x38;
	[tilespmem:$0x11200] =	vst v63  }
0xcb: {  	_ =	swait.ge [sflag:s25], $0x4000  }
0xcc: {  	[sflag:s25] =	ssyncset.done $0x0  }
0xcd: {  	[sflag:s25] =	ssyncadd.s32 $0xFFFFC000  }
0xce: {  	_ =	swait.ge [sflag:s26], $0x4000  }
0xcf: {  	[sflag:s26] =	ssyncset.done $0x0  }
0xd0: {  	[sflag:s26] =	ssyncadd.s32 $0xFFFFC000  }
0xd1: {  	_ =	swait.ge [sflag:s25], $0x4000  }
0xd2: {  	[sflag:s25] =	ssyncset.done $0x0  }
0xd3: {  	[sflag:s25] =	ssyncadd.s32 $0xFFFFC000  }
0xd4: {  	_ =	swait.ge [sflag:s26], $0x4000  }
0xd5: {  	s28 =	sadd.s32 $0x1, s28;
	s31 =	rddreg [dreg:$0xd]  }
0xd6: {  	p0 =	sne.s32 s28, s31  }
.Ltmp1:
0xd7: {  	_ = 	snop;
	(pc) =	sbr.rel @p0 .LBB2_1-.Ltmp1, $3  }
0xd8: {  	_ =	sdelay $0x1  }
0xd9: {  	[sflag:s26] =	ssyncset.done $0x0  }
0xda: {  	[sflag:s26] =	ssyncadd.s32 $0xFFFFC000  }
0xdb: {  	_ =	sfence.sel $0x180000  }
0xdc: {  	[bflag:$0x0] =	sbarrier.arrive $0xFFFF  }
0xdd: {  	_ =	strace $0x9000004A  }
0xde: {  	s0 =	stileid.u32;
	[bflag:$0x2] =	sbarrier.arrive $0xFFFF  }
0xdf: {  	p0 =	sne.s32 s0, $0x0;
	s0 =	rddreg [dreg:$0x2]  }
0xe0: {  	s0 =	sadd.s32 @!p0 $0x100000, s0  }
0xe1: {  	[sflag:s0] =	ssyncadd.tile.s32 @!p0 $0x1;
	_ =	shalt  }
.Lfunc_end2:
_tile_overlayer_lowered:
.L_overlay_start_2:
0xe2: {  	(tag) =	ssettag $0x2  }
0xe3: {  	s0 =	rddreg [dreg:$0x0];
	s2 =	stileid.u32  }
0xe4: {  	s1 =	rddreg [dreg:$0x1];
	p0 =	sne.s32 s2, $0x0  }
0xe5: {  	s3 =	rddreg [dreg:$0x2];
	[bflag:$0x3] =	sbarrier.arrive $0xFFFF;
	s2 =	simm.s32 @!p0 $0x1C08  }
0xe6: {  	[timem:s3], [sflag:s2] =	dma.local @!p0 [hbm:s0], s1  }
0xe7: {  	s0 =	simm.s32 @!p0 $0x8  }
0xe8: {  	_ =	swait.ge @!p0 [sflag:s0], s1  }
0xe9: {  	s1 =	ssub.s32 @!p0 $0x0, s1;
	[sflag:s0] =	ssyncset.done @!p0 $0x0  }
0xea: {  	[sflag:s0] =	ssyncadd.s32 @!p0 s1  }
0xeb: {  	[bflag:$0x3] =	sbarrier.arrive $0xFFFF  }
0xec: {  	_ =	shalt  }

</sc_bundles>
